<compile_context>
chip_gen: v7x
topology: tpu7x:2x2x1
jax: 0.10.2.dev20260603
libtpu: 0.0.44.dev20260713+nightly
codegen_flags: <defaults>
</compile_context>

<pallas_src>
import functools

import jax
import jax.numpy as jnp
from jax import lax
from jax.experimental import pallas as pl
from jax.experimental.pallas import tpu as pltpu
from jax.experimental.pallas import tpu_sc as plsc

B, S = 4, 8192
D = 64
A = 8
V = 12
VPAD = 16
ROW = A * D
N = B * S
TPR = 16
LWROWS = N // TPR

_info = plsc.get_sparse_core_info()
_NC, _NS = _info.num_cores, _info.num_subcores
NW = _NC * _NS
TPW = N // NW
CH = 64
NCH = TPW // CH


def _prep_body(dig_ref, eos_ref, empty_ref, off_ref, tok_ref, lwt_ref,
               tokw_ref, tbl_ref, lw_ref, tokoff_ref):
    rid = lax.broadcasted_iota(jnp.int32, (VPAD, D), 0)
    base = jnp.where(rid == 1, eos_ref[...], jnp.zeros((VPAD, D), jnp.float32))
    base = jnp.where(rid == 2, empty_ref[...], base)
    for k in range(V - 3):
        base = jnp.where(rid == 3 + k, dig_ref[k:k + 1, :], base)
    tbl = base[:, None, :] + off_ref[...][None, :, :]
    tbl_ref[...] = jnp.concatenate([tbl] * NW, axis=0)

    tokoff_ref[...] = (tokw_ref[...]
                       + lax.broadcasted_iota(jnp.int32, (NW, TPW), 0) * VPAD)

    toks = tok_ref[...].astype(jnp.float32)
    rep = (lax.broadcasted_iota(jnp.int32, (TPR, TPR * A), 1) // A
           == lax.broadcasted_iota(jnp.int32, (TPR, TPR * A), 0)
           ).astype(jnp.float32)
    trep = jax.lax.dot_general(toks, rep, (((1,), (0,)), ((), ())),
                               preferred_element_type=jnp.float32)
    lwt_tiled = jnp.concatenate([lwt_ref[...]] * TPR, axis=1)
    acc = jnp.where(trep == 0.0, lwt_tiled[0:1, :],
                    jnp.zeros((LWROWS, TPR * A), jnp.float32))
    for t in range(1, V):
        acc = jnp.where(trep == float(t), lwt_tiled[t:t + 1, :], acc)
    lw_ref[...] = acc


_prep = pl.pallas_call(
    _prep_body,
    out_shape=[
        jax.ShapeDtypeStruct((NW * VPAD, A, D), jnp.float32),
        jax.ShapeDtypeStruct((LWROWS, TPR * A), jnp.float32),
        jax.ShapeDtypeStruct((NW, TPW), jnp.int32),
    ],
)


def _sc_body(tbl_hbm, tok_hbm, atoms_hbm, idx_v, rows_v, sem_g0, sem_g1,
             sem_s0, sem_s1):
    wid = lax.axis_index("s") * _NC + lax.axis_index("c")
    row_base = wid * TPW
    pltpu.sync_copy(tok_hbm.at[wid], idx_v)
    gsems = (sem_g0, sem_g1)
    ssems = (sem_s0, sem_s1)

    def gather(j):
        return pltpu.make_async_copy(
            tbl_hbm.at[idx_v.at[pl.ds(j * CH, CH)]], rows_v.at[j % 2],
            gsems[j % 2])

    def drain(j):
        return pltpu.make_async_copy(
            rows_v.at[j % 2],
            atoms_hbm.at[pl.ds(row_base + j * CH, CH)],
            ssems[j % 2])

    for j in range(NCH):
        if j >= 2:
            drain(j - 2).wait()
        gather(j).start()
        gather(j).wait()
        drain(j).start()
    drain(NCH - 2).wait()
    drain(NCH - 1).wait()


_sc_gather = functools.partial(
    pl.kernel,
    mesh=plsc.VectorSubcoreMesh(core_axis_name="c", subcore_axis_name="s"),
    out_type=jax.ShapeDtypeStruct((N, ROW), jnp.float32),
    scratch_types=[
        pltpu.VMEM((TPW,), jnp.int32),
        pltpu.VMEM((2, CH, ROW), jnp.float32),
        pltpu.SemaphoreType.DMA,
        pltpu.SemaphoreType.DMA,
        pltpu.SemaphoreType.DMA,
        pltpu.SemaphoreType.DMA,
    ],
)(_sc_body)


def kernel(token_ids, digit_encoding, eos_embedding, empty_embedding,
           atom_offsets, log_weights_table):
    tok = token_ids.astype(jnp.int32)
    tbl3, lw_wide, tok_off = _prep(
        digit_encoding.astype(jnp.float32),
        eos_embedding.reshape(1, D).astype(jnp.float32),
        empty_embedding.reshape(1, D).astype(jnp.float32),
        atom_offsets.astype(jnp.float32),
        tok.reshape(LWROWS, TPR),
        log_weights_table.astype(jnp.float32),
        tok.reshape(NW, TPW),
    )
    atoms = _sc_gather(tbl3.reshape(NW * VPAD, ROW), tok_off)
    return atoms.reshape(B, S, A, D), lw_wide.reshape(B, S, A)


__all__ = ["kernel"]

# --- scband reference (transcript-rebuilt; emitter-appended) ---
"""Pipeline reference for scband-kmecategorical-embedding-90005334655131 (READ-ONLY COPY).

The authoritative reference and input builder live on the scoring server;
editing this copy changes nothing except your own understanding.
"""

import jax, jax.numpy as jnp
import numpy as np

B, S = 4, 8192
D_BASE = 64
NUM_ATOMS = 8
VOCAB_SIZE = 12
PAD_TOKEN, EOS_TOKEN, EMPTY_TOKEN, DIGIT_TOKEN_START = 0, 1, 2, 3
NUM_DIGITS = VOCAB_SIZE - DIGIT_TOKEN_START


def setup_inputs(seed: int = 0) -> dict:
    key = jax.random.key(seed)
    ks = jax.random.split(key, 6)
    token_ids = jax.random.randint(ks[0], (B, S), 0, VOCAB_SIZE)
    # orthogonal digit encoding via QR (buffer, non-trainable)
    rm = jax.random.normal(ks[1], (D_BASE, D_BASE), dtype=jnp.float32)
    Q, _ = jnp.linalg.qr(rm)
    digit_encoding = Q[:NUM_DIGITS]
    eos_embedding = jax.random.normal(ks[2], (D_BASE,), dtype=jnp.float32) * 0.5
    empty_embedding = jax.random.normal(ks[3], (D_BASE,), dtype=jnp.float32) * 0.5
    atom_offsets = jax.random.normal(ks[4], (NUM_ATOMS, D_BASE), dtype=jnp.float32) * 1.0
    log_weights_table = jax.random.normal(ks[5], (VOCAB_SIZE, NUM_ATOMS), dtype=jnp.float32) * 0.02
    return {
        "token_ids": token_ids,
        "digit_encoding": digit_encoding,
        "eos_embedding": eos_embedding,
        "empty_embedding": empty_embedding,
        "atom_offsets": atom_offsets,
        "log_weights_table": log_weights_table,
    }


def reference(token_ids, digit_encoding, eos_embedding, empty_embedding, atom_offsets, log_weights_table):
    b, s = token_ids.shape
    base = jnp.zeros((b, s, D_BASE), dtype=eos_embedding.dtype)
    eos_mask = (token_ids == EOS_TOKEN)[..., None]
    base = jnp.where(eos_mask, jnp.broadcast_to(eos_embedding, (b, s, D_BASE)), base)
    empty_mask = (token_ids == EMPTY_TOKEN)[..., None]
    base = jnp.where(empty_mask, jnp.broadcast_to(empty_embedding, (b, s, D_BASE)), base)
    digit_mask = (token_ids >= DIGIT_TOKEN_START)[..., None]
    digit_indices = jnp.clip(token_ids - DIGIT_TOKEN_START, 0, NUM_DIGITS - 1)
    digit_base = jnp.take(digit_encoding, digit_indices, axis=0)
    base = jnp.where(digit_mask, digit_base, base)
    atoms = base[:, :, None, :] + atom_offsets[None, None, :, :]
    log_weights = jnp.take(log_weights_table, token_ids, axis=0)
    return atoms, log_weights

if __name__ == "__main__":
    import jax
    _d = setup_inputs()
    print(jax.jit(kernel)(*tuple(_d.values())))

</pallas_src>

<mosaic_0001>
#map = affine_map<(d0, d1) -> (0, 0)>
module attributes {stable_mosaic.version = 14 : i64} {
  func.func @_sc_body(%arg0: i32, %arg1: i32, %arg2: memref<512x512xf32, #tpu.memory_space<hbm>>, %arg3: memref<32x1024xi32, #tpu.memory_space<hbm>>, %arg4: memref<32768x512xf32, #tpu.memory_space<hbm>>, %arg5: memref<1024xi32, #tpu.memory_space<vmem>>, %arg6: memref<2x64x512xf32, #tpu.memory_space<vmem>>, %arg7: memref<!tpu.dma_semaphore, #tpu.memory_space<semaphore_mem>>, %arg8: memref<!tpu.dma_semaphore, #tpu.memory_space<semaphore_mem>>, %arg9: memref<!tpu.dma_semaphore, #tpu.memory_space<semaphore_mem>>, %arg10: memref<!tpu.dma_semaphore, #tpu.memory_space<semaphore_mem>>) attributes {dimension_semantics = [#tpu.dimension_semantics<core_parallel>, #tpu.dimension_semantics<subcore_parallel>], iteration_bounds = array<i64: 2, 16>, scalar_prefetch = 0 : i64, scratch_operands = 6 : i64, tpu.core_type = #tpu.core_type<sc_vector_subcore>, window_params = [{transform_indices = #map}, {transform_indices = #map}, {transform_indices = #map}]} {
    %mul3A = arith.constant 2 : i32
    %mul3A_0 = arith.muli %arg1, %mul3A : i32
    %add3A = arith.addi %mul3A_0, %arg0 : i32
    %mul3A_1 = arith.constant 1024 : i32
    %mul3A_2 = arith.muli %add3A, %mul3A_1 : i32
    "tpu.region"() ({
      %run_scoped3A = tpu.sem_alloc : memref<!tpu.dma_semaphore, #tpu.memory_space<semaphore_mem>>
      %dma_start3A_801 = arith.constant 0 : i32
      %dma_start3A_802 = tpu.memref_slice %arg3[%add3A, %dma_start3A_801] : memref<32x1024xi32, #tpu.memory_space<hbm>> -> memref<1x1024xi32, #tpu.memory_space<hbm>>
      %dma_start3A_803 = tpu.memref_squeeze %dma_start3A_802 : memref<1x1024xi32, #tpu.memory_space<hbm>> -> memref<1024xi32, #tpu.memory_space<hbm>>
      %dma_start3A_804 = arith.constant 0 : i32
      %dma_start3A_805 = tpu.memref_slice %arg3[%add3A, %dma_start3A_804] : memref<32x1024xi32, #tpu.memory_space<hbm>> -> memref<1x1024xi32, #tpu.memory_space<hbm>>
      %dma_start3A_806 = tpu.memref_squeeze %dma_start3A_805 : memref<1x1024xi32, #tpu.memory_space<hbm>> -> memref<1024xi32, #tpu.memory_space<hbm>>
      tpu.enqueue_dma source(%dma_start3A_806 : memref<1024xi32, #tpu.memory_space<hbm>>) target(%arg5 : memref<1024xi32, #tpu.memory_space<vmem>>) target_semaphore(%run_scoped3A : memref<!tpu.dma_semaphore, #tpu.memory_space<semaphore_mem>>)
      %dma_wait3A_807 = arith.constant 0 : i32
      %dma_wait3A_808 = tpu.memref_slice %arg3[%add3A, %dma_wait3A_807] : memref<32x1024xi32, #tpu.memory_space<hbm>> -> memref<1x1024xi32, #tpu.memory_space<hbm>>
      %dma_wait3A_809 = tpu.memref_squeeze %dma_wait3A_808 : memref<1x1024xi32, #tpu.memory_space<hbm>> -> memref<1024xi32, #tpu.memory_space<hbm>>
      %dma_wait3A_810 = arith.constant 0 : i32
      %dma_wait3A_811 = tpu.memref_slice %arg3[%add3A, %dma_wait3A_810] : memref<32x1024xi32, #tpu.memory_space<hbm>> -> memref<1x1024xi32, #tpu.memory_space<hbm>>
      %dma_wait3A_812 = tpu.memref_squeeze %dma_wait3A_811 : memref<1x1024xi32, #tpu.memory_space<hbm>> -> memref<1024xi32, #tpu.memory_space<hbm>>
      tpu.wait_dma2 semaphore(%run_scoped3A : memref<!tpu.dma_semaphore, #tpu.memory_space<semaphore_mem>>) src(%dma_wait3A_812 : memref<1024xi32, #tpu.memory_space<hbm>>) dst(%arg5 : memref<1024xi32, #tpu.memory_space<vmem>>)
      tpu.yield
    }) : () -> ()
    %dma_start3A = arith.constant 0 : i32
    %dma_start3A_3 = arith.constant 0 : i32
    %dma_start3A_4 = arith.constant 0 : i32
    %dma_start3A_5 = tpu.memref_slice %arg6[%dma_start3A, %dma_start3A_3, %dma_start3A_4] : memref<2x64x512xf32, #tpu.memory_space<vmem>> -> memref<1x64x512xf32, #tpu.memory_space<vmem>>
    %dma_start3A_6 = tpu.memref_squeeze %dma_start3A_5 : memref<1x64x512xf32, #tpu.memory_space<vmem>> -> memref<64x512xf32, #tpu.memory_space<vmem>>
    %dma_start3A_7 = arith.constant 0 : i32
    %dma_start3A_8 = tpu.memref_slice %arg5[%dma_start3A_7] : memref<1024xi32, #tpu.memory_space<vmem>> -> memref<64xi32, #tpu.memory_space<vmem>>
    %dma_start3A_9 = arith.constant 0 : i32
    %dma_start3A_10 = arith.constant 0 : i32
    %dma_start3A_11 = tpu.memref_slice %arg2[%dma_start3A_9, %dma_start3A_10] : memref<512x512xf32, #tpu.memory_space<hbm>> -> memref<512x512xf32, #tpu.memory_space<hbm>>
    tpu.enqueue_indirect_dma source(%dma_start3A_11 : memref<512x512xf32, #tpu.memory_space<hbm>>) target(%dma_start3A_6 : memref<64x512xf32, #tpu.memory_space<vmem>>) offsets(%dma_start3A_8 : memref<64xi32, #tpu.memory_space<vmem>>) semaphore(%arg7 : memref<!tpu.dma_semaphore, #tpu.memory_space<semaphore_mem>>)
    %dma_wait3A = arith.constant 0 : i32
    %dma_wait3A_12 = arith.constant 0 : i32
    %dma_wait3A_13 = arith.constant 0 : i32
    %dma_wait3A_14 = tpu.memref_slice %arg6[%dma_wait3A, %dma_wait3A_12, %dma_wait3A_13] : memref<2x64x512xf32, #tpu.memory_space<vmem>> -> memref<1x64x512xf32, #tpu.memory_space<vmem>>
    %dma_wait3A_15 = tpu.memref_squeeze %dma_wait3A_14 : memref<1x64x512xf32, #tpu.memory_space<vmem>> -> memref<64x512xf32, #tpu.memory_space<vmem>>
    %dma_wait3A_16 = arith.constant 0 : i32
    %dma_wait3A_17 = tpu.memref_slice %arg5[%dma_wait3A_16] : memref<1024xi32, #tpu.memory_space<vmem>> -> memref<64xi32, #tpu.memory_space<vmem>>
    %dma_wait3A_18 = arith.constant 0 : i32
    %dma_wait3A_19 = arith.constant 0 : i32
    %dma_wait3A_20 = tpu.memref_slice %arg2[%dma_wait3A_18, %dma_wait3A_19] : memref<512x512xf32, #tpu.memory_space<hbm>> -> memref<512x512xf32, #tpu.memory_space<hbm>>
    tpu.wait_indirect_dma semaphore(%arg7 : memref<!tpu.dma_semaphore, #tpu.memory_space<semaphore_mem>>) src(%dma_wait3A_20 : memref<512x512xf32, #tpu.memory_space<hbm>>) dst(%dma_wait3A_15 : memref<64x512xf32, #tpu.memory_space<vmem>>)
    %add3A_21 = arith.constant 0 : i32
    %add3A_22 = arith.addi %mul3A_2, %add3A_21 : i32
    %dma_start3A_23 = arith.constant 0 : i32
    %dma_start3A_24 = arith.constant 0 : i32
    %dma_start3A_25 = arith.constant 0 : i32
    %dma_start3A_26 = tpu.memref_slice %arg6[%dma_start3A_23, %dma_start3A_24, %dma_start3A_25] : memref<2x64x512xf32, #tpu.memory_space<vmem>> -> memref<1x64x512xf32, #tpu.memory_space<vmem>>
    %dma_start3A_27 = tpu.memref_squeeze %dma_start3A_26 : memref<1x64x512xf32, #tpu.memory_space<vmem>> -> memref<64x512xf32, #tpu.memory_space<vmem>>
    %dma_start3A_28 = arith.constant 0 : i32
    %dma_start3A_29 = tpu.memref_slice %arg4[%add3A_22, %dma_start3A_28] : memref<32768x512xf32, #tpu.memory_space<hbm>> -> memref<64x512xf32, #tpu.memory_space<hbm>>
    %dma_start3A_30 = arith.constant 0 : i32
    %dma_start3A_31 = tpu.memref_slice %arg4[%add3A_22, %dma_start3A_30] : memref<32768x512xf32, #tpu.memory_space<hbm>> -> memref<64x512xf32, #tpu.memory_space<hbm>>
    %dma_start3A_32 = arith.constant 0 : i32
    %dma_start3A_33 = arith.constant 0 : i32
    %dma_start3A_34 = tpu.memref_slice %arg6[%dma_start3A_23, %dma_start3A_32, %dma_start3A_33] : memref<2x64x512xf32, #tpu.memory_space<vmem>> -> memref<1x64x512xf32, #tpu.memory_space<vmem>>
    %dma_start3A_35 = tpu.memref_squeeze %dma_start3A_34 : memref<1x64x512xf32, #tpu.memory_space<vmem>> -> memref<64x512xf32, #tpu.memory_space<vmem>>
    tpu.enqueue_dma source(%dma_start3A_35 : memref<64x512xf32, #tpu.memory_space<vmem>>) target(%dma_start3A_31 : memref<64x512xf32, #tpu.memory_space<hbm>>) target_semaphore(%arg9 : memref<!tpu.dma_semaphore, #tpu.memory_space<semaphore_mem>>)
    %dma_start3A_36 = arith.constant 1 : i32
    %dma_start3A_37 = arith.constant 0 : i32
    %dma_start3A_38 = arith.constant 0 : i32
    %dma_start3A_39 = tpu.memref_slice %arg6[%dma_start3A_36, %dma_start3A_37, %dma_start3A_38] : memref<2x64x512xf32, #tpu.memory_space<vmem>> -> memref<1x64x512xf32, #tpu.memory_space<vmem>>
    %dma_start3A_40 = tpu.memref_squeeze %dma_start3A_39 : memref<1x64x512xf32, #tpu.memory_space<vmem>> -> memref<64x512xf32, #tpu.memory_space<vmem>>
    %dma_start3A_41 = arith.constant 64 : i32
    %dma_start3A_42 = tpu.memref_slice %arg5[%dma_start3A_41] : memref<1024xi32, #tpu.memory_space<vmem>> -> memref<64xi32, #tpu.memory_space<vmem>>
    %dma_start3A_43 = arith.constant 0 : i32
    %dma_start3A_44 = arith.constant 0 : i32
    %dma_start3A_45 = tpu.memref_slice %arg2[%dma_start3A_43, %dma_start3A_44] : memref<512x512xf32, #tpu.memory_space<hbm>> -> memref<512x512xf32, #tpu.memory_space<hbm>>
    tpu.enqueue_indirect_dma source(%dma_start3A_45 : memref<512x512xf32, #tpu.memory_space<hbm>>) target(%dma_start3A_40 : memref<64x512xf32, #tpu.memory_space<vmem>>) offsets(%dma_start3A_42 : memref<64xi32, #tpu.memory_space<vmem>>) semaphore(%arg8 : memref<!tpu.dma_semaphore, #tpu.memory_space<semaphore_mem>>)
    %dma_wait3A_46 = arith.constant 1 : i32
    %dma_wait3A_47 = arith.constant 0 : i32
    %dma_wait3A_48 = arith.constant 0 : i32
    %dma_wait3A_49 = tpu.memref_slice %arg6[%dma_wait3A_46, %dma_wait3A_47, %dma_wait3A_48] : memref<2x64x512xf32, #tpu.memory_space<vmem>> -> memref<1x64x512xf32, #tpu.memory_space<vmem>>
    %dma_wait3A_50 = tpu.memref_squeeze %dma_wait3A_49 : memref<1x64x512xf32, #tpu.memory_space<vmem>> -> memref<64x512xf32, #tpu.memory_space<vmem>>
    %dma_wait3A_51 = arith.constant 64 : i32
    %dma_wait3A_52 = tpu.memref_slice %arg5[%dma_wait3A_51] : memref<1024xi32, #tpu.memory_space<vmem>> -> memref<64xi32, #tpu.memory_space<vmem>>
    %dma_wait3A_53 = arith.constant 0 : i32
    %dma_wait3A_54 = arith.constant 0 : i32
    %dma_wait3A_55 = tpu.memref_slice %arg2[%dma_wait3A_53, %dma_wait3A_54] : memref<512x512xf32, #tpu.memory_space<hbm>> -> memref<512x512xf32, #tpu.memory_space<hbm>>
    tpu.wait_indirect_dma semaphore(%arg8 : memref<!tpu.dma_semaphore, #tpu.memory_space<semaphore_mem>>) src(%dma_wait3A_55 : memref<512x512xf32, #tpu.memory_space<hbm>>) dst(%dma_wait3A_50 : memref<64x512xf32, #tpu.memory_space<vmem>>)
    %add3A_56 = arith.constant 64 : i32
    %add3A_57 = arith.addi %mul3A_2, %add3A_56 : i32
    %dma_start3A_58 = arith.constant 1 : i32
    %dma_start3A_59 = arith.constant 0 : i32
    %dma_start3A_60 = arith.constant 0 : i32
    %dma_start3A_61 = tpu.memref_slice %arg6[%dma_start3A_58, %dma_start3A_59, %dma_start3A_60] : memref<2x64x512xf32, #tpu.memory_space<vmem>> -> memref<1x64x512xf32, #tpu.memory_space<vmem>>
    %dma_start3A_62 = tpu.memref_squeeze %dma_start3A_61 : memref<1x64x512xf32, #tpu.memory_space<vmem>> -> memref<64x512xf32, #tpu.memory_space<vmem>>
    %dma_start3A_63 = arith.constant 0 : i32
    %dma_start3A_64 = tpu.memref_slice %arg4[%add3A_57, %dma_start3A_63] : memref<32768x512xf32, #tpu.memory_space<hbm>> -> memref<64x512xf32, #tpu.memory_space<hbm>>
    %dma_start3A_65 = arith.constant 0 : i32
    %dma_start3A_66 = tpu.memref_slice %arg4[%add3A_57, %dma_start3A_65] : memref<32768x512xf32, #tpu.memory_space<hbm>> -> memref<64x512xf32, #tpu.memory_space<hbm>>
    %dma_start3A_67 = arith.constant 0 : i32
    %dma_start3A_68 = arith.constant 0 : i32
    %dma_start3A_69 = tpu.memref_slice %arg6[%dma_start3A_58, %dma_start3A_67, %dma_start3A_68] : memref<2x64x512xf32, #tpu.memory_space<vmem>> -> memref<1x64x512xf32, #tpu.memory_space<vmem>>
    %dma_start3A_70 = tpu.memref_squeeze %dma_start3A_69 : memref<1x64x512xf32, #tpu.memory_space<vmem>> -> memref<64x512xf32, #tpu.memory_space<vmem>>
    tpu.enqueue_dma source(%dma_start3A_70 : memref<64x512xf32, #tpu.memory_space<vmem>>) target(%dma_start3A_66 : memref<64x512xf32, #tpu.memory_space<hbm>>) target_semaphore(%arg10 : memref<!tpu.dma_semaphore, #tpu.memory_space<semaphore_mem>>)
    %add3A_71 = arith.constant 0 : i32
    %add3A_72 = arith.addi %mul3A_2, %add3A_71 : i32
    %dma_wait3A_73 = arith.constant 0 : i32
    %dma_wait3A_74 = arith.constant 0 : i32
    %dma_wait3A_75 = arith.constant 0 : i32
    %dma_wait3A_76 = tpu.memref_slice %arg6[%dma_wait3A_73, %dma_wait3A_74, %dma_wait3A_75] : memref<2x64x512xf32, #tpu.memory_space<vmem>> -> memref<1x64x512xf32, #tpu.memory_space<vmem>>
    %dma_wait3A_77 = tpu.memref_squeeze %dma_wait3A_76 : memref<1x64x512xf32, #tpu.memory_space<vmem>> -> memref<64x512xf32, #tpu.memory_space<vmem>>
    %dma_wait3A_78 = arith.constant 0 : i32
    %dma_wait3A_79 = tpu.memref_slice %arg4[%add3A_72, %dma_wait3A_78] : memref<32768x512xf32, #tpu.memory_space<hbm>> -> memref<64x512xf32, #tpu.memory_space<hbm>>
    %dma_wait3A_80 = arith.constant 0 : i32
    %dma_wait3A_81 = tpu.memref_slice %arg4[%add3A_72, %dma_wait3A_80] : memref<32768x512xf32, #tpu.memory_space<hbm>> -> memref<64x512xf32, #tpu.memory_space<hbm>>
    %dma_wait3A_82 = arith.constant 0 : i32
    %dma_wait3A_83 = arith.constant 0 : i32
    %dma_wait3A_84 = tpu.memref_slice %arg6[%dma_wait3A_73, %dma_wait3A_82, %dma_wait3A_83] : memref<2x64x512xf32, #tpu.memory_space<vmem>> -> memref<1x64x512xf32, #tpu.memory_space<vmem>>
    %dma_wait3A_85 = tpu.memref_squeeze %dma_wait3A_84 : memref<1x64x512xf32, #tpu.memory_space<vmem>> -> memref<64x512xf32, #tpu.memory_space<vmem>>
    tpu.wait_dma2 semaphore(%arg9 : memref<!tpu.dma_semaphore, #tpu.memory_space<semaphore_mem>>) src(%dma_wait3A_85 : memref<64x512xf32, #tpu.memory_space<vmem>>) dst(%dma_wait3A_81 : memref<64x512xf32, #tpu.memory_space<hbm>>)
    %dma_start3A_86 = arith.constant 0 : i32
    %dma_start3A_87 = arith.constant 0 : i32
    %dma_start3A_88 = arith.constant 0 : i32
    %dma_start3A_89 = tpu.memref_slice %arg6[%dma_start3A_86, %dma_start3A_87, %dma_start3A_88] : memref<2x64x512xf32, #tpu.memory_space<vmem>> -> memref<1x64x512xf32, #tpu.memory_space<vmem>>
    %dma_start3A_90 = tpu.memref_squeeze %dma_start3A_89 : memref<1x64x512xf32, #tpu.memory_space<vmem>> -> memref<64x512xf32, #tpu.memory_space<vmem>>
    %dma_start3A_91 = arith.constant 128 : i32
    %dma_start3A_92 = tpu.memref_slice %arg5[%dma_start3A_91] : memref<1024xi32, #tpu.memory_space<vmem>> -> memref<64xi32, #tpu.memory_space<vmem>>
    %dma_start3A_93 = arith.constant 0 : i32
    %dma_start3A_94 = arith.constant 0 : i32
    %dma_start3A_95 = tpu.memref_slice %arg2[%dma_start3A_93, %dma_start3A_94] : memref<512x512xf32, #tpu.memory_space<hbm>> -> memref<512x512xf32, #tpu.memory_space<hbm>>
    tpu.enqueue_indirect_dma source(%dma_start3A_95 : memref<512x512xf32, #tpu.memory_space<hbm>>) target(%dma_start3A_90 : memref<64x512xf32, #tpu.memory_space<vmem>>) offsets(%dma_start3A_92 : memref<64xi32, #tpu.memory_space<vmem>>) semaphore(%arg7 : memref<!tpu.dma_semaphore, #tpu.memory_space<semaphore_mem>>)
    %dma_wait3A_96 = arith.constant 0 : i32
    %dma_wait3A_97 = arith.constant 0 : i32
    %dma_wait3A_98 = arith.constant 0 : i32
    %dma_wait3A_99 = tpu.memref_slice %arg6[%dma_wait3A_96, %dma_wait3A_97, %dma_wait3A_98] : memref<2x64x512xf32, #tpu.memory_space<vmem>> -> memref<1x64x512xf32, #tpu.memory_space<vmem>>
    %dma_wait3A_100 = tpu.memref_squeeze %dma_wait3A_99 : memref<1x64x512xf32, #tpu.memory_space<vmem>> -> memref<64x512xf32, #tpu.memory_space<vmem>>
    %dma_wait3A_101 = arith.constant 128 : i32
    %dma_wait3A_102 = tpu.memref_slice %arg5[%dma_wait3A_101] : memref<1024xi32, #tpu.memory_space<vmem>> -> memref<64xi32, #tpu.memory_space<vmem>>
    %dma_wait3A_103 = arith.constant 0 : i32
    %dma_wait3A_104 = arith.constant 0 : i32
    %dma_wait3A_105 = tpu.memref_slice %arg2[%dma_wait3A_103, %dma_wait3A_104] : memref<512x512xf32, #tpu.memory_space<hbm>> -> memref<512x512xf32, #tpu.memory_space<hbm>>
    tpu.wait_indirect_dma semaphore(%arg7 : memref<!tpu.dma_semaphore, #tpu.memory_space<semaphore_mem>>) src(%dma_wait3A_105 : memref<512x512xf32, #tpu.memory_space<hbm>>) dst(%dma_wait3A_100 : memref<64x512xf32, #tpu.memory_space<vmem>>)
    %add3A_106 = arith.constant 128 : i32
    %add3A_107 = arith.addi %mul3A_2, %add3A_106 : i32
    %dma_start3A_108 = arith.constant 0 : i32
    %dma_start3A_109 = arith.constant 0 : i32
    %dma_start3A_110 = arith.constant 0 : i32
    %dma_start3A_111 = tpu.memref_slice %arg6[%dma_start3A_108, %dma_start3A_109, %dma_start3A_110] : memref<2x64x512xf32, #tpu.memory_space<vmem>> -> memref<1x64x512xf32, #tpu.memory_space<vmem>>
    %dma_start3A_112 = tpu.memref_squeeze %dma_start3A_111 : memref<1x64x512xf32, #tpu.memory_space<vmem>> -> memref<64x512xf32, #tpu.memory_space<vmem>>
    %dma_start3A_113 = arith.constant 0 : i32
    %dma_start3A_114 = tpu.memref_slice %arg4[%add3A_107, %dma_start3A_113] : memref<32768x512xf32, #tpu.memory_space<hbm>> -> memref<64x512xf32, #tpu.memory_space<hbm>>
    %dma_start3A_115 = arith.constant 0 : i32
    %dma_start3A_116 = tpu.memref_slice %arg4[%add3A_107, %dma_start3A_115] : memref<32768x512xf32, #tpu.memory_space<hbm>> -> memref<64x512xf32, #tpu.memory_space<hbm>>
    %dma_start3A_117 = arith.constant 0 : i32
    %dma_start3A_118 = arith.constant 0 : i32
    %dma_start3A_119 = tpu.memref_slice %arg6[%dma_start3A_108, %dma_start3A_117, %dma_start3A_118] : memref<2x64x512xf32, #tpu.memory_space<vmem>> -> memref<1x64x512xf32, #tpu.memory_space<vmem>>
    %dma_start3A_120 = tpu.memref_squeeze %dma_start3A_119 : memref<1x64x512xf32, #tpu.memory_space<vmem>> -> memref<64x512xf32, #tpu.memory_space<vmem>>
    tpu.enqueue_dma source(%dma_start3A_120 : memref<64x512xf32, #tpu.memory_space<vmem>>) target(%dma_start3A_116 : memref<64x512xf32, #tpu.memory_space<hbm>>) target_semaphore(%arg9 : memref<!tpu.dma_semaphore, #tpu.memory_space<semaphore_mem>>)
    %add3A_121 = arith.constant 64 : i32
    %add3A_122 = arith.addi %mul3A_2, %add3A_121 : i32
    %dma_wait3A_123 = arith.constant 1 : i32
    %dma_wait3A_124 = arith.constant 0 : i32
    %dma_wait3A_125 = arith.constant 0 : i32
    %dma_wait3A_126 = tpu.memref_slice %arg6[%dma_wait3A_123, %dma_wait3A_124, %dma_wait3A_125] : memref<2x64x512xf32, #tpu.memory_space<vmem>> -> memref<1x64x512xf32, #tpu.memory_space<vmem>>
    %dma_wait3A_127 = tpu.memref_squeeze %dma_wait3A_126 : memref<1x64x512xf32, #tpu.memory_space<vmem>> -> memref<64x512xf32, #tpu.memory_space<vmem>>
    %dma_wait3A_128 = arith.constant 0 : i32
    %dma_wait3A_129 = tpu.memref_slice %arg4[%add3A_122, %dma_wait3A_128] : memref<32768x512xf32, #tpu.memory_space<hbm>> -> memref<64x512xf32, #tpu.memory_space<hbm>>
    %dma_wait3A_130 = arith.constant 0 : i32
    %dma_wait3A_131 = tpu.memref_slice %arg4[%add3A_122, %dma_wait3A_130] : memref<32768x512xf32, #tpu.memory_space<hbm>> -> memref<64x512xf32, #tpu.memory_space<hbm>>
    %dma_wait3A_132 = arith.constant 0 : i32
    %dma_wait3A_133 = arith.constant 0 : i32
    %dma_wait3A_134 = tpu.memref_slice %arg6[%dma_wait3A_123, %dma_wait3A_132, %dma_wait3A_133] : memref<2x64x512xf32, #tpu.memory_space<vmem>> -> memref<1x64x512xf32, #tpu.memory_space<vmem>>
    %dma_wait3A_135 = tpu.memref_squeeze %dma_wait3A_134 : memref<1x64x512xf32, #tpu.memory_space<vmem>> -> memref<64x512xf32, #tpu.memory_space<vmem>>
    tpu.wait_dma2 semaphore(%arg10 : memref<!tpu.dma_semaphore, #tpu.memory_space<semaphore_mem>>) src(%dma_wait3A_135 : memref<64x512xf32, #tpu.memory_space<vmem>>) dst(%dma_wait3A_131 : memref<64x512xf32, #tpu.memory_space<hbm>>)
    %dma_start3A_136 = arith.constant 1 : i32
    %dma_start3A_137 = arith.constant 0 : i32
    %dma_start3A_138 = arith.constant 0 : i32
    %dma_start3A_139 = tpu.memref_slice %arg6[%dma_start3A_136, %dma_start3A_137, %dma_start3A_138] : memref<2x64x512xf32, #tpu.memory_space<vmem>> -> memref<1x64x512xf32, #tpu.memory_space<vmem>>
    %dma_start3A_140 = tpu.memref_squeeze %dma_start3A_139 : memref<1x64x512xf32, #tpu.memory_space<vmem>> -> memref<64x512xf32, #tpu.memory_space<vmem>>
    %dma_start3A_141 = arith.constant 192 : i32
    %dma_start3A_142 = tpu.memref_slice %arg5[%dma_start3A_141] : memref<1024xi32, #tpu.memory_space<vmem>> -> memref<64xi32, #tpu.memory_space<vmem>>
    %dma_start3A_143 = arith.constant 0 : i32
    %dma_start3A_144 = arith.constant 0 : i32
    %dma_start3A_145 = tpu.memref_slice %arg2[%dma_start3A_143, %dma_start3A_144] : memref<512x512xf32, #tpu.memory_space<hbm>> -> memref<512x512xf32, #tpu.memory_space<hbm>>
    tpu.enqueue_indirect_dma source(%dma_start3A_145 : memref<512x512xf32, #tpu.memory_space<hbm>>) target(%dma_start3A_140 : memref<64x512xf32, #tpu.memory_space<vmem>>) offsets(%dma_start3A_142 : memref<64xi32, #tpu.memory_space<vmem>>) semaphore(%arg8 : memref<!tpu.dma_semaphore, #tpu.memory_space<semaphore_mem>>)
    %dma_wait3A_146 = arith.constant 1 : i32
    %dma_wait3A_147 = arith.constant 0 : i32
    %dma_wait3A_148 = arith.constant 0 : i32
    %dma_wait3A_149 = tpu.memref_slice %arg6[%dma_wait3A_146, %dma_wait3A_147, %dma_wait3A_148] : memref<2x64x512xf32, #tpu.memory_space<vmem>> -> memref<1x64x512xf32, #tpu.memory_space<vmem>>
    %dma_wait3A_150 = tpu.memref_squeeze %dma_wait3A_149 : memref<1x64x512xf32, #tpu.memory_space<vmem>> -> memref<64x512xf32, #tpu.memory_space<vmem>>
    %dma_wait3A_151 = arith.constant 192 : i32
    %dma_wait3A_152 = tpu.memref_slice %arg5[%dma_wait3A_151] : memref<1024xi32, #tpu.memory_space<vmem>> -> memref<64xi32, #tpu.memory_space<vmem>>
    %dma_wait3A_153 = arith.constant 0 : i32
    %dma_wait3A_154 = arith.constant 0 : i32
    %dma_wait3A_155 = tpu.memref_slice %arg2[%dma_wait3A_153, %dma_wait3A_154] : memref<512x512xf32, #tpu.memory_space<hbm>> -> memref<512x512xf32, #tpu.memory_space<hbm>>
    tpu.wait_indirect_dma semaphore(%arg8 : memref<!tpu.dma_semaphore, #tpu.memory_space<semaphore_mem>>) src(%dma_wait3A_155 : memref<512x512xf32, #tpu.memory_space<hbm>>) dst(%dma_wait3A_150 : memref<64x512xf32, #tpu.memory_space<vmem>>)
    %add3A_156 = arith.constant 192 : i32
    %add3A_157 = arith.addi %mul3A_2, %add3A_156 : i32
    %dma_start3A_158 = arith.constant 1 : i32
    %dma_start3A_159 = arith.constant 0 : i32
    %dma_start3A_160 = arith.constant 0 : i32
    %dma_start3A_161 = tpu.memref_slice %arg6[%dma_start3A_158, %dma_start3A_159, %dma_start3A_160] : memref<2x64x512xf32, #tpu.memory_space<vmem>> -> memref<1x64x512xf32, #tpu.memory_space<vmem>>
    %dma_start3A_162 = tpu.memref_squeeze %dma_start3A_161 : memref<1x64x512xf32, #tpu.memory_space<vmem>> -> memref<64x512xf32, #tpu.memory_space<vmem>>
    %dma_start3A_163 = arith.constant 0 : i32
    %dma_start3A_164 = tpu.memref_slice %arg4[%add3A_157, %dma_start3A_163] : memref<32768x512xf32, #tpu.memory_space<hbm>> -> memref<64x512xf32, #tpu.memory_space<hbm>>
    %dma_start3A_165 = arith.constant 0 : i32
    %dma_start3A_166 = tpu.memref_slice %arg4[%add3A_157, %dma_start3A_165] : memref<32768x512xf32, #tpu.memory_space<hbm>> -> memref<64x512xf32, #tpu.memory_space<hbm>>
    %dma_start3A_167 = arith.constant 0 : i32
    %dma_start3A_168 = arith.constant 0 : i32
    %dma_start3A_169 = tpu.memref_slice %arg6[%dma_start3A_158, %dma_start3A_167, %dma_start3A_168] : memref<2x64x512xf32, #tpu.memory_space<vmem>> -> memref<1x64x512xf32, #tpu.memory_space<vmem>>
    %dma_start3A_170 = tpu.memref_squeeze %dma_start3A_169 : memref<1x64x512xf32, #tpu.memory_space<vmem>> -> memref<64x512xf32, #tpu.memory_space<vmem>>
    tpu.enqueue_dma source(%dma_start3A_170 : memref<64x512xf32, #tpu.memory_space<vmem>>) target(%dma_start3A_166 : memref<64x512xf32, #tpu.memory_space<hbm>>) target_semaphore(%arg10 : memref<!tpu.dma_semaphore, #tpu.memory_space<semaphore_mem>>)
    %add3A_171 = arith.constant 128 : i32
    %add3A_172 = arith.addi %mul3A_2, %add3A_171 : i32
    %dma_wait3A_173 = arith.constant 0 : i32
    %dma_wait3A_174 = arith.constant 0 : i32
    %dma_wait3A_175 = arith.constant 0 : i32
    %dma_wait3A_176 = tpu.memref_slice %arg6[%dma_wait3A_173, %dma_wait3A_174, %dma_wait3A_175] : memref<2x64x512xf32, #tpu.memory_space<vmem>> -> memref<1x64x512xf32, #tpu.memory_space<vmem>>
    %dma_wait3A_177 = tpu.memref_squeeze %dma_wait3A_176 : memref<1x64x512xf32, #tpu.memory_space<vmem>> -> memref<64x512xf32, #tpu.memory_space<vmem>>
    %dma_wait3A_178 = arith.constant 0 : i32
    %dma_wait3A_179 = tpu.memref_slice %arg4[%add3A_172, %dma_wait3A_178] : memref<32768x512xf32, #tpu.memory_space<hbm>> -> memref<64x512xf32, #tpu.memory_space<hbm>>
    %dma_wait3A_180 = arith.constant 0 : i32
    %dma_wait3A_181 = tpu.memref_slice %arg4[%add3A_172, %dma_wait3A_180] : memref<32768x512xf32, #tpu.memory_space<hbm>> -> memref<64x512xf32, #tpu.memory_space<hbm>>
    %dma_wait3A_182 = arith.constant 0 : i32
    %dma_wait3A_183 = arith.constant 0 : i32
    %dma_wait3A_184 = tpu.memref_slice %arg6[%dma_wait3A_173, %dma_wait3A_182, %dma_wait3A_183] : memref<2x64x512xf32, #tpu.memory_space<vmem>> -> memref<1x64x512xf32, #tpu.memory_space<vmem>>
    %dma_wait3A_185 = tpu.memref_squeeze %dma_wait3A_184 : memref<1x64x512xf32, #tpu.memory_space<vmem>> -> memref<64x512xf32, #tpu.memory_space<vmem>>
    tpu.wait_dma2 semaphore(%arg9 : memref<!tpu.dma_semaphore, #tpu.memory_space<semaphore_mem>>) src(%dma_wait3A_185 : memref<64x512xf32, #tpu.memory_space<vmem>>) dst(%dma_wait3A_181 : memref<64x512xf32, #tpu.memory_space<hbm>>)
    %dma_start3A_186 = arith.constant 0 : i32
    %dma_start3A_187 = arith.constant 0 : i32
    %dma_start3A_188 = arith.constant 0 : i32
    %dma_start3A_189 = tpu.memref_slice %arg6[%dma_start3A_186, %dma_start3A_187, %dma_start3A_188] : memref<2x64x512xf32, #tpu.memory_space<vmem>> -> memref<1x64x512xf32, #tpu.memory_space<vmem>>
    %dma_start3A_190 = tpu.memref_squeeze %dma_start3A_189 : memref<1x64x512xf32, #tpu.memory_space<vmem>> -> memref<64x512xf32, #tpu.memory_space<vmem>>
    %dma_start3A_191 = arith.constant 256 : i32
    %dma_start3A_192 = tpu.memref_slice %arg5[%dma_start3A_191] : memref<1024xi32, #tpu.memory_space<vmem>> -> memref<64xi32, #tpu.memory_space<vmem>>
    %dma_start3A_193 = arith.constant 0 : i32
    %dma_start3A_194 = arith.constant 0 : i32
    %dma_start3A_195 = tpu.memref_slice %arg2[%dma_start3A_193, %dma_start3A_194] : memref<512x512xf32, #tpu.memory_space<hbm>> -> memref<512x512xf32, #tpu.memory_space<hbm>>
    tpu.enqueue_indirect_dma source(%dma_start3A_195 : memref<512x512xf32, #tpu.memory_space<hbm>>) target(%dma_start3A_190 : memref<64x512xf32, #tpu.memory_space<vmem>>) offsets(%dma_start3A_192 : memref<64xi32, #tpu.memory_space<vmem>>) semaphore(%arg7 : memref<!tpu.dma_semaphore, #tpu.memory_space<semaphore_mem>>)
    %dma_wait3A_196 = arith.constant 0 : i32
    %dma_wait3A_197 = arith.constant 0 : i32
    %dma_wait3A_198 = arith.constant 0 : i32
    %dma_wait3A_199 = tpu.memref_slice %arg6[%dma_wait3A_196, %dma_wait3A_197, %dma_wait3A_198] : memref<2x64x512xf32, #tpu.memory_space<vmem>> -> memref<1x64x512xf32, #tpu.memory_space<vmem>>
    %dma_wait3A_200 = tpu.memref_squeeze %dma_wait3A_199 : memref<1x64x512xf32, #tpu.memory_space<vmem>> -> memref<64x512xf32, #tpu.memory_space<vmem>>
    %dma_wait3A_201 = arith.constant 256 : i32
    %dma_wait3A_202 = tpu.memref_slice %arg5[%dma_wait3A_201] : memref<1024xi32, #tpu.memory_space<vmem>> -> memref<64xi32, #tpu.memory_space<vmem>>
    %dma_wait3A_203 = arith.constant 0 : i32
    %dma_wait3A_204 = arith.constant 0 : i32
    %dma_wait3A_205 = tpu.memref_slice %arg2[%dma_wait3A_203, %dma_wait3A_204] : memref<512x512xf32, #tpu.memory_space<hbm>> -> memref<512x512xf32, #tpu.memory_space<hbm>>
    tpu.wait_indirect_dma semaphore(%arg7 : memref<!tpu.dma_semaphore, #tpu.memory_space<semaphore_mem>>) src(%dma_wait3A_205 : memref<512x512xf32, #tpu.memory_space<hbm>>) dst(%dma_wait3A_200 : memref<64x512xf32, #tpu.memory_space<vmem>>)
    %add3A_206 = arith.constant 256 : i32
    %add3A_207 = arith.addi %mul3A_2, %add3A_206 : i32
    %dma_start3A_208 = arith.constant 0 : i32
    %dma_start3A_209 = arith.constant 0 : i32
    %dma_start3A_210 = arith.constant 0 : i32
    %dma_start3A_211 = tpu.memref_slice %arg6[%dma_start3A_208, %dma_start3A_209, %dma_start3A_210] : memref<2x64x512xf32, #tpu.memory_space<vmem>> -> memref<1x64x512xf32, #tpu.memory_space<vmem>>
    %dma_start3A_212 = tpu.memref_squeeze %dma_start3A_211 : memref<1x64x512xf32, #tpu.memory_space<vmem>> -> memref<64x512xf32, #tpu.memory_space<vmem>>
    %dma_start3A_213 = arith.constant 0 : i32
    %dma_start3A_214 = tpu.memref_slice %arg4[%add3A_207, %dma_start3A_213] : memref<32768x512xf32, #tpu.memory_space<hbm>> -> memref<64x512xf32, #tpu.memory_space<hbm>>
    %dma_start3A_215 = arith.constant 0 : i32
    %dma_start3A_216 = tpu.memref_slice %arg4[%add3A_207, %dma_start3A_215] : memref<32768x512xf32, #tpu.memory_space<hbm>> -> memref<64x512xf32, #tpu.memory_space<hbm>>
    %dma_start3A_217 = arith.constant 0 : i32
    %dma_start3A_218 = arith.constant 0 : i32
    %dma_start3A_219 = tpu.memref_slice %arg6[%dma_start3A_208, %dma_start3A_217, %dma_start3A_218] : memref<2x64x512xf32, #tpu.memory_space<vmem>> -> memref<1x64x512xf32, #tpu.memory_space<vmem>>
    %dma_start3A_220 = tpu.memref_squeeze %dma_start3A_219 : memref<1x64x512xf32, #tpu.memory_space<vmem>> -> memref<64x512xf32, #tpu.memory_space<vmem>>
    tpu.enqueue_dma source(%dma_start3A_220 : memref<64x512xf32, #tpu.memory_space<vmem>>) target(%dma_start3A_216 : memref<64x512xf32, #tpu.memory_space<hbm>>) target_semaphore(%arg9 : memref<!tpu.dma_semaphore, #tpu.memory_space<semaphore_mem>>)
    %add3A_221 = arith.constant 192 : i32
    %add3A_222 = arith.addi %mul3A_2, %add3A_221 : i32
    %dma_wait3A_223 = arith.constant 1 : i32
    %dma_wait3A_224 = arith.constant 0 : i32
    %dma_wait3A_225 = arith.constant 0 : i32
    %dma_wait3A_226 = tpu.memref_slice %arg6[%dma_wait3A_223, %dma_wait3A_224, %dma_wait3A_225] : memref<2x64x512xf32, #tpu.memory_space<vmem>> -> memref<1x64x512xf32, #tpu.memory_space<vmem>>
    %dma_wait3A_227 = tpu.memref_squeeze %dma_wait3A_226 : memref<1x64x512xf32, #tpu.memory_space<vmem>> -> memref<64x512xf32, #tpu.memory_space<vmem>>
    %dma_wait3A_228 = arith.constant 0 : i32
    %dma_wait3A_229 = tpu.memref_slice %arg4[%add3A_222, %dma_wait3A_228] : memref<32768x512xf32, #tpu.memory_space<hbm>> -> memref<64x512xf32, #tpu.memory_space<hbm>>
    %dma_wait3A_230 = arith.constant 0 : i32
    %dma_wait3A_231 = tpu.memref_slice %arg4[%add3A_222, %dma_wait3A_230] : memref<32768x512xf32, #tpu.memory_space<hbm>> -> memref<64x512xf32, #tpu.memory_space<hbm>>
    %dma_wait3A_232 = arith.constant 0 : i32
    %dma_wait3A_233 = arith.constant 0 : i32
    %dma_wait3A_234 = tpu.memref_slice %arg6[%dma_wait3A_223, %dma_wait3A_232, %dma_wait3A_233] : memref<2x64x512xf32, #tpu.memory_space<vmem>> -> memref<1x64x512xf32, #tpu.memory_space<vmem>>
    %dma_wait3A_235 = tpu.memref_squeeze %dma_wait3A_234 : memref<1x64x512xf32, #tpu.memory_space<vmem>> -> memref<64x512xf32, #tpu.memory_space<vmem>>
    tpu.wait_dma2 semaphore(%arg10 : memref<!tpu.dma_semaphore, #tpu.memory_space<semaphore_mem>>) src(%dma_wait3A_235 : memref<64x512xf32, #tpu.memory_space<vmem>>) dst(%dma_wait3A_231 : memref<64x512xf32, #tpu.memory_space<hbm>>)
    %dma_start3A_236 = arith.constant 1 : i32
    %dma_start3A_237 = arith.constant 0 : i32
    %dma_start3A_238 = arith.constant 0 : i32
    %dma_start3A_239 = tpu.memref_slice %arg6[%dma_start3A_236, %dma_start3A_237, %dma_start3A_238] : memref<2x64x512xf32, #tpu.memory_space<vmem>> -> memref<1x64x512xf32, #tpu.memory_space<vmem>>
    %dma_start3A_240 = tpu.memref_squeeze %dma_start3A_239 : memref<1x64x512xf32, #tpu.memory_space<vmem>> -> memref<64x512xf32, #tpu.memory_space<vmem>>
    %dma_start3A_241 = arith.constant 320 : i32
    %dma_start3A_242 = tpu.memref_slice %arg5[%dma_start3A_241] : memref<1024xi32, #tpu.memory_space<vmem>> -> memref<64xi32, #tpu.memory_space<vmem>>
    %dma_start3A_243 = arith.constant 0 : i32
    %dma_start3A_244 = arith.constant 0 : i32
    %dma_start3A_245 = tpu.memref_slice %arg2[%dma_start3A_243, %dma_start3A_244] : memref<512x512xf32, #tpu.memory_space<hbm>> -> memref<512x512xf32, #tpu.memory_space<hbm>>
    tpu.enqueue_indirect_dma source(%dma_start3A_245 : memref<512x512xf32, #tpu.memory_space<hbm>>) target(%dma_start3A_240 : memref<64x512xf32, #tpu.memory_space<vmem>>) offsets(%dma_start3A_242 : memref<64xi32, #tpu.memory_space<vmem>>) semaphore(%arg8 : memref<!tpu.dma_semaphore, #tpu.memory_space<semaphore_mem>>)
    %dma_wait3A_246 = arith.constant 1 : i32
    %dma_wait3A_247 = arith.constant 0 : i32
    %dma_wait3A_248 = arith.constant 0 : i32
    %dma_wait3A_249 = tpu.memref_slice %arg6[%dma_wait3A_246, %dma_wait3A_247, %dma_wait3A_248] : memref<2x64x512xf32, #tpu.memory_space<vmem>> -> memref<1x64x512xf32, #tpu.memory_space<vmem>>
    %dma_wait3A_250 = tpu.memref_squeeze %dma_wait3A_249 : memref<1x64x512xf32, #tpu.memory_space<vmem>> -> memref<64x512xf32, #tpu.memory_space<vmem>>
    %dma_wait3A_251 = arith.constant 320 : i32
    %dma_wait3A_252 = tpu.memref_slice %arg5[%dma_wait3A_251] : memref<1024xi32, #tpu.memory_space<vmem>> -> memref<64xi32, #tpu.memory_space<vmem>>
    %dma_wait3A_253 = arith.constant 0 : i32
    %dma_wait3A_254 = arith.constant 0 : i32
    %dma_wait3A_255 = tpu.memref_slice %arg2[%dma_wait3A_253, %dma_wait3A_254] : memref<512x512xf32, #tpu.memory_space<hbm>> -> memref<512x512xf32, #tpu.memory_space<hbm>>
    tpu.wait_indirect_dma semaphore(%arg8 : memref<!tpu.dma_semaphore, #tpu.memory_space<semaphore_mem>>) src(%dma_wait3A_255 : memref<512x512xf32, #tpu.memory_space<hbm>>) dst(%dma_wait3A_250 : memref<64x512xf32, #tpu.memory_space<vmem>>)
    %add3A_256 = arith.constant 320 : i32
    %add3A_257 = arith.addi %mul3A_2, %add3A_256 : i32
    %dma_start3A_258 = arith.constant 1 : i32
    %dma_start3A_259 = arith.constant 0 : i32
    %dma_start3A_260 = arith.constant 0 : i32
    %dma_start3A_261 = tpu.memref_slice %arg6[%dma_start3A_258, %dma_start3A_259, %dma_start3A_260] : memref<2x64x512xf32, #tpu.memory_space<vmem>> -> memref<1x64x512xf32, #tpu.memory_space<vmem>>
    %dma_start3A_262 = tpu.memref_squeeze %dma_start3A_261 : memref<1x64x512xf32, #tpu.memory_space<vmem>> -> memref<64x512xf32, #tpu.memory_space<vmem>>
    %dma_start3A_263 = arith.constant 0 : i32
    %dma_start3A_264 = tpu.memref_slice %arg4[%add3A_257, %dma_start3A_263] : memref<32768x512xf32, #tpu.memory_space<hbm>> -> memref<64x512xf32, #tpu.memory_space<hbm>>
    %dma_start3A_265 = arith.constant 0 : i32
    %dma_start3A_266 = tpu.memref_slice %arg4[%add3A_257, %dma_start3A_265] : memref<32768x512xf32, #tpu.memory_space<hbm>> -> memref<64x512xf32, #tpu.memory_space<hbm>>
    %dma_start3A_267 = arith.constant 0 : i32
    %dma_start3A_268 = arith.constant 0 : i32
    %dma_start3A_269 = tpu.memref_slice %arg6[%dma_start3A_258, %dma_start3A_267, %dma_start3A_268] : memref<2x64x512xf32, #tpu.memory_space<vmem>> -> memref<1x64x512xf32, #tpu.memory_space<vmem>>
    %dma_start3A_270 = tpu.memref_squeeze %dma_start3A_269 : memref<1x64x512xf32, #tpu.memory_space<vmem>> -> memref<64x512xf32, #tpu.memory_space<vmem>>
    tpu.enqueue_dma source(%dma_start3A_270 : memref<64x512xf32, #tpu.memory_space<vmem>>) target(%dma_start3A_266 : memref<64x512xf32, #tpu.memory_space<hbm>>) target_semaphore(%arg10 : memref<!tpu.dma_semaphore, #tpu.memory_space<semaphore_mem>>)
    %add3A_271 = arith.constant 256 : i32
    %add3A_272 = arith.addi %mul3A_2, %add3A_271 : i32
    %dma_wait3A_273 = arith.constant 0 : i32
    %dma_wait3A_274 = arith.constant 0 : i32
    %dma_wait3A_275 = arith.constant 0 : i32
    %dma_wait3A_276 = tpu.memref_slice %arg6[%dma_wait3A_273, %dma_wait3A_274, %dma_wait3A_275] : memref<2x64x512xf32, #tpu.memory_space<vmem>> -> memref<1x64x512xf32, #tpu.memory_space<vmem>>
    %dma_wait3A_277 = tpu.memref_squeeze %dma_wait3A_276 : memref<1x64x512xf32, #tpu.memory_space<vmem>> -> memref<64x512xf32, #tpu.memory_space<vmem>>
    %dma_wait3A_278 = arith.constant 0 : i32
    %dma_wait3A_279 = tpu.memref_slice %arg4[%add3A_272, %dma_wait3A_278] : memref<32768x512xf32, #tpu.memory_space<hbm>> -> memref<64x512xf32, #tpu.memory_space<hbm>>
    %dma_wait3A_280 = arith.constant 0 : i32
    %dma_wait3A_281 = tpu.memref_slice %arg4[%add3A_272, %dma_wait3A_280] : memref<32768x512xf32, #tpu.memory_space<hbm>> -> memref<64x512xf32, #tpu.memory_space<hbm>>
    %dma_wait3A_282 = arith.constant 0 : i32
    %dma_wait3A_283 = arith.constant 0 : i32
    %dma_wait3A_284 = tpu.memref_slice %arg6[%dma_wait3A_273, %dma_wait3A_282, %dma_wait3A_283] : memref<2x64x512xf32, #tpu.memory_space<vmem>> -> memref<1x64x512xf32, #tpu.memory_space<vmem>>
    %dma_wait3A_285 = tpu.memref_squeeze %dma_wait3A_284 : memref<1x64x512xf32, #tpu.memory_space<vmem>> -> memref<64x512xf32, #tpu.memory_space<vmem>>
    tpu.wait_dma2 semaphore(%arg9 : memref<!tpu.dma_semaphore, #tpu.memory_space<semaphore_mem>>) src(%dma_wait3A_285 : memref<64x512xf32, #tpu.memory_space<vmem>>) dst(%dma_wait3A_281 : memref<64x512xf32, #tpu.memory_space<hbm>>)
    %dma_start3A_286 = arith.constant 0 : i32
    %dma_start3A_287 = arith.constant 0 : i32
    %dma_start3A_288 = arith.constant 0 : i32
    %dma_start3A_289 = tpu.memref_slice %arg6[%dma_start3A_286, %dma_start3A_287, %dma_start3A_288] : memref<2x64x512xf32, #tpu.memory_space<vmem>> -> memref<1x64x512xf32, #tpu.memory_space<vmem>>
    %dma_start3A_290 = tpu.memref_squeeze %dma_start3A_289 : memref<1x64x512xf32, #tpu.memory_space<vmem>> -> memref<64x512xf32, #tpu.memory_space<vmem>>
    %dma_start3A_291 = arith.constant 384 : i32
    %dma_start3A_292 = tpu.memref_slice %arg5[%dma_start3A_291] : memref<1024xi32, #tpu.memory_space<vmem>> -> memref<64xi32, #tpu.memory_space<vmem>>
    %dma_start3A_293 = arith.constant 0 : i32
    %dma_start3A_294 = arith.constant 0 : i32
    %dma_start3A_295 = tpu.memref_slice %arg2[%dma_start3A_293, %dma_start3A_294] : memref<512x512xf32, #tpu.memory_space<hbm>> -> memref<512x512xf32, #tpu.memory_space<hbm>>
    tpu.enqueue_indirect_dma source(%dma_start3A_295 : memref<512x512xf32, #tpu.memory_space<hbm>>) target(%dma_start3A_290 : memref<64x512xf32, #tpu.memory_space<vmem>>) offsets(%dma_start3A_292 : memref<64xi32, #tpu.memory_space<vmem>>) semaphore(%arg7 : memref<!tpu.dma_semaphore, #tpu.memory_space<semaphore_mem>>)
    %dma_wait3A_296 = arith.constant 0 : i32
    %dma_wait3A_297 = arith.constant 0 : i32
    %dma_wait3A_298 = arith.constant 0 : i32
    %dma_wait3A_299 = tpu.memref_slice %arg6[%dma_wait3A_296, %dma_wait3A_297, %dma_wait3A_298] : memref<2x64x512xf32, #tpu.memory_space<vmem>> -> memref<1x64x512xf32, #tpu.memory_space<vmem>>
    %dma_wait3A_300 = tpu.memref_squeeze %dma_wait3A_299 : memref<1x64x512xf32, #tpu.memory_space<vmem>> -> memref<64x512xf32, #tpu.memory_space<vmem>>
    %dma_wait3A_301 = arith.constant 384 : i32
    %dma_wait3A_302 = tpu.memref_slice %arg5[%dma_wait3A_301] : memref<1024xi32, #tpu.memory_space<vmem>> -> memref<64xi32, #tpu.memory_space<vmem>>
    %dma_wait3A_303 = arith.constant 0 : i32
    %dma_wait3A_304 = arith.constant 0 : i32
    %dma_wait3A_305 = tpu.memref_slice %arg2[%dma_wait3A_303, %dma_wait3A_304] : memref<512x512xf32, #tpu.memory_space<hbm>> -> memref<512x512xf32, #tpu.memory_space<hbm>>
    tpu.wait_indirect_dma semaphore(%arg7 : memref<!tpu.dma_semaphore, #tpu.memory_space<semaphore_mem>>) src(%dma_wait3A_305 : memref<512x512xf32, #tpu.memory_space<hbm>>) dst(%dma_wait3A_300 : memref<64x512xf32, #tpu.memory_space<vmem>>)
    %add3A_306 = arith.constant 384 : i32
    %add3A_307 = arith.addi %mul3A_2, %add3A_306 : i32
    %dma_start3A_308 = arith.constant 0 : i32
    %dma_start3A_309 = arith.constant 0 : i32
    %dma_start3A_310 = arith.constant 0 : i32
    %dma_start3A_311 = tpu.memref_slice %arg6[%dma_start3A_308, %dma_start3A_309, %dma_start3A_310] : memref<2x64x512xf32, #tpu.memory_space<vmem>> -> memref<1x64x512xf32, #tpu.memory_space<vmem>>
    %dma_start3A_312 = tpu.memref_squeeze %dma_start3A_311 : memref<1x64x512xf32, #tpu.memory_space<vmem>> -> memref<64x512xf32, #tpu.memory_space<vmem>>
    %dma_start3A_313 = arith.constant 0 : i32
    %dma_start3A_314 = tpu.memref_slice %arg4[%add3A_307, %dma_start3A_313] : memref<32768x512xf32, #tpu.memory_space<hbm>> -> memref<64x512xf32, #tpu.memory_space<hbm>>
    %dma_start3A_315 = arith.constant 0 : i32
    %dma_start3A_316 = tpu.memref_slice %arg4[%add3A_307, %dma_start3A_315] : memref<32768x512xf32, #tpu.memory_space<hbm>> -> memref<64x512xf32, #tpu.memory_space<hbm>>
    %dma_start3A_317 = arith.constant 0 : i32
    %dma_start3A_318 = arith.constant 0 : i32
    %dma_start3A_319 = tpu.memref_slice %arg6[%dma_start3A_308, %dma_start3A_317, %dma_start3A_318] : memref<2x64x512xf32, #tpu.memory_space<vmem>> -> memref<1x64x512xf32, #tpu.memory_space<vmem>>
    %dma_start3A_320 = tpu.memref_squeeze %dma_start3A_319 : memref<1x64x512xf32, #tpu.memory_space<vmem>> -> memref<64x512xf32, #tpu.memory_space<vmem>>
    tpu.enqueue_dma source(%dma_start3A_320 : memref<64x512xf32, #tpu.memory_space<vmem>>) target(%dma_start3A_316 : memref<64x512xf32, #tpu.memory_space<hbm>>) target_semaphore(%arg9 : memref<!tpu.dma_semaphore, #tpu.memory_space<semaphore_mem>>)
    %add3A_321 = arith.constant 320 : i32
    %add3A_322 = arith.addi %mul3A_2, %add3A_321 : i32
    %dma_wait3A_323 = arith.constant 1 : i32
    %dma_wait3A_324 = arith.constant 0 : i32
    %dma_wait3A_325 = arith.constant 0 : i32
    %dma_wait3A_326 = tpu.memref_slice %arg6[%dma_wait3A_323, %dma_wait3A_324, %dma_wait3A_325] : memref<2x64x512xf32, #tpu.memory_space<vmem>> -> memref<1x64x512xf32, #tpu.memory_space<vmem>>
    %dma_wait3A_327 = tpu.memref_squeeze %dma_wait3A_326 : memref<1x64x512xf32, #tpu.memory_space<vmem>> -> memref<64x512xf32, #tpu.memory_space<vmem>>
    %dma_wait3A_328 = arith.constant 0 : i32
    %dma_wait3A_329 = tpu.memref_slice %arg4[%add3A_322, %dma_wait3A_328] : memref<32768x512xf32, #tpu.memory_space<hbm>> -> memref<64x512xf32, #tpu.memory_space<hbm>>
    %dma_wait3A_330 = arith.constant 0 : i32
    %dma_wait3A_331 = tpu.memref_slice %arg4[%add3A_322, %dma_wait3A_330] : memref<32768x512xf32, #tpu.memory_space<hbm>> -> memref<64x512xf32, #tpu.memory_space<hbm>>
    %dma_wait3A_332 = arith.constant 0 : i32
    %dma_wait3A_333 = arith.constant 0 : i32
    %dma_wait3A_334 = tpu.memref_slice %arg6[%dma_wait3A_323, %dma_wait3A_332, %dma_wait3A_333] : memref<2x64x512xf32, #tpu.memory_space<vmem>> -> memref<1x64x512xf32, #tpu.memory_space<vmem>>
    %dma_wait3A_335 = tpu.memref_squeeze %dma_wait3A_334 : memref<1x64x512xf32, #tpu.memory_space<vmem>> -> memref<64x512xf32, #tpu.memory_space<vmem>>
    tpu.wait_dma2 semaphore(%arg10 : memref<!tpu.dma_semaphore, #tpu.memory_space<semaphore_mem>>) src(%dma_wait3A_335 : memref<64x512xf32, #tpu.memory_space<vmem>>) dst(%dma_wait3A_331 : memref<64x512xf32, #tpu.memory_space<hbm>>)
    %dma_start3A_336 = arith.constant 1 : i32
    %dma_start3A_337 = arith.constant 0 : i32
    %dma_start3A_338 = arith.constant 0 : i32
    %dma_start3A_339 = tpu.memref_slice %arg6[%dma_start3A_336, %dma_start3A_337, %dma_start3A_338] : memref<2x64x512xf32, #tpu.memory_space<vmem>> -> memref<1x64x512xf32, #tpu.memory_space<vmem>>
    %dma_start3A_340 = tpu.memref_squeeze %dma_start3A_339 : memref<1x64x512xf32, #tpu.memory_space<vmem>> -> memref<64x512xf32, #tpu.memory_space<vmem>>
    %dma_start3A_341 = arith.constant 448 : i32
    %dma_start3A_342 = tpu.memref_slice %arg5[%dma_start3A_341] : memref<1024xi32, #tpu.memory_space<vmem>> -> memref<64xi32, #tpu.memory_space<vmem>>
    %dma_start3A_343 = arith.constant 0 : i32
    %dma_start3A_344 = arith.constant 0 : i32
    %dma_start3A_345 = tpu.memref_slice %arg2[%dma_start3A_343, %dma_start3A_344] : memref<512x512xf32, #tpu.memory_space<hbm>> -> memref<512x512xf32, #tpu.memory_space<hbm>>
    tpu.enqueue_indirect_dma source(%dma_start3A_345 : memref<512x512xf32, #tpu.memory_space<hbm>>) target(%dma_start3A_340 : memref<64x512xf32, #tpu.memory_space<vmem>>) offsets(%dma_start3A_342 : memref<64xi32, #tpu.memory_space<vmem>>) semaphore(%arg8 : memref<!tpu.dma_semaphore, #tpu.memory_space<semaphore_mem>>)
    %dma_wait3A_346 = arith.constant 1 : i32
    %dma_wait3A_347 = arith.constant 0 : i32
    %dma_wait3A_348 = arith.constant 0 : i32
    %dma_wait3A_349 = tpu.memref_slice %arg6[%dma_wait3A_346, %dma_wait3A_347, %dma_wait3A_348] : memref<2x64x512xf32, #tpu.memory_space<vmem>> -> memref<1x64x512xf32, #tpu.memory_space<vmem>>
    %dma_wait3A_350 = tpu.memref_squeeze %dma_wait3A_349 : memref<1x64x512xf32, #tpu.memory_space<vmem>> -> memref<64x512xf32, #tpu.memory_space<vmem>>
    %dma_wait3A_351 = arith.constant 448 : i32
    %dma_wait3A_352 = tpu.memref_slice %arg5[%dma_wait3A_351] : memref<1024xi32, #tpu.memory_space<vmem>> -> memref<64xi32, #tpu.memory_space<vmem>>
    %dma_wait3A_353 = arith.constant 0 : i32
    %dma_wait3A_354 = arith.constant 0 : i32
    %dma_wait3A_355 = tpu.memref_slice %arg2[%dma_wait3A_353, %dma_wait3A_354] : memref<512x512xf32, #tpu.memory_space<hbm>> -> memref<512x512xf32, #tpu.memory_space<hbm>>
    tpu.wait_indirect_dma semaphore(%arg8 : memref<!tpu.dma_semaphore, #tpu.memory_space<semaphore_mem>>) src(%dma_wait3A_355 : memref<512x512xf32, #tpu.memory_space<hbm>>) dst(%dma_wait3A_350 : memref<64x512xf32, #tpu.memory_space<vmem>>)
    %add3A_356 = arith.constant 448 : i32
    %add3A_357 = arith.addi %mul3A_2, %add3A_356 : i32
    %dma_start3A_358 = arith.constant 1 : i32
    %dma_start3A_359 = arith.constant 0 : i32
    %dma_start3A_360 = arith.constant 0 : i32
    %dma_start3A_361 = tpu.memref_slice %arg6[%dma_start3A_358, %dma_start3A_359, %dma_start3A_360] : memref<2x64x512xf32, #tpu.memory_space<vmem>> -> memref<1x64x512xf32, #tpu.memory_space<vmem>>
    %dma_start3A_362 = tpu.memref_squeeze %dma_start3A_361 : memref<1x64x512xf32, #tpu.memory_space<vmem>> -> memref<64x512xf32, #tpu.memory_space<vmem>>
    %dma_start3A_363 = arith.constant 0 : i32
    %dma_start3A_364 = tpu.memref_slice %arg4[%add3A_357, %dma_start3A_363] : memref<32768x512xf32, #tpu.memory_space<hbm>> -> memref<64x512xf32, #tpu.memory_space<hbm>>
    %dma_start3A_365 = arith.constant 0 : i32
    %dma_start3A_366 = tpu.memref_slice %arg4[%add3A_357, %dma_start3A_365] : memref<32768x512xf32, #tpu.memory_space<hbm>> -> memref<64x512xf32, #tpu.memory_space<hbm>>
    %dma_start3A_367 = arith.constant 0 : i32
    %dma_start3A_368 = arith.constant 0 : i32
    %dma_start3A_369 = tpu.memref_slice %arg6[%dma_start3A_358, %dma_start3A_367, %dma_start3A_368] : memref<2x64x512xf32, #tpu.memory_space<vmem>> -> memref<1x64x512xf32, #tpu.memory_space<vmem>>
    %dma_start3A_370 = tpu.memref_squeeze %dma_start3A_369 : memref<1x64x512xf32, #tpu.memory_space<vmem>> -> memref<64x512xf32, #tpu.memory_space<vmem>>
    tpu.enqueue_dma source(%dma_start3A_370 : memref<64x512xf32, #tpu.memory_space<vmem>>) target(%dma_start3A_366 : memref<64x512xf32, #tpu.memory_space<hbm>>) target_semaphore(%arg10 : memref<!tpu.dma_semaphore, #tpu.memory_space<semaphore_mem>>)
    %add3A_371 = arith.constant 384 : i32
    %add3A_372 = arith.addi %mul3A_2, %add3A_371 : i32
    %dma_wait3A_373 = arith.constant 0 : i32
    %dma_wait3A_374 = arith.constant 0 : i32
    %dma_wait3A_375 = arith.constant 0 : i32
    %dma_wait3A_376 = tpu.memref_slice %arg6[%dma_wait3A_373, %dma_wait3A_374, %dma_wait3A_375] : memref<2x64x512xf32, #tpu.memory_space<vmem>> -> memref<1x64x512xf32, #tpu.memory_space<vmem>>
    %dma_wait3A_377 = tpu.memref_squeeze %dma_wait3A_376 : memref<1x64x512xf32, #tpu.memory_space<vmem>> -> memref<64x512xf32, #tpu.memory_space<vmem>>
    %dma_wait3A_378 = arith.constant 0 : i32
    %dma_wait3A_379 = tpu.memref_slice %arg4[%add3A_372, %dma_wait3A_378] : memref<32768x512xf32, #tpu.memory_space<hbm>> -> memref<64x512xf32, #tpu.memory_space<hbm>>
    %dma_wait3A_380 = arith.constant 0 : i32
    %dma_wait3A_381 = tpu.memref_slice %arg4[%add3A_372, %dma_wait3A_380] : memref<32768x512xf32, #tpu.memory_space<hbm>> -> memref<64x512xf32, #tpu.memory_space<hbm>>
    %dma_wait3A_382 = arith.constant 0 : i32
    %dma_wait3A_383 = arith.constant 0 : i32
    %dma_wait3A_384 = tpu.memref_slice %arg6[%dma_wait3A_373, %dma_wait3A_382, %dma_wait3A_383] : memref<2x64x512xf32, #tpu.memory_space<vmem>> -> memref<1x64x512xf32, #tpu.memory_space<vmem>>
    %dma_wait3A_385 = tpu.memref_squeeze %dma_wait3A_384 : memref<1x64x512xf32, #tpu.memory_space<vmem>> -> memref<64x512xf32, #tpu.memory_space<vmem>>
    tpu.wait_dma2 semaphore(%arg9 : memref<!tpu.dma_semaphore, #tpu.memory_space<semaphore_mem>>) src(%dma_wait3A_385 : memref<64x512xf32, #tpu.memory_space<vmem>>) dst(%dma_wait3A_381 : memref<64x512xf32, #tpu.memory_space<hbm>>)
    %dma_start3A_386 = arith.constant 0 : i32
    %dma_start3A_387 = arith.constant 0 : i32
    %dma_start3A_388 = arith.constant 0 : i32
    %dma_start3A_389 = tpu.memref_slice %arg6[%dma_start3A_386, %dma_start3A_387, %dma_start3A_388] : memref<2x64x512xf32, #tpu.memory_space<vmem>> -> memref<1x64x512xf32, #tpu.memory_space<vmem>>
    %dma_start3A_390 = tpu.memref_squeeze %dma_start3A_389 : memref<1x64x512xf32, #tpu.memory_space<vmem>> -> memref<64x512xf32, #tpu.memory_space<vmem>>
    %dma_start3A_391 = arith.constant 512 : i32
    %dma_start3A_392 = tpu.memref_slice %arg5[%dma_start3A_391] : memref<1024xi32, #tpu.memory_space<vmem>> -> memref<64xi32, #tpu.memory_space<vmem>>
    %dma_start3A_393 = arith.constant 0 : i32
    %dma_start3A_394 = arith.constant 0 : i32
    %dma_start3A_395 = tpu.memref_slice %arg2[%dma_start3A_393, %dma_start3A_394] : memref<512x512xf32, #tpu.memory_space<hbm>> -> memref<512x512xf32, #tpu.memory_space<hbm>>
    tpu.enqueue_indirect_dma source(%dma_start3A_395 : memref<512x512xf32, #tpu.memory_space<hbm>>) target(%dma_start3A_390 : memref<64x512xf32, #tpu.memory_space<vmem>>) offsets(%dma_start3A_392 : memref<64xi32, #tpu.memory_space<vmem>>) semaphore(%arg7 : memref<!tpu.dma_semaphore, #tpu.memory_space<semaphore_mem>>)
    %dma_wait3A_396 = arith.constant 0 : i32
    %dma_wait3A_397 = arith.constant 0 : i32
    %dma_wait3A_398 = arith.constant 0 : i32
    %dma_wait3A_399 = tpu.memref_slice %arg6[%dma_wait3A_396, %dma_wait3A_397, %dma_wait3A_398] : memref<2x64x512xf32, #tpu.memory_space<vmem>> -> memref<1x64x512xf32, #tpu.memory_space<vmem>>
    %dma_wait3A_400 = tpu.memref_squeeze %dma_wait3A_399 : memref<1x64x512xf32, #tpu.memory_space<vmem>> -> memref<64x512xf32, #tpu.memory_space<vmem>>
    %dma_wait3A_401 = arith.constant 512 : i32
    %dma_wait3A_402 = tpu.memref_slice %arg5[%dma_wait3A_401] : memref<1024xi32, #tpu.memory_space<vmem>> -> memref<64xi32, #tpu.memory_space<vmem>>
    %dma_wait3A_403 = arith.constant 0 : i32
    %dma_wait3A_404 = arith.constant 0 : i32
    %dma_wait3A_405 = tpu.memref_slice %arg2[%dma_wait3A_403, %dma_wait3A_404] : memref<512x512xf32, #tpu.memory_space<hbm>> -> memref<512x512xf32, #tpu.memory_space<hbm>>
    tpu.wait_indirect_dma semaphore(%arg7 : memref<!tpu.dma_semaphore, #tpu.memory_space<semaphore_mem>>) src(%dma_wait3A_405 : memref<512x512xf32, #tpu.memory_space<hbm>>) dst(%dma_wait3A_400 : memref<64x512xf32, #tpu.memory_space<vmem>>)
    %add3A_406 = arith.constant 512 : i32
    %add3A_407 = arith.addi %mul3A_2, %add3A_406 : i32
    %dma_start3A_408 = arith.constant 0 : i32
    %dma_start3A_409 = arith.constant 0 : i32
    %dma_start3A_410 = arith.constant 0 : i32
    %dma_start3A_411 = tpu.memref_slice %arg6[%dma_start3A_408, %dma_start3A_409, %dma_start3A_410] : memref<2x64x512xf32, #tpu.memory_space<vmem>> -> memref<1x64x512xf32, #tpu.memory_space<vmem>>
    %dma_start3A_412 = tpu.memref_squeeze %dma_start3A_411 : memref<1x64x512xf32, #tpu.memory_space<vmem>> -> memref<64x512xf32, #tpu.memory_space<vmem>>
    %dma_start3A_413 = arith.constant 0 : i32
    %dma_start3A_414 = tpu.memref_slice %arg4[%add3A_407, %dma_start3A_413] : memref<32768x512xf32, #tpu.memory_space<hbm>> -> memref<64x512xf32, #tpu.memory_space<hbm>>
    %dma_start3A_415 = arith.constant 0 : i32
    %dma_start3A_416 = tpu.memref_slice %arg4[%add3A_407, %dma_start3A_415] : memref<32768x512xf32, #tpu.memory_space<hbm>> -> memref<64x512xf32, #tpu.memory_space<hbm>>
    %dma_start3A_417 = arith.constant 0 : i32
    %dma_start3A_418 = arith.constant 0 : i32
    %dma_start3A_419 = tpu.memref_slice %arg6[%dma_start3A_408, %dma_start3A_417, %dma_start3A_418] : memref<2x64x512xf32, #tpu.memory_space<vmem>> -> memref<1x64x512xf32, #tpu.memory_space<vmem>>
    %dma_start3A_420 = tpu.memref_squeeze %dma_start3A_419 : memref<1x64x512xf32, #tpu.memory_space<vmem>> -> memref<64x512xf32, #tpu.memory_space<vmem>>
    tpu.enqueue_dma source(%dma_start3A_420 : memref<64x512xf32, #tpu.memory_space<vmem>>) target(%dma_start3A_416 : memref<64x512xf32, #tpu.memory_space<hbm>>) target_semaphore(%arg9 : memref<!tpu.dma_semaphore, #tpu.memory_space<semaphore_mem>>)
    %add3A_421 = arith.constant 448 : i32
    %add3A_422 = arith.addi %mul3A_2, %add3A_421 : i32
    %dma_wait3A_423 = arith.constant 1 : i32
    %dma_wait3A_424 = arith.constant 0 : i32
    %dma_wait3A_425 = arith.constant 0 : i32
    %dma_wait3A_426 = tpu.memref_slice %arg6[%dma_wait3A_423, %dma_wait3A_424, %dma_wait3A_425] : memref<2x64x512xf32, #tpu.memory_space<vmem>> -> memref<1x64x512xf32, #tpu.memory_space<vmem>>
    %dma_wait3A_427 = tpu.memref_squeeze %dma_wait3A_426 : memref<1x64x512xf32, #tpu.memory_space<vmem>> -> memref<64x512xf32, #tpu.memory_space<vmem>>
    %dma_wait3A_428 = arith.constant 0 : i32
    %dma_wait3A_429 = tpu.memref_slice %arg4[%add3A_422, %dma_wait3A_428] : memref<32768x512xf32, #tpu.memory_space<hbm>> -> memref<64x512xf32, #tpu.memory_space<hbm>>
    %dma_wait3A_430 = arith.constant 0 : i32
    %dma_wait3A_431 = tpu.memref_slice %arg4[%add3A_422, %dma_wait3A_430] : memref<32768x512xf32, #tpu.memory_space<hbm>> -> memref<64x512xf32, #tpu.memory_space<hbm>>
    %dma_wait3A_432 = arith.constant 0 : i32
    %dma_wait3A_433 = arith.constant 0 : i32
    %dma_wait3A_434 = tpu.memref_slice %arg6[%dma_wait3A_423, %dma_wait3A_432, %dma_wait3A_433] : memref<2x64x512xf32, #tpu.memory_space<vmem>> -> memref<1x64x512xf32, #tpu.memory_space<vmem>>
    %dma_wait3A_435 = tpu.memref_squeeze %dma_wait3A_434 : memref<1x64x512xf32, #tpu.memory_space<vmem>> -> memref<64x512xf32, #tpu.memory_space<vmem>>
    tpu.wait_dma2 semaphore(%arg10 : memref<!tpu.dma_semaphore, #tpu.memory_space<semaphore_mem>>) src(%dma_wait3A_435 : memref<64x512xf32, #tpu.memory_space<vmem>>) dst(%dma_wait3A_431 : memref<64x512xf32, #tpu.memory_space<hbm>>)
    %dma_start3A_436 = arith.constant 1 : i32
    %dma_start3A_437 = arith.constant 0 : i32
    %dma_start3A_438 = arith.constant 0 : i32
    %dma_start3A_439 = tpu.memref_slice %arg6[%dma_start3A_436, %dma_start3A_437, %dma_start3A_438] : memref<2x64x512xf32, #tpu.memory_space<vmem>> -> memref<1x64x512xf32, #tpu.memory_space<vmem>>
    %dma_start3A_440 = tpu.memref_squeeze %dma_start3A_439 : memref<1x64x512xf32, #tpu.memory_space<vmem>> -> memref<64x512xf32, #tpu.memory_space<vmem>>
    %dma_start3A_441 = arith.constant 576 : i32
    %dma_start3A_442 = tpu.memref_slice %arg5[%dma_start3A_441] : memref<1024xi32, #tpu.memory_space<vmem>> -> memref<64xi32, #tpu.memory_space<vmem>>
    %dma_start3A_443 = arith.constant 0 : i32
    %dma_start3A_444 = arith.constant 0 : i32
    %dma_start3A_445 = tpu.memref_slice %arg2[%dma_start3A_443, %dma_start3A_444] : memref<512x512xf32, #tpu.memory_space<hbm>> -> memref<512x512xf32, #tpu.memory_space<hbm>>
    tpu.enqueue_indirect_dma source(%dma_start3A_445 : memref<512x512xf32, #tpu.memory_space<hbm>>) target(%dma_start3A_440 : memref<64x512xf32, #tpu.memory_space<vmem>>) offsets(%dma_start3A_442 : memref<64xi32, #tpu.memory_space<vmem>>) semaphore(%arg8 : memref<!tpu.dma_semaphore, #tpu.memory_space<semaphore_mem>>)
    %dma_wait3A_446 = arith.constant 1 : i32
    %dma_wait3A_447 = arith.constant 0 : i32
    %dma_wait3A_448 = arith.constant 0 : i32
    %dma_wait3A_449 = tpu.memref_slice %arg6[%dma_wait3A_446, %dma_wait3A_447, %dma_wait3A_448] : memref<2x64x512xf32, #tpu.memory_space<vmem>> -> memref<1x64x512xf32, #tpu.memory_space<vmem>>
    %dma_wait3A_450 = tpu.memref_squeeze %dma_wait3A_449 : memref<1x64x512xf32, #tpu.memory_space<vmem>> -> memref<64x512xf32, #tpu.memory_space<vmem>>
    %dma_wait3A_451 = arith.constant 576 : i32
    %dma_wait3A_452 = tpu.memref_slice %arg5[%dma_wait3A_451] : memref<1024xi32, #tpu.memory_space<vmem>> -> memref<64xi32, #tpu.memory_space<vmem>>
    %dma_wait3A_453 = arith.constant 0 : i32
    %dma_wait3A_454 = arith.constant 0 : i32
    %dma_wait3A_455 = tpu.memref_slice %arg2[%dma_wait3A_453, %dma_wait3A_454] : memref<512x512xf32, #tpu.memory_space<hbm>> -> memref<512x512xf32, #tpu.memory_space<hbm>>
    tpu.wait_indirect_dma semaphore(%arg8 : memref<!tpu.dma_semaphore, #tpu.memory_space<semaphore_mem>>) src(%dma_wait3A_455 : memref<512x512xf32, #tpu.memory_space<hbm>>) dst(%dma_wait3A_450 : memref<64x512xf32, #tpu.memory_space<vmem>>)
    %add3A_456 = arith.constant 576 : i32
    %add3A_457 = arith.addi %mul3A_2, %add3A_456 : i32
    %dma_start3A_458 = arith.constant 1 : i32
    %dma_start3A_459 = arith.constant 0 : i32
    %dma_start3A_460 = arith.constant 0 : i32
    %dma_start3A_461 = tpu.memref_slice %arg6[%dma_start3A_458, %dma_start3A_459, %dma_start3A_460] : memref<2x64x512xf32, #tpu.memory_space<vmem>> -> memref<1x64x512xf32, #tpu.memory_space<vmem>>
    %dma_start3A_462 = tpu.memref_squeeze %dma_start3A_461 : memref<1x64x512xf32, #tpu.memory_space<vmem>> -> memref<64x512xf32, #tpu.memory_space<vmem>>
    %dma_start3A_463 = arith.constant 0 : i32
    %dma_start3A_464 = tpu.memref_slice %arg4[%add3A_457, %dma_start3A_463] : memref<32768x512xf32, #tpu.memory_space<hbm>> -> memref<64x512xf32, #tpu.memory_space<hbm>>
    %dma_start3A_465 = arith.constant 0 : i32
    %dma_start3A_466 = tpu.memref_slice %arg4[%add3A_457, %dma_start3A_465] : memref<32768x512xf32, #tpu.memory_space<hbm>> -> memref<64x512xf32, #tpu.memory_space<hbm>>
    %dma_start3A_467 = arith.constant 0 : i32
    %dma_start3A_468 = arith.constant 0 : i32
    %dma_start3A_469 = tpu.memref_slice %arg6[%dma_start3A_458, %dma_start3A_467, %dma_start3A_468] : memref<2x64x512xf32, #tpu.memory_space<vmem>> -> memref<1x64x512xf32, #tpu.memory_space<vmem>>
    %dma_start3A_470 = tpu.memref_squeeze %dma_start3A_469 : memref<1x64x512xf32, #tpu.memory_space<vmem>> -> memref<64x512xf32, #tpu.memory_space<vmem>>
    tpu.enqueue_dma source(%dma_start3A_470 : memref<64x512xf32, #tpu.memory_space<vmem>>) target(%dma_start3A_466 : memref<64x512xf32, #tpu.memory_space<hbm>>) target_semaphore(%arg10 : memref<!tpu.dma_semaphore, #tpu.memory_space<semaphore_mem>>)
    %add3A_471 = arith.constant 512 : i32
    %add3A_472 = arith.addi %mul3A_2, %add3A_471 : i32
    %dma_wait3A_473 = arith.constant 0 : i32
    %dma_wait3A_474 = arith.constant 0 : i32
    %dma_wait3A_475 = arith.constant 0 : i32
    %dma_wait3A_476 = tpu.memref_slice %arg6[%dma_wait3A_473, %dma_wait3A_474, %dma_wait3A_475] : memref<2x64x512xf32, #tpu.memory_space<vmem>> -> memref<1x64x512xf32, #tpu.memory_space<vmem>>
    %dma_wait3A_477 = tpu.memref_squeeze %dma_wait3A_476 : memref<1x64x512xf32, #tpu.memory_space<vmem>> -> memref<64x512xf32, #tpu.memory_space<vmem>>
    %dma_wait3A_478 = arith.constant 0 : i32
    %dma_wait3A_479 = tpu.memref_slice %arg4[%add3A_472, %dma_wait3A_478] : memref<32768x512xf32, #tpu.memory_space<hbm>> -> memref<64x512xf32, #tpu.memory_space<hbm>>
    %dma_wait3A_480 = arith.constant 0 : i32
    %dma_wait3A_481 = tpu.memref_slice %arg4[%add3A_472, %dma_wait3A_480] : memref<32768x512xf32, #tpu.memory_space<hbm>> -> memref<64x512xf32, #tpu.memory_space<hbm>>
    %dma_wait3A_482 = arith.constant 0 : i32
    %dma_wait3A_483 = arith.constant 0 : i32
    %dma_wait3A_484 = tpu.memref_slice %arg6[%dma_wait3A_473, %dma_wait3A_482, %dma_wait3A_483] : memref<2x64x512xf32, #tpu.memory_space<vmem>> -> memref<1x64x512xf32, #tpu.memory_space<vmem>>
    %dma_wait3A_485 = tpu.memref_squeeze %dma_wait3A_484 : memref<1x64x512xf32, #tpu.memory_space<vmem>> -> memref<64x512xf32, #tpu.memory_space<vmem>>
    tpu.wait_dma2 semaphore(%arg9 : memref<!tpu.dma_semaphore, #tpu.memory_space<semaphore_mem>>) src(%dma_wait3A_485 : memref<64x512xf32, #tpu.memory_space<vmem>>) dst(%dma_wait3A_481 : memref<64x512xf32, #tpu.memory_space<hbm>>)
    %dma_start3A_486 = arith.constant 0 : i32
    %dma_start3A_487 = arith.constant 0 : i32
    %dma_start3A_488 = arith.constant 0 : i32
    %dma_start3A_489 = tpu.memref_slice %arg6[%dma_start3A_486, %dma_start3A_487, %dma_start3A_488] : memref<2x64x512xf32, #tpu.memory_space<vmem>> -> memref<1x64x512xf32, #tpu.memory_space<vmem>>
    %dma_start3A_490 = tpu.memref_squeeze %dma_start3A_489 : memref<1x64x512xf32, #tpu.memory_space<vmem>> -> memref<64x512xf32, #tpu.memory_space<vmem>>
    %dma_start3A_491 = arith.constant 640 : i32
    %dma_start3A_492 = tpu.memref_slice %arg5[%dma_start3A_491] : memref<1024xi32, #tpu.memory_space<vmem>> -> memref<64xi32, #tpu.memory_space<vmem>>
    %dma_start3A_493 = arith.constant 0 : i32
    %dma_start3A_494 = arith.constant 0 : i32
    %dma_start3A_495 = tpu.memref_slice %arg2[%dma_start3A_493, %dma_start3A_494] : memref<512x512xf32, #tpu.memory_space<hbm>> -> memref<512x512xf32, #tpu.memory_space<hbm>>
    tpu.enqueue_indirect_dma source(%dma_start3A_495 : memref<512x512xf32, #tpu.memory_space<hbm>>) target(%dma_start3A_490 : memref<64x512xf32, #tpu.memory_space<vmem>>) offsets(%dma_start3A_492 : memref<64xi32, #tpu.memory_space<vmem>>) semaphore(%arg7 : memref<!tpu.dma_semaphore, #tpu.memory_space<semaphore_mem>>)
    %dma_wait3A_496 = arith.constant 0 : i32
    %dma_wait3A_497 = arith.constant 0 : i32
    %dma_wait3A_498 = arith.constant 0 : i32
    %dma_wait3A_499 = tpu.memref_slice %arg6[%dma_wait3A_496, %dma_wait3A_497, %dma_wait3A_498] : memref<2x64x512xf32, #tpu.memory_space<vmem>> -> memref<1x64x512xf32, #tpu.memory_space<vmem>>
    %dma_wait3A_500 = tpu.memref_squeeze %dma_wait3A_499 : memref<1x64x512xf32, #tpu.memory_space<vmem>> -> memref<64x512xf32, #tpu.memory_space<vmem>>
    %dma_wait3A_501 = arith.constant 640 : i32
    %dma_wait3A_502 = tpu.memref_slice %arg5[%dma_wait3A_501] : memref<1024xi32, #tpu.memory_space<vmem>> -> memref<64xi32, #tpu.memory_space<vmem>>
    %dma_wait3A_503 = arith.constant 0 : i32
    %dma_wait3A_504 = arith.constant 0 : i32
    %dma_wait3A_505 = tpu.memref_slice %arg2[%dma_wait3A_503, %dma_wait3A_504] : memref<512x512xf32, #tpu.memory_space<hbm>> -> memref<512x512xf32, #tpu.memory_space<hbm>>
    tpu.wait_indirect_dma semaphore(%arg7 : memref<!tpu.dma_semaphore, #tpu.memory_space<semaphore_mem>>) src(%dma_wait3A_505 : memref<512x512xf32, #tpu.memory_space<hbm>>) dst(%dma_wait3A_500 : memref<64x512xf32, #tpu.memory_space<vmem>>)
    %add3A_506 = arith.constant 640 : i32
    %add3A_507 = arith.addi %mul3A_2, %add3A_506 : i32
    %dma_start3A_508 = arith.constant 0 : i32
    %dma_start3A_509 = arith.constant 0 : i32
    %dma_start3A_510 = arith.constant 0 : i32
    %dma_start3A_511 = tpu.memref_slice %arg6[%dma_start3A_508, %dma_start3A_509, %dma_start3A_510] : memref<2x64x512xf32, #tpu.memory_space<vmem>> -> memref<1x64x512xf32, #tpu.memory_space<vmem>>
    %dma_start3A_512 = tpu.memref_squeeze %dma_start3A_511 : memref<1x64x512xf32, #tpu.memory_space<vmem>> -> memref<64x512xf32, #tpu.memory_space<vmem>>
    %dma_start3A_513 = arith.constant 0 : i32
    %dma_start3A_514 = tpu.memref_slice %arg4[%add3A_507, %dma_start3A_513] : memref<32768x512xf32, #tpu.memory_space<hbm>> -> memref<64x512xf32, #tpu.memory_space<hbm>>
    %dma_start3A_515 = arith.constant 0 : i32
    %dma_start3A_516 = tpu.memref_slice %arg4[%add3A_507, %dma_start3A_515] : memref<32768x512xf32, #tpu.memory_space<hbm>> -> memref<64x512xf32, #tpu.memory_space<hbm>>
    %dma_start3A_517 = arith.constant 0 : i32
    %dma_start3A_518 = arith.constant 0 : i32
    %dma_start3A_519 = tpu.memref_slice %arg6[%dma_start3A_508, %dma_start3A_517, %dma_start3A_518] : memref<2x64x512xf32, #tpu.memory_space<vmem>> -> memref<1x64x512xf32, #tpu.memory_space<vmem>>
    %dma_start3A_520 = tpu.memref_squeeze %dma_start3A_519 : memref<1x64x512xf32, #tpu.memory_space<vmem>> -> memref<64x512xf32, #tpu.memory_space<vmem>>
    tpu.enqueue_dma source(%dma_start3A_520 : memref<64x512xf32, #tpu.memory_space<vmem>>) target(%dma_start3A_516 : memref<64x512xf32, #tpu.memory_space<hbm>>) target_semaphore(%arg9 : memref<!tpu.dma_semaphore, #tpu.memory_space<semaphore_mem>>)
    %add3A_521 = arith.constant 576 : i32
    %add3A_522 = arith.addi %mul3A_2, %add3A_521 : i32
    %dma_wait3A_523 = arith.constant 1 : i32
    %dma_wait3A_524 = arith.constant 0 : i32
    %dma_wait3A_525 = arith.constant 0 : i32
    %dma_wait3A_526 = tpu.memref_slice %arg6[%dma_wait3A_523, %dma_wait3A_524, %dma_wait3A_525] : memref<2x64x512xf32, #tpu.memory_space<vmem>> -> memref<1x64x512xf32, #tpu.memory_space<vmem>>
    %dma_wait3A_527 = tpu.memref_squeeze %dma_wait3A_526 : memref<1x64x512xf32, #tpu.memory_space<vmem>> -> memref<64x512xf32, #tpu.memory_space<vmem>>
    %dma_wait3A_528 = arith.constant 0 : i32
    %dma_wait3A_529 = tpu.memref_slice %arg4[%add3A_522, %dma_wait3A_528] : memref<32768x512xf32, #tpu.memory_space<hbm>> -> memref<64x512xf32, #tpu.memory_space<hbm>>
    %dma_wait3A_530 = arith.constant 0 : i32
    %dma_wait3A_531 = tpu.memref_slice %arg4[%add3A_522, %dma_wait3A_530] : memref<32768x512xf32, #tpu.memory_space<hbm>> -> memref<64x512xf32, #tpu.memory_space<hbm>>
    %dma_wait3A_532 = arith.constant 0 : i32
    %dma_wait3A_533 = arith.constant 0 : i32
    %dma_wait3A_534 = tpu.memref_slice %arg6[%dma_wait3A_523, %dma_wait3A_532, %dma_wait3A_533] : memref<2x64x512xf32, #tpu.memory_space<vmem>> -> memref<1x64x512xf32, #tpu.memory_space<vmem>>
    %dma_wait3A_535 = tpu.memref_squeeze %dma_wait3A_534 : memref<1x64x512xf32, #tpu.memory_space<vmem>> -> memref<64x512xf32, #tpu.memory_space<vmem>>
    tpu.wait_dma2 semaphore(%arg10 : memref<!tpu.dma_semaphore, #tpu.memory_space<semaphore_mem>>) src(%dma_wait3A_535 : memref<64x512xf32, #tpu.memory_space<vmem>>) dst(%dma_wait3A_531 : memref<64x512xf32, #tpu.memory_space<hbm>>)
    %dma_start3A_536 = arith.constant 1 : i32
    %dma_start3A_537 = arith.constant 0 : i32
    %dma_start3A_538 = arith.constant 0 : i32
    %dma_start3A_539 = tpu.memref_slice %arg6[%dma_start3A_536, %dma_start3A_537, %dma_start3A_538] : memref<2x64x512xf32, #tpu.memory_space<vmem>> -> memref<1x64x512xf32, #tpu.memory_space<vmem>>
    %dma_start3A_540 = tpu.memref_squeeze %dma_start3A_539 : memref<1x64x512xf32, #tpu.memory_space<vmem>> -> memref<64x512xf32, #tpu.memory_space<vmem>>
    %dma_start3A_541 = arith.constant 704 : i32
    %dma_start3A_542 = tpu.memref_slice %arg5[%dma_start3A_541] : memref<1024xi32, #tpu.memory_space<vmem>> -> memref<64xi32, #tpu.memory_space<vmem>>
    %dma_start3A_543 = arith.constant 0 : i32
    %dma_start3A_544 = arith.constant 0 : i32
    %dma_start3A_545 = tpu.memref_slice %arg2[%dma_start3A_543, %dma_start3A_544] : memref<512x512xf32, #tpu.memory_space<hbm>> -> memref<512x512xf32, #tpu.memory_space<hbm>>
    tpu.enqueue_indirect_dma source(%dma_start3A_545 : memref<512x512xf32, #tpu.memory_space<hbm>>) target(%dma_start3A_540 : memref<64x512xf32, #tpu.memory_space<vmem>>) offsets(%dma_start3A_542 : memref<64xi32, #tpu.memory_space<vmem>>) semaphore(%arg8 : memref<!tpu.dma_semaphore, #tpu.memory_space<semaphore_mem>>)
    %dma_wait3A_546 = arith.constant 1 : i32
    %dma_wait3A_547 = arith.constant 0 : i32
    %dma_wait3A_548 = arith.constant 0 : i32
    %dma_wait3A_549 = tpu.memref_slice %arg6[%dma_wait3A_546, %dma_wait3A_547, %dma_wait3A_548] : memref<2x64x512xf32, #tpu.memory_space<vmem>> -> memref<1x64x512xf32, #tpu.memory_space<vmem>>
    %dma_wait3A_550 = tpu.memref_squeeze %dma_wait3A_549 : memref<1x64x512xf32, #tpu.memory_space<vmem>> -> memref<64x512xf32, #tpu.memory_space<vmem>>
    %dma_wait3A_551 = arith.constant 704 : i32
    %dma_wait3A_552 = tpu.memref_slice %arg5[%dma_wait3A_551] : memref<1024xi32, #tpu.memory_space<vmem>> -> memref<64xi32, #tpu.memory_space<vmem>>
    %dma_wait3A_553 = arith.constant 0 : i32
    %dma_wait3A_554 = arith.constant 0 : i32
    %dma_wait3A_555 = tpu.memref_slice %arg2[%dma_wait3A_553, %dma_wait3A_554] : memref<512x512xf32, #tpu.memory_space<hbm>> -> memref<512x512xf32, #tpu.memory_space<hbm>>
    tpu.wait_indirect_dma semaphore(%arg8 : memref<!tpu.dma_semaphore, #tpu.memory_space<semaphore_mem>>) src(%dma_wait3A_555 : memref<512x512xf32, #tpu.memory_space<hbm>>) dst(%dma_wait3A_550 : memref<64x512xf32, #tpu.memory_space<vmem>>)
    %add3A_556 = arith.constant 704 : i32
    %add3A_557 = arith.addi %mul3A_2, %add3A_556 : i32
    %dma_start3A_558 = arith.constant 1 : i32
    %dma_start3A_559 = arith.constant 0 : i32
    %dma_start3A_560 = arith.constant 0 : i32
    %dma_start3A_561 = tpu.memref_slice %arg6[%dma_start3A_558, %dma_start3A_559, %dma_start3A_560] : memref<2x64x512xf32, #tpu.memory_space<vmem>> -> memref<1x64x512xf32, #tpu.memory_space<vmem>>
    %dma_start3A_562 = tpu.memref_squeeze %dma_start3A_561 : memref<1x64x512xf32, #tpu.memory_space<vmem>> -> memref<64x512xf32, #tpu.memory_space<vmem>>
    %dma_start3A_563 = arith.constant 0 : i32
    %dma_start3A_564 = tpu.memref_slice %arg4[%add3A_557, %dma_start3A_563] : memref<32768x512xf32, #tpu.memory_space<hbm>> -> memref<64x512xf32, #tpu.memory_space<hbm>>
    %dma_start3A_565 = arith.constant 0 : i32
    %dma_start3A_566 = tpu.memref_slice %arg4[%add3A_557, %dma_start3A_565] : memref<32768x512xf32, #tpu.memory_space<hbm>> -> memref<64x512xf32, #tpu.memory_space<hbm>>
    %dma_start3A_567 = arith.constant 0 : i32
    %dma_start3A_568 = arith.constant 0 : i32
    %dma_start3A_569 = tpu.memref_slice %arg6[%dma_start3A_558, %dma_start3A_567, %dma_start3A_568] : memref<2x64x512xf32, #tpu.memory_space<vmem>> -> memref<1x64x512xf32, #tpu.memory_space<vmem>>
    %dma_start3A_570 = tpu.memref_squeeze %dma_start3A_569 : memref<1x64x512xf32, #tpu.memory_space<vmem>> -> memref<64x512xf32, #tpu.memory_space<vmem>>
    tpu.enqueue_dma source(%dma_start3A_570 : memref<64x512xf32, #tpu.memory_space<vmem>>) target(%dma_start3A_566 : memref<64x512xf32, #tpu.memory_space<hbm>>) target_semaphore(%arg10 : memref<!tpu.dma_semaphore, #tpu.memory_space<semaphore_mem>>)
    %add3A_571 = arith.constant 640 : i32
    %add3A_572 = arith.addi %mul3A_2, %add3A_571 : i32
    %dma_wait3A_573 = arith.constant 0 : i32
    %dma_wait3A_574 = arith.constant 0 : i32
    %dma_wait3A_575 = arith.constant 0 : i32
    %dma_wait3A_576 = tpu.memref_slice %arg6[%dma_wait3A_573, %dma_wait3A_574, %dma_wait3A_575] : memref<2x64x512xf32, #tpu.memory_space<vmem>> -> memref<1x64x512xf32, #tpu.memory_space<vmem>>
    %dma_wait3A_577 = tpu.memref_squeeze %dma_wait3A_576 : memref<1x64x512xf32, #tpu.memory_space<vmem>> -> memref<64x512xf32, #tpu.memory_space<vmem>>
    %dma_wait3A_578 = arith.constant 0 : i32
    %dma_wait3A_579 = tpu.memref_slice %arg4[%add3A_572, %dma_wait3A_578] : memref<32768x512xf32, #tpu.memory_space<hbm>> -> memref<64x512xf32, #tpu.memory_space<hbm>>
    %dma_wait3A_580 = arith.constant 0 : i32
    %dma_wait3A_581 = tpu.memref_slice %arg4[%add3A_572, %dma_wait3A_580] : memref<32768x512xf32, #tpu.memory_space<hbm>> -> memref<64x512xf32, #tpu.memory_space<hbm>>
    %dma_wait3A_582 = arith.constant 0 : i32
    %dma_wait3A_583 = arith.constant 0 : i32
    %dma_wait3A_584 = tpu.memref_slice %arg6[%dma_wait3A_573, %dma_wait3A_582, %dma_wait3A_583] : memref<2x64x512xf32, #tpu.memory_space<vmem>> -> memref<1x64x512xf32, #tpu.memory_space<vmem>>
    %dma_wait3A_585 = tpu.memref_squeeze %dma_wait3A_584 : memref<1x64x512xf32, #tpu.memory_space<vmem>> -> memref<64x512xf32, #tpu.memory_space<vmem>>
    tpu.wait_dma2 semaphore(%arg9 : memref<!tpu.dma_semaphore, #tpu.memory_space<semaphore_mem>>) src(%dma_wait3A_585 : memref<64x512xf32, #tpu.memory_space<vmem>>) dst(%dma_wait3A_581 : memref<64x512xf32, #tpu.memory_space<hbm>>)
    %dma_start3A_586 = arith.constant 0 : i32
    %dma_start3A_587 = arith.constant 0 : i32
    %dma_start3A_588 = arith.constant 0 : i32
    %dma_start3A_589 = tpu.memref_slice %arg6[%dma_start3A_586, %dma_start3A_587, %dma_start3A_588] : memref<2x64x512xf32, #tpu.memory_space<vmem>> -> memref<1x64x512xf32, #tpu.memory_space<vmem>>
    %dma_start3A_590 = tpu.memref_squeeze %dma_start3A_589 : memref<1x64x512xf32, #tpu.memory_space<vmem>> -> memref<64x512xf32, #tpu.memory_space<vmem>>
    %dma_start3A_591 = arith.constant 768 : i32
    %dma_start3A_592 = tpu.memref_slice %arg5[%dma_start3A_591] : memref<1024xi32, #tpu.memory_space<vmem>> -> memref<64xi32, #tpu.memory_space<vmem>>
    %dma_start3A_593 = arith.constant 0 : i32
    %dma_start3A_594 = arith.constant 0 : i32
    %dma_start3A_595 = tpu.memref_slice %arg2[%dma_start3A_593, %dma_start3A_594] : memref<512x512xf32, #tpu.memory_space<hbm>> -> memref<512x512xf32, #tpu.memory_space<hbm>>
    tpu.enqueue_indirect_dma source(%dma_start3A_595 : memref<512x512xf32, #tpu.memory_space<hbm>>) target(%dma_start3A_590 : memref<64x512xf32, #tpu.memory_space<vmem>>) offsets(%dma_start3A_592 : memref<64xi32, #tpu.memory_space<vmem>>) semaphore(%arg7 : memref<!tpu.dma_semaphore, #tpu.memory_space<semaphore_mem>>)
    %dma_wait3A_596 = arith.constant 0 : i32
    %dma_wait3A_597 = arith.constant 0 : i32
    %dma_wait3A_598 = arith.constant 0 : i32
    %dma_wait3A_599 = tpu.memref_slice %arg6[%dma_wait3A_596, %dma_wait3A_597, %dma_wait3A_598] : memref<2x64x512xf32, #tpu.memory_space<vmem>> -> memref<1x64x512xf32, #tpu.memory_space<vmem>>
    %dma_wait3A_600 = tpu.memref_squeeze %dma_wait3A_599 : memref<1x64x512xf32, #tpu.memory_space<vmem>> -> memref<64x512xf32, #tpu.memory_space<vmem>>
    %dma_wait3A_601 = arith.constant 768 : i32
    %dma_wait3A_602 = tpu.memref_slice %arg5[%dma_wait3A_601] : memref<1024xi32, #tpu.memory_space<vmem>> -> memref<64xi32, #tpu.memory_space<vmem>>
    %dma_wait3A_603 = arith.constant 0 : i32
    %dma_wait3A_604 = arith.constant 0 : i32
    %dma_wait3A_605 = tpu.memref_slice %arg2[%dma_wait3A_603, %dma_wait3A_604] : memref<512x512xf32, #tpu.memory_space<hbm>> -> memref<512x512xf32, #tpu.memory_space<hbm>>
    tpu.wait_indirect_dma semaphore(%arg7 : memref<!tpu.dma_semaphore, #tpu.memory_space<semaphore_mem>>) src(%dma_wait3A_605 : memref<512x512xf32, #tpu.memory_space<hbm>>) dst(%dma_wait3A_600 : memref<64x512xf32, #tpu.memory_space<vmem>>)
    %add3A_606 = arith.constant 768 : i32
    %add3A_607 = arith.addi %mul3A_2, %add3A_606 : i32
    %dma_start3A_608 = arith.constant 0 : i32
    %dma_start3A_609 = arith.constant 0 : i32
    %dma_start3A_610 = arith.constant 0 : i32
    %dma_start3A_611 = tpu.memref_slice %arg6[%dma_start3A_608, %dma_start3A_609, %dma_start3A_610] : memref<2x64x512xf32, #tpu.memory_space<vmem>> -> memref<1x64x512xf32, #tpu.memory_space<vmem>>
    %dma_start3A_612 = tpu.memref_squeeze %dma_start3A_611 : memref<1x64x512xf32, #tpu.memory_space<vmem>> -> memref<64x512xf32, #tpu.memory_space<vmem>>
    %dma_start3A_613 = arith.constant 0 : i32
    %dma_start3A_614 = tpu.memref_slice %arg4[%add3A_607, %dma_start3A_613] : memref<32768x512xf32, #tpu.memory_space<hbm>> -> memref<64x512xf32, #tpu.memory_space<hbm>>
    %dma_start3A_615 = arith.constant 0 : i32
    %dma_start3A_616 = tpu.memref_slice %arg4[%add3A_607, %dma_start3A_615] : memref<32768x512xf32, #tpu.memory_space<hbm>> -> memref<64x512xf32, #tpu.memory_space<hbm>>
    %dma_start3A_617 = arith.constant 0 : i32
    %dma_start3A_618 = arith.constant 0 : i32
    %dma_start3A_619 = tpu.memref_slice %arg6[%dma_start3A_608, %dma_start3A_617, %dma_start3A_618] : memref<2x64x512xf32, #tpu.memory_space<vmem>> -> memref<1x64x512xf32, #tpu.memory_space<vmem>>
    %dma_start3A_620 = tpu.memref_squeeze %dma_start3A_619 : memref<1x64x512xf32, #tpu.memory_space<vmem>> -> memref<64x512xf32, #tpu.memory_space<vmem>>
    tpu.enqueue_dma source(%dma_start3A_620 : memref<64x512xf32, #tpu.memory_space<vmem>>) target(%dma_start3A_616 : memref<64x512xf32, #tpu.memory_space<hbm>>) target_semaphore(%arg9 : memref<!tpu.dma_semaphore, #tpu.memory_space<semaphore_mem>>)
    %add3A_621 = arith.constant 704 : i32
    %add3A_622 = arith.addi %mul3A_2, %add3A_621 : i32
    %dma_wait3A_623 = arith.constant 1 : i32
    %dma_wait3A_624 = arith.constant 0 : i32
    %dma_wait3A_625 = arith.constant 0 : i32
    %dma_wait3A_626 = tpu.memref_slice %arg6[%dma_wait3A_623, %dma_wait3A_624, %dma_wait3A_625] : memref<2x64x512xf32, #tpu.memory_space<vmem>> -> memref<1x64x512xf32, #tpu.memory_space<vmem>>
    %dma_wait3A_627 = tpu.memref_squeeze %dma_wait3A_626 : memref<1x64x512xf32, #tpu.memory_space<vmem>> -> memref<64x512xf32, #tpu.memory_space<vmem>>
    %dma_wait3A_628 = arith.constant 0 : i32
    %dma_wait3A_629 = tpu.memref_slice %arg4[%add3A_622, %dma_wait3A_628] : memref<32768x512xf32, #tpu.memory_space<hbm>> -> memref<64x512xf32, #tpu.memory_space<hbm>>
    %dma_wait3A_630 = arith.constant 0 : i32
    %dma_wait3A_631 = tpu.memref_slice %arg4[%add3A_622, %dma_wait3A_630] : memref<32768x512xf32, #tpu.memory_space<hbm>> -> memref<64x512xf32, #tpu.memory_space<hbm>>
    %dma_wait3A_632 = arith.constant 0 : i32
    %dma_wait3A_633 = arith.constant 0 : i32
    %dma_wait3A_634 = tpu.memref_slice %arg6[%dma_wait3A_623, %dma_wait3A_632, %dma_wait3A_633] : memref<2x64x512xf32, #tpu.memory_space<vmem>> -> memref<1x64x512xf32, #tpu.memory_space<vmem>>
    %dma_wait3A_635 = tpu.memref_squeeze %dma_wait3A_634 : memref<1x64x512xf32, #tpu.memory_space<vmem>> -> memref<64x512xf32, #tpu.memory_space<vmem>>
    tpu.wait_dma2 semaphore(%arg10 : memref<!tpu.dma_semaphore, #tpu.memory_space<semaphore_mem>>) src(%dma_wait3A_635 : memref<64x512xf32, #tpu.memory_space<vmem>>) dst(%dma_wait3A_631 : memref<64x512xf32, #tpu.memory_space<hbm>>)
    %dma_start3A_636 = arith.constant 1 : i32
    %dma_start3A_637 = arith.constant 0 : i32
    %dma_start3A_638 = arith.constant 0 : i32
    %dma_start3A_639 = tpu.memref_slice %arg6[%dma_start3A_636, %dma_start3A_637, %dma_start3A_638] : memref<2x64x512xf32, #tpu.memory_space<vmem>> -> memref<1x64x512xf32, #tpu.memory_space<vmem>>
    %dma_start3A_640 = tpu.memref_squeeze %dma_start3A_639 : memref<1x64x512xf32, #tpu.memory_space<vmem>> -> memref<64x512xf32, #tpu.memory_space<vmem>>
    %dma_start3A_641 = arith.constant 832 : i32
    %dma_start3A_642 = tpu.memref_slice %arg5[%dma_start3A_641] : memref<1024xi32, #tpu.memory_space<vmem>> -> memref<64xi32, #tpu.memory_space<vmem>>
    %dma_start3A_643 = arith.constant 0 : i32
    %dma_start3A_644 = arith.constant 0 : i32
    %dma_start3A_645 = tpu.memref_slice %arg2[%dma_start3A_643, %dma_start3A_644] : memref<512x512xf32, #tpu.memory_space<hbm>> -> memref<512x512xf32, #tpu.memory_space<hbm>>
    tpu.enqueue_indirect_dma source(%dma_start3A_645 : memref<512x512xf32, #tpu.memory_space<hbm>>) target(%dma_start3A_640 : memref<64x512xf32, #tpu.memory_space<vmem>>) offsets(%dma_start3A_642 : memref<64xi32, #tpu.memory_space<vmem>>) semaphore(%arg8 : memref<!tpu.dma_semaphore, #tpu.memory_space<semaphore_mem>>)
    %dma_wait3A_646 = arith.constant 1 : i32
    %dma_wait3A_647 = arith.constant 0 : i32
    %dma_wait3A_648 = arith.constant 0 : i32
    %dma_wait3A_649 = tpu.memref_slice %arg6[%dma_wait3A_646, %dma_wait3A_647, %dma_wait3A_648] : memref<2x64x512xf32, #tpu.memory_space<vmem>> -> memref<1x64x512xf32, #tpu.memory_space<vmem>>
    %dma_wait3A_650 = tpu.memref_squeeze %dma_wait3A_649 : memref<1x64x512xf32, #tpu.memory_space<vmem>> -> memref<64x512xf32, #tpu.memory_space<vmem>>
    %dma_wait3A_651 = arith.constant 832 : i32
    %dma_wait3A_652 = tpu.memref_slice %arg5[%dma_wait3A_651] : memref<1024xi32, #tpu.memory_space<vmem>> -> memref<64xi32, #tpu.memory_space<vmem>>
    %dma_wait3A_653 = arith.constant 0 : i32
    %dma_wait3A_654 = arith.constant 0 : i32
    %dma_wait3A_655 = tpu.memref_slice %arg2[%dma_wait3A_653, %dma_wait3A_654] : memref<512x512xf32, #tpu.memory_space<hbm>> -> memref<512x512xf32, #tpu.memory_space<hbm>>
    tpu.wait_indirect_dma semaphore(%arg8 : memref<!tpu.dma_semaphore, #tpu.memory_space<semaphore_mem>>) src(%dma_wait3A_655 : memref<512x512xf32, #tpu.memory_space<hbm>>) dst(%dma_wait3A_650 : memref<64x512xf32, #tpu.memory_space<vmem>>)
    %add3A_656 = arith.constant 832 : i32
    %add3A_657 = arith.addi %mul3A_2, %add3A_656 : i32
    %dma_start3A_658 = arith.constant 1 : i32
    %dma_start3A_659 = arith.constant 0 : i32
    %dma_start3A_660 = arith.constant 0 : i32
    %dma_start3A_661 = tpu.memref_slice %arg6[%dma_start3A_658, %dma_start3A_659, %dma_start3A_660] : memref<2x64x512xf32, #tpu.memory_space<vmem>> -> memref<1x64x512xf32, #tpu.memory_space<vmem>>
    %dma_start3A_662 = tpu.memref_squeeze %dma_start3A_661 : memref<1x64x512xf32, #tpu.memory_space<vmem>> -> memref<64x512xf32, #tpu.memory_space<vmem>>
    %dma_start3A_663 = arith.constant 0 : i32
    %dma_start3A_664 = tpu.memref_slice %arg4[%add3A_657, %dma_start3A_663] : memref<32768x512xf32, #tpu.memory_space<hbm>> -> memref<64x512xf32, #tpu.memory_space<hbm>>
    %dma_start3A_665 = arith.constant 0 : i32
    %dma_start3A_666 = tpu.memref_slice %arg4[%add3A_657, %dma_start3A_665] : memref<32768x512xf32, #tpu.memory_space<hbm>> -> memref<64x512xf32, #tpu.memory_space<hbm>>
    %dma_start3A_667 = arith.constant 0 : i32
    %dma_start3A_668 = arith.constant 0 : i32
    %dma_start3A_669 = tpu.memref_slice %arg6[%dma_start3A_658, %dma_start3A_667, %dma_start3A_668] : memref<2x64x512xf32, #tpu.memory_space<vmem>> -> memref<1x64x512xf32, #tpu.memory_space<vmem>>
    %dma_start3A_670 = tpu.memref_squeeze %dma_start3A_669 : memref<1x64x512xf32, #tpu.memory_space<vmem>> -> memref<64x512xf32, #tpu.memory_space<vmem>>
    tpu.enqueue_dma source(%dma_start3A_670 : memref<64x512xf32, #tpu.memory_space<vmem>>) target(%dma_start3A_666 : memref<64x512xf32, #tpu.memory_space<hbm>>) target_semaphore(%arg10 : memref<!tpu.dma_semaphore, #tpu.memory_space<semaphore_mem>>)
    %add3A_671 = arith.constant 768 : i32
    %add3A_672 = arith.addi %mul3A_2, %add3A_671 : i32
    %dma_wait3A_673 = arith.constant 0 : i32
    %dma_wait3A_674 = arith.constant 0 : i32
    %dma_wait3A_675 = arith.constant 0 : i32
    %dma_wait3A_676 = tpu.memref_slice %arg6[%dma_wait3A_673, %dma_wait3A_674, %dma_wait3A_675] : memref<2x64x512xf32, #tpu.memory_space<vmem>> -> memref<1x64x512xf32, #tpu.memory_space<vmem>>
    %dma_wait3A_677 = tpu.memref_squeeze %dma_wait3A_676 : memref<1x64x512xf32, #tpu.memory_space<vmem>> -> memref<64x512xf32, #tpu.memory_space<vmem>>
    %dma_wait3A_678 = arith.constant 0 : i32
    %dma_wait3A_679 = tpu.memref_slice %arg4[%add3A_672, %dma_wait3A_678] : memref<32768x512xf32, #tpu.memory_space<hbm>> -> memref<64x512xf32, #tpu.memory_space<hbm>>
    %dma_wait3A_680 = arith.constant 0 : i32
    %dma_wait3A_681 = tpu.memref_slice %arg4[%add3A_672, %dma_wait3A_680] : memref<32768x512xf32, #tpu.memory_space<hbm>> -> memref<64x512xf32, #tpu.memory_space<hbm>>
    %dma_wait3A_682 = arith.constant 0 : i32
    %dma_wait3A_683 = arith.constant 0 : i32
    %dma_wait3A_684 = tpu.memref_slice %arg6[%dma_wait3A_673, %dma_wait3A_682, %dma_wait3A_683] : memref<2x64x512xf32, #tpu.memory_space<vmem>> -> memref<1x64x512xf32, #tpu.memory_space<vmem>>
    %dma_wait3A_685 = tpu.memref_squeeze %dma_wait3A_684 : memref<1x64x512xf32, #tpu.memory_space<vmem>> -> memref<64x512xf32, #tpu.memory_space<vmem>>
    tpu.wait_dma2 semaphore(%arg9 : memref<!tpu.dma_semaphore, #tpu.memory_space<semaphore_mem>>) src(%dma_wait3A_685 : memref<64x512xf32, #tpu.memory_space<vmem>>) dst(%dma_wait3A_681 : memref<64x512xf32, #tpu.memory_space<hbm>>)
    %dma_start3A_686 = arith.constant 0 : i32
    %dma_start3A_687 = arith.constant 0 : i32
    %dma_start3A_688 = arith.constant 0 : i32
    %dma_start3A_689 = tpu.memref_slice %arg6[%dma_start3A_686, %dma_start3A_687, %dma_start3A_688] : memref<2x64x512xf32, #tpu.memory_space<vmem>> -> memref<1x64x512xf32, #tpu.memory_space<vmem>>
    %dma_start3A_690 = tpu.memref_squeeze %dma_start3A_689 : memref<1x64x512xf32, #tpu.memory_space<vmem>> -> memref<64x512xf32, #tpu.memory_space<vmem>>
    %dma_start3A_691 = arith.constant 896 : i32
    %dma_start3A_692 = tpu.memref_slice %arg5[%dma_start3A_691] : memref<1024xi32, #tpu.memory_space<vmem>> -> memref<64xi32, #tpu.memory_space<vmem>>
    %dma_start3A_693 = arith.constant 0 : i32
    %dma_start3A_694 = arith.constant 0 : i32
    %dma_start3A_695 = tpu.memref_slice %arg2[%dma_start3A_693, %dma_start3A_694] : memref<512x512xf32, #tpu.memory_space<hbm>> -> memref<512x512xf32, #tpu.memory_space<hbm>>
    tpu.enqueue_indirect_dma source(%dma_start3A_695 : memref<512x512xf32, #tpu.memory_space<hbm>>) target(%dma_start3A_690 : memref<64x512xf32, #tpu.memory_space<vmem>>) offsets(%dma_start3A_692 : memref<64xi32, #tpu.memory_space<vmem>>) semaphore(%arg7 : memref<!tpu.dma_semaphore, #tpu.memory_space<semaphore_mem>>)
    %dma_wait3A_696 = arith.constant 0 : i32
    %dma_wait3A_697 = arith.constant 0 : i32
    %dma_wait3A_698 = arith.constant 0 : i32
    %dma_wait3A_699 = tpu.memref_slice %arg6[%dma_wait3A_696, %dma_wait3A_697, %dma_wait3A_698] : memref<2x64x512xf32, #tpu.memory_space<vmem>> -> memref<1x64x512xf32, #tpu.memory_space<vmem>>
    %dma_wait3A_700 = tpu.memref_squeeze %dma_wait3A_699 : memref<1x64x512xf32, #tpu.memory_space<vmem>> -> memref<64x512xf32, #tpu.memory_space<vmem>>
    %dma_wait3A_701 = arith.constant 896 : i32
    %dma_wait3A_702 = tpu.memref_slice %arg5[%dma_wait3A_701] : memref<1024xi32, #tpu.memory_space<vmem>> -> memref<64xi32, #tpu.memory_space<vmem>>
    %dma_wait3A_703 = arith.constant 0 : i32
    %dma_wait3A_704 = arith.constant 0 : i32
    %dma_wait3A_705 = tpu.memref_slice %arg2[%dma_wait3A_703, %dma_wait3A_704] : memref<512x512xf32, #tpu.memory_space<hbm>> -> memref<512x512xf32, #tpu.memory_space<hbm>>
    tpu.wait_indirect_dma semaphore(%arg7 : memref<!tpu.dma_semaphore, #tpu.memory_space<semaphore_mem>>) src(%dma_wait3A_705 : memref<512x512xf32, #tpu.memory_space<hbm>>) dst(%dma_wait3A_700 : memref<64x512xf32, #tpu.memory_space<vmem>>)
    %add3A_706 = arith.constant 896 : i32
    %add3A_707 = arith.addi %mul3A_2, %add3A_706 : i32
    %dma_start3A_708 = arith.constant 0 : i32
    %dma_start3A_709 = arith.constant 0 : i32
    %dma_start3A_710 = arith.constant 0 : i32
    %dma_start3A_711 = tpu.memref_slice %arg6[%dma_start3A_708, %dma_start3A_709, %dma_start3A_710] : memref<2x64x512xf32, #tpu.memory_space<vmem>> -> memref<1x64x512xf32, #tpu.memory_space<vmem>>
    %dma_start3A_712 = tpu.memref_squeeze %dma_start3A_711 : memref<1x64x512xf32, #tpu.memory_space<vmem>> -> memref<64x512xf32, #tpu.memory_space<vmem>>
    %dma_start3A_713 = arith.constant 0 : i32
    %dma_start3A_714 = tpu.memref_slice %arg4[%add3A_707, %dma_start3A_713] : memref<32768x512xf32, #tpu.memory_space<hbm>> -> memref<64x512xf32, #tpu.memory_space<hbm>>
    %dma_start3A_715 = arith.constant 0 : i32
    %dma_start3A_716 = tpu.memref_slice %arg4[%add3A_707, %dma_start3A_715] : memref<32768x512xf32, #tpu.memory_space<hbm>> -> memref<64x512xf32, #tpu.memory_space<hbm>>
    %dma_start3A_717 = arith.constant 0 : i32
    %dma_start3A_718 = arith.constant 0 : i32
    %dma_start3A_719 = tpu.memref_slice %arg6[%dma_start3A_708, %dma_start3A_717, %dma_start3A_718] : memref<2x64x512xf32, #tpu.memory_space<vmem>> -> memref<1x64x512xf32, #tpu.memory_space<vmem>>
    %dma_start3A_720 = tpu.memref_squeeze %dma_start3A_719 : memref<1x64x512xf32, #tpu.memory_space<vmem>> -> memref<64x512xf32, #tpu.memory_space<vmem>>
    tpu.enqueue_dma source(%dma_start3A_720 : memref<64x512xf32, #tpu.memory_space<vmem>>) target(%dma_start3A_716 : memref<64x512xf32, #tpu.memory_space<hbm>>) target_semaphore(%arg9 : memref<!tpu.dma_semaphore, #tpu.memory_space<semaphore_mem>>)
    %add3A_721 = arith.constant 832 : i32
    %add3A_722 = arith.addi %mul3A_2, %add3A_721 : i32
    %dma_wait3A_723 = arith.constant 1 : i32
    %dma_wait3A_724 = arith.constant 0 : i32
    %dma_wait3A_725 = arith.constant 0 : i32
    %dma_wait3A_726 = tpu.memref_slice %arg6[%dma_wait3A_723, %dma_wait3A_724, %dma_wait3A_725] : memref<2x64x512xf32, #tpu.memory_space<vmem>> -> memref<1x64x512xf32, #tpu.memory_space<vmem>>
    %dma_wait3A_727 = tpu.memref_squeeze %dma_wait3A_726 : memref<1x64x512xf32, #tpu.memory_space<vmem>> -> memref<64x512xf32, #tpu.memory_space<vmem>>
    %dma_wait3A_728 = arith.constant 0 : i32
    %dma_wait3A_729 = tpu.memref_slice %arg4[%add3A_722, %dma_wait3A_728] : memref<32768x512xf32, #tpu.memory_space<hbm>> -> memref<64x512xf32, #tpu.memory_space<hbm>>
    %dma_wait3A_730 = arith.constant 0 : i32
    %dma_wait3A_731 = tpu.memref_slice %arg4[%add3A_722, %dma_wait3A_730] : memref<32768x512xf32, #tpu.memory_space<hbm>> -> memref<64x512xf32, #tpu.memory_space<hbm>>
    %dma_wait3A_732 = arith.constant 0 : i32
    %dma_wait3A_733 = arith.constant 0 : i32
    %dma_wait3A_734 = tpu.memref_slice %arg6[%dma_wait3A_723, %dma_wait3A_732, %dma_wait3A_733] : memref<2x64x512xf32, #tpu.memory_space<vmem>> -> memref<1x64x512xf32, #tpu.memory_space<vmem>>
    %dma_wait3A_735 = tpu.memref_squeeze %dma_wait3A_734 : memref<1x64x512xf32, #tpu.memory_space<vmem>> -> memref<64x512xf32, #tpu.memory_space<vmem>>
    tpu.wait_dma2 semaphore(%arg10 : memref<!tpu.dma_semaphore, #tpu.memory_space<semaphore_mem>>) src(%dma_wait3A_735 : memref<64x512xf32, #tpu.memory_space<vmem>>) dst(%dma_wait3A_731 : memref<64x512xf32, #tpu.memory_space<hbm>>)
    %dma_start3A_736 = arith.constant 1 : i32
    %dma_start3A_737 = arith.constant 0 : i32
    %dma_start3A_738 = arith.constant 0 : i32
    %dma_start3A_739 = tpu.memref_slice %arg6[%dma_start3A_736, %dma_start3A_737, %dma_start3A_738] : memref<2x64x512xf32, #tpu.memory_space<vmem>> -> memref<1x64x512xf32, #tpu.memory_space<vmem>>
    %dma_start3A_740 = tpu.memref_squeeze %dma_start3A_739 : memref<1x64x512xf32, #tpu.memory_space<vmem>> -> memref<64x512xf32, #tpu.memory_space<vmem>>
    %dma_start3A_741 = arith.constant 960 : i32
    %dma_start3A_742 = tpu.memref_slice %arg5[%dma_start3A_741] : memref<1024xi32, #tpu.memory_space<vmem>> -> memref<64xi32, #tpu.memory_space<vmem>>
    %dma_start3A_743 = arith.constant 0 : i32
    %dma_start3A_744 = arith.constant 0 : i32
    %dma_start3A_745 = tpu.memref_slice %arg2[%dma_start3A_743, %dma_start3A_744] : memref<512x512xf32, #tpu.memory_space<hbm>> -> memref<512x512xf32, #tpu.memory_space<hbm>>
    tpu.enqueue_indirect_dma source(%dma_start3A_745 : memref<512x512xf32, #tpu.memory_space<hbm>>) target(%dma_start3A_740 : memref<64x512xf32, #tpu.memory_space<vmem>>) offsets(%dma_start3A_742 : memref<64xi32, #tpu.memory_space<vmem>>) semaphore(%arg8 : memref<!tpu.dma_semaphore, #tpu.memory_space<semaphore_mem>>)
    %dma_wait3A_746 = arith.constant 1 : i32
    %dma_wait3A_747 = arith.constant 0 : i32
    %dma_wait3A_748 = arith.constant 0 : i32
    %dma_wait3A_749 = tpu.memref_slice %arg6[%dma_wait3A_746, %dma_wait3A_747, %dma_wait3A_748] : memref<2x64x512xf32, #tpu.memory_space<vmem>> -> memref<1x64x512xf32, #tpu.memory_space<vmem>>
    %dma_wait3A_750 = tpu.memref_squeeze %dma_wait3A_749 : memref<1x64x512xf32, #tpu.memory_space<vmem>> -> memref<64x512xf32, #tpu.memory_space<vmem>>
    %dma_wait3A_751 = arith.constant 960 : i32
    %dma_wait3A_752 = tpu.memref_slice %arg5[%dma_wait3A_751] : memref<1024xi32, #tpu.memory_space<vmem>> -> memref<64xi32, #tpu.memory_space<vmem>>
    %dma_wait3A_753 = arith.constant 0 : i32
    %dma_wait3A_754 = arith.constant 0 : i32
    %dma_wait3A_755 = tpu.memref_slice %arg2[%dma_wait3A_753, %dma_wait3A_754] : memref<512x512xf32, #tpu.memory_space<hbm>> -> memref<512x512xf32, #tpu.memory_space<hbm>>
    tpu.wait_indirect_dma semaphore(%arg8 : memref<!tpu.dma_semaphore, #tpu.memory_space<semaphore_mem>>) src(%dma_wait3A_755 : memref<512x512xf32, #tpu.memory_space<hbm>>) dst(%dma_wait3A_750 : memref<64x512xf32, #tpu.memory_space<vmem>>)
    %add3A_756 = arith.constant 960 : i32
    %add3A_757 = arith.addi %mul3A_2, %add3A_756 : i32
    %dma_start3A_758 = arith.constant 1 : i32
    %dma_start3A_759 = arith.constant 0 : i32
    %dma_start3A_760 = arith.constant 0 : i32
    %dma_start3A_761 = tpu.memref_slice %arg6[%dma_start3A_758, %dma_start3A_759, %dma_start3A_760] : memref<2x64x512xf32, #tpu.memory_space<vmem>> -> memref<1x64x512xf32, #tpu.memory_space<vmem>>
    %dma_start3A_762 = tpu.memref_squeeze %dma_start3A_761 : memref<1x64x512xf32, #tpu.memory_space<vmem>> -> memref<64x512xf32, #tpu.memory_space<vmem>>
    %dma_start3A_763 = arith.constant 0 : i32
    %dma_start3A_764 = tpu.memref_slice %arg4[%add3A_757, %dma_start3A_763] : memref<32768x512xf32, #tpu.memory_space<hbm>> -> memref<64x512xf32, #tpu.memory_space<hbm>>
    %dma_start3A_765 = arith.constant 0 : i32
    %dma_start3A_766 = tpu.memref_slice %arg4[%add3A_757, %dma_start3A_765] : memref<32768x512xf32, #tpu.memory_space<hbm>> -> memref<64x512xf32, #tpu.memory_space<hbm>>
    %dma_start3A_767 = arith.constant 0 : i32
    %dma_start3A_768 = arith.constant 0 : i32
    %dma_start3A_769 = tpu.memref_slice %arg6[%dma_start3A_758, %dma_start3A_767, %dma_start3A_768] : memref<2x64x512xf32, #tpu.memory_space<vmem>> -> memref<1x64x512xf32, #tpu.memory_space<vmem>>
    %dma_start3A_770 = tpu.memref_squeeze %dma_start3A_769 : memref<1x64x512xf32, #tpu.memory_space<vmem>> -> memref<64x512xf32, #tpu.memory_space<vmem>>
    tpu.enqueue_dma source(%dma_start3A_770 : memref<64x512xf32, #tpu.memory_space<vmem>>) target(%dma_start3A_766 : memref<64x512xf32, #tpu.memory_space<hbm>>) target_semaphore(%arg10 : memref<!tpu.dma_semaphore, #tpu.memory_space<semaphore_mem>>)
    %add3A_771 = arith.constant 896 : i32
    %add3A_772 = arith.addi %mul3A_2, %add3A_771 : i32
    %dma_wait3A_773 = arith.constant 0 : i32
    %dma_wait3A_774 = arith.constant 0 : i32
    %dma_wait3A_775 = arith.constant 0 : i32
    %dma_wait3A_776 = tpu.memref_slice %arg6[%dma_wait3A_773, %dma_wait3A_774, %dma_wait3A_775] : memref<2x64x512xf32, #tpu.memory_space<vmem>> -> memref<1x64x512xf32, #tpu.memory_space<vmem>>
    %dma_wait3A_777 = tpu.memref_squeeze %dma_wait3A_776 : memref<1x64x512xf32, #tpu.memory_space<vmem>> -> memref<64x512xf32, #tpu.memory_space<vmem>>
    %dma_wait3A_778 = arith.constant 0 : i32
    %dma_wait3A_779 = tpu.memref_slice %arg4[%add3A_772, %dma_wait3A_778] : memref<32768x512xf32, #tpu.memory_space<hbm>> -> memref<64x512xf32, #tpu.memory_space<hbm>>
    %dma_wait3A_780 = arith.constant 0 : i32
    %dma_wait3A_781 = tpu.memref_slice %arg4[%add3A_772, %dma_wait3A_780] : memref<32768x512xf32, #tpu.memory_space<hbm>> -> memref<64x512xf32, #tpu.memory_space<hbm>>
    %dma_wait3A_782 = arith.constant 0 : i32
    %dma_wait3A_783 = arith.constant 0 : i32
    %dma_wait3A_784 = tpu.memref_slice %arg6[%dma_wait3A_773, %dma_wait3A_782, %dma_wait3A_783] : memref<2x64x512xf32, #tpu.memory_space<vmem>> -> memref<1x64x512xf32, #tpu.memory_space<vmem>>
    %dma_wait3A_785 = tpu.memref_squeeze %dma_wait3A_784 : memref<1x64x512xf32, #tpu.memory_space<vmem>> -> memref<64x512xf32, #tpu.memory_space<vmem>>
    tpu.wait_dma2 semaphore(%arg9 : memref<!tpu.dma_semaphore, #tpu.memory_space<semaphore_mem>>) src(%dma_wait3A_785 : memref<64x512xf32, #tpu.memory_space<vmem>>) dst(%dma_wait3A_781 : memref<64x512xf32, #tpu.memory_space<hbm>>)
    %add3A_786 = arith.constant 960 : i32
    %add3A_787 = arith.addi %mul3A_2, %add3A_786 : i32
    %dma_wait3A_788 = arith.constant 1 : i32
    %dma_wait3A_789 = arith.constant 0 : i32
    %dma_wait3A_790 = arith.constant 0 : i32
    %dma_wait3A_791 = tpu.memref_slice %arg6[%dma_wait3A_788, %dma_wait3A_789, %dma_wait3A_790] : memref<2x64x512xf32, #tpu.memory_space<vmem>> -> memref<1x64x512xf32, #tpu.memory_space<vmem>>
    %dma_wait3A_792 = tpu.memref_squeeze %dma_wait3A_791 : memref<1x64x512xf32, #tpu.memory_space<vmem>> -> memref<64x512xf32, #tpu.memory_space<vmem>>
    %dma_wait3A_793 = arith.constant 0 : i32
    %dma_wait3A_794 = tpu.memref_slice %arg4[%add3A_787, %dma_wait3A_793] : memref<32768x512xf32, #tpu.memory_space<hbm>> -> memref<64x512xf32, #tpu.memory_space<hbm>>
    %dma_wait3A_795 = arith.constant 0 : i32
    %dma_wait3A_796 = tpu.memref_slice %arg4[%add3A_787, %dma_wait3A_795] : memref<32768x512xf32, #tpu.memory_space<hbm>> -> memref<64x512xf32, #tpu.memory_space<hbm>>
    %dma_wait3A_797 = arith.constant 0 : i32
    %dma_wait3A_798 = arith.constant 0 : i32
    %dma_wait3A_799 = tpu.memref_slice %arg6[%dma_wait3A_788, %dma_wait3A_797, %dma_wait3A_798] : memref<2x64x512xf32, #tpu.memory_space<vmem>> -> memref<1x64x512xf32, #tpu.memory_space<vmem>>
    %dma_wait3A_800 = tpu.memref_squeeze %dma_wait3A_799 : memref<1x64x512xf32, #tpu.memory_space<vmem>> -> memref<64x512xf32, #tpu.memory_space<vmem>>
    tpu.wait_dma2 semaphore(%arg10 : memref<!tpu.dma_semaphore, #tpu.memory_space<semaphore_mem>>) src(%dma_wait3A_800 : memref<64x512xf32, #tpu.memory_space<vmem>>) dst(%dma_wait3A_796 : memref<64x512xf32, #tpu.memory_space<hbm>>)
    return
  }
}

module attributes {stable_mosaic.version = 14 : i64} {
  func.func @_prep_body(%arg0: memref<9x64xf32, #tpu.memory_space<vmem>>, %arg1: memref<1x64xf32, #tpu.memory_space<vmem>>, %arg2: memref<1x64xf32, #tpu.memory_space<vmem>>, %arg3: memref<8x64xf32, #tpu.memory_space<vmem>>, %arg4: memref<2048x16xi32, #tpu.memory_space<vmem>>, %arg5: memref<12x8xf32, #tpu.memory_space<vmem>>, %arg6: memref<32x1024xi32, #tpu.memory_space<vmem>>, %arg7: memref<512x8x64xf32, #tpu.memory_space<vmem>>, %arg8: memref<2048x128xf32, #tpu.memory_space<vmem>>, %arg9: memref<32x1024xi32, #tpu.memory_space<vmem>>) attributes {dimension_semantics = [], scalar_prefetch = 0 : i64, scratch_operands = 0 : i64, tpu.core_type = #tpu.core_type<tc>} {
    %iota3A = tpu.iota {dimensions = array<i32: 0>} : vector<16x64xi32>
    %eq3A = arith.constant 1 : i32
    %eq3A_0 = vector.broadcast %eq3A : i32 to vector<16x64xi32>
    %eq3A_1 = arith.cmpi eq, %iota3A, %eq3A_0 : vector<16x64xi32>
    %get3A = arith.constant 0 : index
    %get3A_2 = arith.constant 0 : index
    %get3A_3 = vector.load %arg1[%get3A, %get3A_2] : memref<1x64xf32, #tpu.memory_space<vmem>>, vector<1x64xf32>
    %broadcast_in_dim3A = arith.constant 0.000000e+00 : f32
    %broadcast_in_dim3A_4 = vector.broadcast %broadcast_in_dim3A : f32 to vector<16x64xf32>
    %broadcast_in_dim3A_5 = vector.shape_cast %get3A_3 : vector<1x64xf32> to vector<1x64xf32>
    %broadcast_in_dim3A_6 = vector.broadcast %broadcast_in_dim3A_5 : vector<1x64xf32> to vector<16x64xf32>
    %select_n3A = arith.select %eq3A_1, %broadcast_in_dim3A_6, %broadcast_in_dim3A_4 : vector<16x64xi1>, vector<16x64xf32>
    %eq3A_7 = arith.constant 2 : i32
    %eq3A_8 = vector.broadcast %eq3A_7 : i32 to vector<16x64xi32>
    %eq3A_9 = arith.cmpi eq, %iota3A, %eq3A_8 : vector<16x64xi32>
    %get3A_10 = arith.constant 0 : index
    %get3A_11 = arith.constant 0 : index
    %get3A_12 = vector.load %arg2[%get3A_10, %get3A_11] : memref<1x64xf32, #tpu.memory_space<vmem>>, vector<1x64xf32>
    %broadcast_in_dim3A_13 = vector.shape_cast %get3A_12 : vector<1x64xf32> to vector<1x64xf32>
    %broadcast_in_dim3A_14 = vector.broadcast %broadcast_in_dim3A_13 : vector<1x64xf32> to vector<16x64xf32>
    %select_n3A_15 = arith.select %eq3A_9, %broadcast_in_dim3A_14, %select_n3A : vector<16x64xi1>, vector<16x64xf32>
    %eq3A_16 = arith.constant 3 : i32
    %eq3A_17 = vector.broadcast %eq3A_16 : i32 to vector<16x64xi32>
    %eq3A_18 = arith.cmpi eq, %iota3A, %eq3A_17 : vector<16x64xi32>
    %get3A_19 = arith.constant 0 : index
    %get3A_20 = arith.constant 0 : index
    %get3A_21 = vector.load %arg0[%get3A_19, %get3A_20] : memref<9x64xf32, #tpu.memory_space<vmem>>, vector<1x64xf32>
    %broadcast_in_dim3A_22 = vector.shape_cast %get3A_21 : vector<1x64xf32> to vector<1x64xf32>
    %broadcast_in_dim3A_23 = vector.broadcast %broadcast_in_dim3A_22 : vector<1x64xf32> to vector<16x64xf32>
    %select_n3A_24 = arith.select %eq3A_18, %broadcast_in_dim3A_23, %select_n3A_15 : vector<16x64xi1>, vector<16x64xf32>
    %eq3A_25 = arith.constant 4 : i32
    %eq3A_26 = vector.broadcast %eq3A_25 : i32 to vector<16x64xi32>
    %eq3A_27 = arith.cmpi eq, %iota3A, %eq3A_26 : vector<16x64xi32>
    %get3A_28 = arith.constant 1 : index
    %get3A_29 = arith.constant 0 : index
    %get3A_30 = vector.load %arg0[%get3A_28, %get3A_29] : memref<9x64xf32, #tpu.memory_space<vmem>>, vector<1x64xf32>
    %broadcast_in_dim3A_31 = vector.shape_cast %get3A_30 : vector<1x64xf32> to vector<1x64xf32>
    %broadcast_in_dim3A_32 = vector.broadcast %broadcast_in_dim3A_31 : vector<1x64xf32> to vector<16x64xf32>
    %select_n3A_33 = arith.select %eq3A_27, %broadcast_in_dim3A_32, %select_n3A_24 : vector<16x64xi1>, vector<16x64xf32>
    %eq3A_34 = arith.constant 5 : i32
    %eq3A_35 = vector.broadcast %eq3A_34 : i32 to vector<16x64xi32>
    %eq3A_36 = arith.cmpi eq, %iota3A, %eq3A_35 : vector<16x64xi32>
    %get3A_37 = arith.constant 2 : index
    %get3A_38 = arith.constant 0 : index
    %get3A_39 = vector.load %arg0[%get3A_37, %get3A_38] : memref<9x64xf32, #tpu.memory_space<vmem>>, vector<1x64xf32>
    %broadcast_in_dim3A_40 = vector.shape_cast %get3A_39 : vector<1x64xf32> to vector<1x64xf32>
    %broadcast_in_dim3A_41 = vector.broadcast %broadcast_in_dim3A_40 : vector<1x64xf32> to vector<16x64xf32>
    %select_n3A_42 = arith.select %eq3A_36, %broadcast_in_dim3A_41, %select_n3A_33 : vector<16x64xi1>, vector<16x64xf32>
    %eq3A_43 = arith.constant 6 : i32
    %eq3A_44 = vector.broadcast %eq3A_43 : i32 to vector<16x64xi32>
    %eq3A_45 = arith.cmpi eq, %iota3A, %eq3A_44 : vector<16x64xi32>
    %get3A_46 = arith.constant 3 : index
    %get3A_47 = arith.constant 0 : index
    %get3A_48 = vector.load %arg0[%get3A_46, %get3A_47] : memref<9x64xf32, #tpu.memory_space<vmem>>, vector<1x64xf32>
    %broadcast_in_dim3A_49 = vector.shape_cast %get3A_48 : vector<1x64xf32> to vector<1x64xf32>
    %broadcast_in_dim3A_50 = vector.broadcast %broadcast_in_dim3A_49 : vector<1x64xf32> to vector<16x64xf32>
    %select_n3A_51 = arith.select %eq3A_45, %broadcast_in_dim3A_50, %select_n3A_42 : vector<16x64xi1>, vector<16x64xf32>
    %eq3A_52 = arith.constant 7 : i32
    %eq3A_53 = vector.broadcast %eq3A_52 : i32 to vector<16x64xi32>
    %eq3A_54 = arith.cmpi eq, %iota3A, %eq3A_53 : vector<16x64xi32>
    %get3A_55 = arith.constant 4 : index
    %get3A_56 = arith.constant 0 : index
    %get3A_57 = vector.load %arg0[%get3A_55, %get3A_56] : memref<9x64xf32, #tpu.memory_space<vmem>>, vector<1x64xf32>
    %broadcast_in_dim3A_58 = vector.shape_cast %get3A_57 : vector<1x64xf32> to vector<1x64xf32>
    %broadcast_in_dim3A_59 = vector.broadcast %broadcast_in_dim3A_58 : vector<1x64xf32> to vector<16x64xf32>
    %select_n3A_60 = arith.select %eq3A_54, %broadcast_in_dim3A_59, %select_n3A_51 : vector<16x64xi1>, vector<16x64xf32>
    %eq3A_61 = arith.constant 8 : i32
    %eq3A_62 = vector.broadcast %eq3A_61 : i32 to vector<16x64xi32>
    %eq3A_63 = arith.cmpi eq, %iota3A, %eq3A_62 : vector<16x64xi32>
    %get3A_64 = arith.constant 5 : index
    %get3A_65 = arith.constant 0 : index
    %get3A_66 = vector.load %arg0[%get3A_64, %get3A_65] : memref<9x64xf32, #tpu.memory_space<vmem>>, vector<1x64xf32>
    %broadcast_in_dim3A_67 = vector.shape_cast %get3A_66 : vector<1x64xf32> to vector<1x64xf32>
    %broadcast_in_dim3A_68 = vector.broadcast %broadcast_in_dim3A_67 : vector<1x64xf32> to vector<16x64xf32>
    %select_n3A_69 = arith.select %eq3A_63, %broadcast_in_dim3A_68, %select_n3A_60 : vector<16x64xi1>, vector<16x64xf32>
    %eq3A_70 = arith.constant 9 : i32
    %eq3A_71 = vector.broadcast %eq3A_70 : i32 to vector<16x64xi32>
    %eq3A_72 = arith.cmpi eq, %iota3A, %eq3A_71 : vector<16x64xi32>
    %get3A_73 = arith.constant 6 : index
    %get3A_74 = arith.constant 0 : index
    %get3A_75 = vector.load %arg0[%get3A_73, %get3A_74] : memref<9x64xf32, #tpu.memory_space<vmem>>, vector<1x64xf32>
    %broadcast_in_dim3A_76 = vector.shape_cast %get3A_75 : vector<1x64xf32> to vector<1x64xf32>
    %broadcast_in_dim3A_77 = vector.broadcast %broadcast_in_dim3A_76 : vector<1x64xf32> to vector<16x64xf32>
    %select_n3A_78 = arith.select %eq3A_72, %broadcast_in_dim3A_77, %select_n3A_69 : vector<16x64xi1>, vector<16x64xf32>
    %eq3A_79 = arith.constant 10 : i32
    %eq3A_80 = vector.broadcast %eq3A_79 : i32 to vector<16x64xi32>
    %eq3A_81 = arith.cmpi eq, %iota3A, %eq3A_80 : vector<16x64xi32>
    %get3A_82 = arith.constant 7 : index
    %get3A_83 = arith.constant 0 : index
    %get3A_84 = vector.load %arg0[%get3A_82, %get3A_83] : memref<9x64xf32, #tpu.memory_space<vmem>>, vector<1x64xf32>
    %broadcast_in_dim3A_85 = vector.shape_cast %get3A_84 : vector<1x64xf32> to vector<1x64xf32>
    %broadcast_in_dim3A_86 = vector.broadcast %broadcast_in_dim3A_85 : vector<1x64xf32> to vector<16x64xf32>
    %select_n3A_87 = arith.select %eq3A_81, %broadcast_in_dim3A_86, %select_n3A_78 : vector<16x64xi1>, vector<16x64xf32>
    %eq3A_88 = arith.constant 11 : i32
    %eq3A_89 = vector.broadcast %eq3A_88 : i32 to vector<16x64xi32>
    %eq3A_90 = arith.cmpi eq, %iota3A, %eq3A_89 : vector<16x64xi32>
    %get3A_91 = arith.constant 8 : index
    %get3A_92 = arith.constant 0 : index
    %get3A_93 = vector.load %arg0[%get3A_91, %get3A_92] : memref<9x64xf32, #tpu.memory_space<vmem>>, vector<1x64xf32>
    %broadcast_in_dim3A_94 = vector.shape_cast %get3A_93 : vector<1x64xf32> to vector<1x64xf32>
    %broadcast_in_dim3A_95 = vector.broadcast %broadcast_in_dim3A_94 : vector<1x64xf32> to vector<16x64xf32>
    %select_n3A_96 = arith.select %eq3A_90, %broadcast_in_dim3A_95, %select_n3A_87 : vector<16x64xi1>, vector<16x64xf32>
    %broadcast_in_dim3A_97 = vector.shape_cast %select_n3A_96 : vector<16x64xf32> to vector<16x1x64xf32>
    %get3A_98 = arith.constant 0 : index
    %get3A_99 = arith.constant 0 : index
    %get3A_100 = vector.load %arg3[%get3A_98, %get3A_99] : memref<8x64xf32, #tpu.memory_space<vmem>>, vector<8x64xf32>
    %broadcast_in_dim3A_101 = vector.shape_cast %get3A_100 : vector<8x64xf32> to vector<1x8x64xf32>
    %add3A = vector.broadcast %broadcast_in_dim3A_97 : vector<16x1x64xf32> to vector<16x8x64xf32>
    %add3A_102 = vector.broadcast %broadcast_in_dim3A_101 : vector<1x8x64xf32> to vector<16x8x64xf32>
    %add3A_103 = arith.addf %add3A, %add3A_102 : vector<16x8x64xf32>
    %concatenate3A = tpu.concatenate %add3A_103, %add3A_103, %add3A_103, %add3A_103, %add3A_103, %add3A_103, %add3A_103, %add3A_103, %add3A_103, %add3A_103, %add3A_103, %add3A_103, %add3A_103, %add3A_103, %add3A_103, %add3A_103, %add3A_103, %add3A_103, %add3A_103, %add3A_103, %add3A_103, %add3A_103, %add3A_103, %add3A_103, %add3A_103, %add3A_103, %add3A_103, %add3A_103, %add3A_103, %add3A_103, %add3A_103, %add3A_103 in 0 : vector<16x8x64xf32>, vector<16x8x64xf32>, vector<16x8x64xf32>, vector<16x8x64xf32>, vector<16x8x64xf32>, vector<16x8x64xf32>, vector<16x8x64xf32>, vector<16x8x64xf32>, vector<16x8x64xf32>, vector<16x8x64xf32>, vector<16x8x64xf32>, vector<16x8x64xf32>, vector<16x8x64xf32>, vector<16x8x64xf32>, vector<16x8x64xf32>, vector<16x8x64xf32>, vector<16x8x64xf32>, vector<16x8x64xf32>, vector<16x8x64xf32>, vector<16x8x64xf32>, vector<16x8x64xf32>, vector<16x8x64xf32>, vector<16x8x64xf32>, vector<16x8x64xf32>, vector<16x8x64xf32>, vector<16x8x64xf32>, vector<16x8x64xf32>, vector<16x8x64xf32>, vector<16x8x64xf32>, vector<16x8x64xf32>, vector<16x8x64xf32>, vector<16x8x64xf32> -> vector<512x8x64xf32>
    %swap3A = arith.constant 0 : index
    %swap3A_104 = arith.constant 0 : index
    %swap3A_105 = arith.constant 0 : index
    %swap3A_106 = vector.load %arg7[%swap3A, %swap3A_104, %swap3A_105] : memref<512x8x64xf32, #tpu.memory_space<vmem>>, vector<512x8x64xf32>
    tpu.vector_store %arg7[%swap3A, %swap3A_104, %swap3A_105], %concatenate3A {strides = array<i32>} : memref<512x8x64xf32, #tpu.memory_space<vmem>>, vector<512x8x64xf32>,
    %get3A_107 = arith.constant 0 : index
    %get3A_108 = arith.constant 0 : index
    %get3A_109 = vector.load %arg6[%get3A_107, %get3A_108] : memref<32x1024xi32, #tpu.memory_space<vmem>>, vector<32x1024xi32>
    %iota3A_110 = tpu.iota {dimensions = array<i32: 0>} : vector<32x1024xi32>
    %mul3A = arith.constant 16 : i32
    %mul3A_111 = vector.broadcast %mul3A : i32 to vector<32x1024xi32>
    %mul3A_112 = arith.muli %iota3A_110, %mul3A_111 : vector<32x1024xi32>
    %add3A_113 = arith.addi %get3A_109, %mul3A_112 : vector<32x1024xi32>
    %swap3A_114 = arith.constant 0 : index
    %swap3A_115 = arith.constant 0 : index
    %swap3A_116 = vector.load %arg9[%swap3A_114, %swap3A_115] : memref<32x1024xi32, #tpu.memory_space<vmem>>, vector<32x1024xi32>
    tpu.vector_store %arg9[%swap3A_114, %swap3A_115], %add3A_113 {strides = array<i32>} : memref<32x1024xi32, #tpu.memory_space<vmem>>, vector<32x1024xi32>,
    %get3A_117 = arith.constant 0 : index
    %get3A_118 = arith.constant 0 : index
    %get3A_119 = vector.load %arg4[%get3A_117, %get3A_118] : memref<2048x16xi32, #tpu.memory_space<vmem>>, vector<2048x16xi32>
    %convert_element_type3A = arith.sitofp %get3A_119 : vector<2048x16xi32> to vector<2048x16xf32>
    %iota3A_120 = tpu.iota {dimensions = array<i32: 1>} : vector<16x128xi32>
    %jit3A = arith.constant 8 : i32
    %div3A = vector.broadcast %jit3A : i32 to vector<16x128xi32>
    %div3A_121 = arith.divsi %iota3A_120, %div3A : vector<16x128xi32>
    %sign3A = arith.constant 0 : i32
    %sign3A_122 = vector.broadcast %sign3A : i32 to vector<16x128xi32>
    %sign3A_123 = arith.cmpi sgt, %iota3A_120, %sign3A_122 : vector<16x128xi32>
    %sign3A_124 = arith.extui %sign3A_123 : vector<16x128xi1> to vector<16x128xi32>
    %sign3A_125 = arith.constant 0 : i32
    %sign3A_126 = vector.broadcast %sign3A_125 : i32 to vector<16x128xi32>
    %sign3A_127 = arith.cmpi slt, %iota3A_120, %sign3A_126 : vector<16x128xi32>
    %sign3A_128 = arith.extui %sign3A_127 : vector<16x128xi1> to vector<16x128xi32>
    %sign3A_129 = arith.subi %sign3A_124, %sign3A_128 : vector<16x128xi32>
    %sign3A_130 = arith.constant 0 : i32
    %sign3A_131 = arith.cmpi sgt, %jit3A, %sign3A_130 : i32
    %sign3A_132 = arith.extui %sign3A_131 : i1 to i32
    %sign3A_133 = arith.constant 0 : i32
    %sign3A_134 = arith.cmpi slt, %jit3A, %sign3A_133 : i32
    %sign3A_135 = arith.extui %sign3A_134 : i1 to i32
    %sign3A_136 = arith.subi %sign3A_132, %sign3A_135 : i32
    %ne3A = vector.broadcast %sign3A_136 : i32 to vector<16x128xi32>
    %ne3A_137 = arith.cmpi ne, %sign3A_129, %ne3A : vector<16x128xi32>
    %rem3A = vector.broadcast %jit3A : i32 to vector<16x128xi32>
    %rem3A_138 = arith.remsi %iota3A_120, %rem3A : vector<16x128xi32>
    %ne3A_139 = arith.constant 0 : i32
    %ne3A_140 = vector.broadcast %ne3A_139 : i32 to vector<16x128xi32>
    %ne3A_141 = arith.cmpi ne, %rem3A_138, %ne3A_140 : vector<16x128xi32>
    %and3A = arith.andi %ne3A_137, %ne3A_141 : vector<16x128xi1>
    %sub3A = arith.constant 1 : i32
    %sub3A_142 = vector.broadcast %sub3A : i32 to vector<16x128xi32>
    %sub3A_143 = arith.subi %div3A_121, %sub3A_142 : vector<16x128xi32>
    %select_n3A_144 = arith.select %and3A, %sub3A_143, %div3A_121 : vector<16x128xi1>, vector<16x128xi32>
    %iota3A_145 = tpu.iota {dimensions = array<i32: 0>} : vector<16x128xi32>
    %eq3A_146 = arith.cmpi eq, %select_n3A_144, %iota3A_145 : vector<16x128xi32>
    %convert_element_type3A_147 = arith.extui %eq3A_146 : vector<16x128xi1> to vector<16x128xi32>
    %convert_element_type3A_148 = arith.sitofp %convert_element_type3A_147 : vector<16x128xi32> to vector<16x128xf32>
    %dot_general3A = arith.constant dense<0.000000e+00> : vector<2048x128xf32>
    %dot_general3A_149 = tpu.matmul %convert_element_type3A, %convert_element_type3A_148, %dot_general3A {dimension_numbers = #tpu.dot_dimension_numbers<[1], [0], [0], [1], [0, 0, 1, 1], [], []>, transpose_lhs_hint = false} : vector<2048x16xf32>, vector<16x128xf32>, vector<2048x128xf32> -> vector<2048x128xf32>
    %get3A_150 = arith.constant 0 : index
    %get3A_151 = arith.constant 0 : index
    %get3A_152 = vector.load %arg5[%get3A_150, %get3A_151] : memref<12x8xf32, #tpu.memory_space<vmem>>, vector<12x8xf32>
    %concatenate3A_153 = tpu.concatenate %get3A_152, %get3A_152, %get3A_152, %get3A_152, %get3A_152, %get3A_152, %get3A_152, %get3A_152, %get3A_152, %get3A_152, %get3A_152, %get3A_152, %get3A_152, %get3A_152, %get3A_152, %get3A_152 in 1 : vector<12x8xf32>, vector<12x8xf32>, vector<12x8xf32>, vector<12x8xf32>, vector<12x8xf32>, vector<12x8xf32>, vector<12x8xf32>, vector<12x8xf32>, vector<12x8xf32>, vector<12x8xf32>, vector<12x8xf32>, vector<12x8xf32>, vector<12x8xf32>, vector<12x8xf32>, vector<12x8xf32>, vector<12x8xf32> -> vector<12x128xf32>
    %eq3A_154 = arith.constant 0.000000e+00 : f32
    %eq3A_155 = vector.broadcast %eq3A_154 : f32 to vector<2048x128xf32>
    %eq3A_156 = arith.cmpf oeq, %dot_general3A_149, %eq3A_155 : vector<2048x128xf32>
    %slice3A = vector.extract_strided_slice %concatenate3A_153 {offsets = [0, 0], sizes = [1, 128], strides = [1, 1]} : vector<12x128xf32> to vector<1x128xf32>
    %broadcast_in_dim3A_157 = arith.constant 0.000000e+00 : f32
    %broadcast_in_dim3A_158 = vector.broadcast %broadcast_in_dim3A_157 : f32 to vector<2048x128xf32>
    %broadcast_in_dim3A_159 = vector.shape_cast %slice3A : vector<1x128xf32> to vector<1x128xf32>
    %broadcast_in_dim3A_160 = vector.broadcast %broadcast_in_dim3A_159 : vector<1x128xf32> to vector<2048x128xf32>
    %select_n3A_161 = arith.select %eq3A_156, %broadcast_in_dim3A_160, %broadcast_in_dim3A_158 : vector<2048x128xi1>, vector<2048x128xf32>
    %eq3A_162 = arith.constant 1.000000e+00 : f32
    %eq3A_163 = vector.broadcast %eq3A_162 : f32 to vector<2048x128xf32>
    %eq3A_164 = arith.cmpf oeq, %dot_general3A_149, %eq3A_163 : vector<2048x128xf32>
    %slice3A_165 = vector.extract_strided_slice %concatenate3A_153 {offsets = [1, 0], sizes = [1, 128], strides = [1, 1]} : vector<12x128xf32> to vector<1x128xf32>
    %broadcast_in_dim3A_166 = vector.shape_cast %slice3A_165 : vector<1x128xf32> to vector<1x128xf32>
    %broadcast_in_dim3A_167 = vector.broadcast %broadcast_in_dim3A_166 : vector<1x128xf32> to vector<2048x128xf32>
    %select_n3A_168 = arith.select %eq3A_164, %broadcast_in_dim3A_167, %select_n3A_161 : vector<2048x128xi1>, vector<2048x128xf32>
    %eq3A_169 = arith.constant 2.000000e+00 : f32
    %eq3A_170 = vector.broadcast %eq3A_169 : f32 to vector<2048x128xf32>
    %eq3A_171 = arith.cmpf oeq, %dot_general3A_149, %eq3A_170 : vector<2048x128xf32>
    %slice3A_172 = vector.extract_strided_slice %concatenate3A_153 {offsets = [2, 0], sizes = [1, 128], strides = [1, 1]} : vector<12x128xf32> to vector<1x128xf32>
    %broadcast_in_dim3A_173 = vector.shape_cast %slice3A_172 : vector<1x128xf32> to vector<1x128xf32>
    %broadcast_in_dim3A_174 = vector.broadcast %broadcast_in_dim3A_173 : vector<1x128xf32> to vector<2048x128xf32>
    %select_n3A_175 = arith.select %eq3A_171, %broadcast_in_dim3A_174, %select_n3A_168 : vector<2048x128xi1>, vector<2048x128xf32>
    %eq3A_176 = arith.constant 3.000000e+00 : f32
    %eq3A_177 = vector.broadcast %eq3A_176 : f32 to vector<2048x128xf32>
    %eq3A_178 = arith.cmpf oeq, %dot_general3A_149, %eq3A_177 : vector<2048x128xf32>
    %slice3A_179 = vector.extract_strided_slice %concatenate3A_153 {offsets = [3, 0], sizes = [1, 128], strides = [1, 1]} : vector<12x128xf32> to vector<1x128xf32>
    %broadcast_in_dim3A_180 = vector.shape_cast %slice3A_179 : vector<1x128xf32> to vector<1x128xf32>
    %broadcast_in_dim3A_181 = vector.broadcast %broadcast_in_dim3A_180 : vector<1x128xf32> to vector<2048x128xf32>
    %select_n3A_182 = arith.select %eq3A_178, %broadcast_in_dim3A_181, %select_n3A_175 : vector<2048x128xi1>, vector<2048x128xf32>
    %eq3A_183 = arith.constant 4.000000e+00 : f32
    %eq3A_184 = vector.broadcast %eq3A_183 : f32 to vector<2048x128xf32>
    %eq3A_185 = arith.cmpf oeq, %dot_general3A_149, %eq3A_184 : vector<2048x128xf32>
    %slice3A_186 = vector.extract_strided_slice %concatenate3A_153 {offsets = [4, 0], sizes = [1, 128], strides = [1, 1]} : vector<12x128xf32> to vector<1x128xf32>
    %broadcast_in_dim3A_187 = vector.shape_cast %slice3A_186 : vector<1x128xf32> to vector<1x128xf32>
    %broadcast_in_dim3A_188 = vector.broadcast %broadcast_in_dim3A_187 : vector<1x128xf32> to vector<2048x128xf32>
    %select_n3A_189 = arith.select %eq3A_185, %broadcast_in_dim3A_188, %select_n3A_182 : vector<2048x128xi1>, vector<2048x128xf32>
    %eq3A_190 = arith.constant 5.000000e+00 : f32
    %eq3A_191 = vector.broadcast %eq3A_190 : f32 to vector<2048x128xf32>
    %eq3A_192 = arith.cmpf oeq, %dot_general3A_149, %eq3A_191 : vector<2048x128xf32>
    %slice3A_193 = vector.extract_strided_slice %concatenate3A_153 {offsets = [5, 0], sizes = [1, 128], strides = [1, 1]} : vector<12x128xf32> to vector<1x128xf32>
    %broadcast_in_dim3A_194 = vector.shape_cast %slice3A_193 : vector<1x128xf32> to vector<1x128xf32>
    %broadcast_in_dim3A_195 = vector.broadcast %broadcast_in_dim3A_194 : vector<1x128xf32> to vector<2048x128xf32>
    %select_n3A_196 = arith.select %eq3A_192, %broadcast_in_dim3A_195, %select_n3A_189 : vector<2048x128xi1>, vector<2048x128xf32>
    %eq3A_197 = arith.constant 6.000000e+00 : f32
    %eq3A_198 = vector.broadcast %eq3A_197 : f32 to vector<2048x128xf32>
    %eq3A_199 = arith.cmpf oeq, %dot_general3A_149, %eq3A_198 : vector<2048x128xf32>
    %slice3A_200 = vector.extract_strided_slice %concatenate3A_153 {offsets = [6, 0], sizes = [1, 128], strides = [1, 1]} : vector<12x128xf32> to vector<1x128xf32>
    %broadcast_in_dim3A_201 = vector.shape_cast %slice3A_200 : vector<1x128xf32> to vector<1x128xf32>
    %broadcast_in_dim3A_202 = vector.broadcast %broadcast_in_dim3A_201 : vector<1x128xf32> to vector<2048x128xf32>
    %select_n3A_203 = arith.select %eq3A_199, %broadcast_in_dim3A_202, %select_n3A_196 : vector<2048x128xi1>, vector<2048x128xf32>
    %eq3A_204 = arith.constant 7.000000e+00 : f32
    %eq3A_205 = vector.broadcast %eq3A_204 : f32 to vector<2048x128xf32>
    %eq3A_206 = arith.cmpf oeq, %dot_general3A_149, %eq3A_205 : vector<2048x128xf32>
    %slice3A_207 = vector.extract_strided_slice %concatenate3A_153 {offsets = [7, 0], sizes = [1, 128], strides = [1, 1]} : vector<12x128xf32> to vector<1x128xf32>
    %broadcast_in_dim3A_208 = vector.shape_cast %slice3A_207 : vector<1x128xf32> to vector<1x128xf32>
    %broadcast_in_dim3A_209 = vector.broadcast %broadcast_in_dim3A_208 : vector<1x128xf32> to vector<2048x128xf32>
    %select_n3A_210 = arith.select %eq3A_206, %broadcast_in_dim3A_209, %select_n3A_203 : vector<2048x128xi1>, vector<2048x128xf32>
    %eq3A_211 = arith.constant 8.000000e+00 : f32
    %eq3A_212 = vector.broadcast %eq3A_211 : f32 to vector<2048x128xf32>
    %eq3A_213 = arith.cmpf oeq, %dot_general3A_149, %eq3A_212 : vector<2048x128xf32>
    %slice3A_214 = vector.extract_strided_slice %concatenate3A_153 {offsets = [8, 0], sizes = [1, 128], strides = [1, 1]} : vector<12x128xf32> to vector<1x128xf32>
    %broadcast_in_dim3A_215 = vector.shape_cast %slice3A_214 : vector<1x128xf32> to vector<1x128xf32>
    %broadcast_in_dim3A_216 = vector.broadcast %broadcast_in_dim3A_215 : vector<1x128xf32> to vector<2048x128xf32>
    %select_n3A_217 = arith.select %eq3A_213, %broadcast_in_dim3A_216, %select_n3A_210 : vector<2048x128xi1>, vector<2048x128xf32>
    %eq3A_218 = arith.constant 9.000000e+00 : f32
    %eq3A_219 = vector.broadcast %eq3A_218 : f32 to vector<2048x128xf32>
    %eq3A_220 = arith.cmpf oeq, %dot_general3A_149, %eq3A_219 : vector<2048x128xf32>
    %slice3A_221 = vector.extract_strided_slice %concatenate3A_153 {offsets = [9, 0], sizes = [1, 128], strides = [1, 1]} : vector<12x128xf32> to vector<1x128xf32>
    %broadcast_in_dim3A_222 = vector.shape_cast %slice3A_221 : vector<1x128xf32> to vector<1x128xf32>
    %broadcast_in_dim3A_223 = vector.broadcast %broadcast_in_dim3A_222 : vector<1x128xf32> to vector<2048x128xf32>
    %select_n3A_224 = arith.select %eq3A_220, %broadcast_in_dim3A_223, %select_n3A_217 : vector<2048x128xi1>, vector<2048x128xf32>
    %eq3A_225 = arith.constant 1.000000e+01 : f32
    %eq3A_226 = vector.broadcast %eq3A_225 : f32 to vector<2048x128xf32>
    %eq3A_227 = arith.cmpf oeq, %dot_general3A_149, %eq3A_226 : vector<2048x128xf32>
    %slice3A_228 = vector.extract_strided_slice %concatenate3A_153 {offsets = [10, 0], sizes = [1, 128], strides = [1, 1]} : vector<12x128xf32> to vector<1x128xf32>
    %broadcast_in_dim3A_229 = vector.shape_cast %slice3A_228 : vector<1x128xf32> to vector<1x128xf32>
    %broadcast_in_dim3A_230 = vector.broadcast %broadcast_in_dim3A_229 : vector<1x128xf32> to vector<2048x128xf32>
    %select_n3A_231 = arith.select %eq3A_227, %broadcast_in_dim3A_230, %select_n3A_224 : vector<2048x128xi1>, vector<2048x128xf32>
    %eq3A_232 = arith.constant 1.100000e+01 : f32
    %eq3A_233 = vector.broadcast %eq3A_232 : f32 to vector<2048x128xf32>
    %eq3A_234 = arith.cmpf oeq, %dot_general3A_149, %eq3A_233 : vector<2048x128xf32>
    %slice3A_235 = vector.extract_strided_slice %concatenate3A_153 {offsets = [11, 0], sizes = [1, 128], strides = [1, 1]} : vector<12x128xf32> to vector<1x128xf32>
    %broadcast_in_dim3A_236 = vector.shape_cast %slice3A_235 : vector<1x128xf32> to vector<1x128xf32>
    %broadcast_in_dim3A_237 = vector.broadcast %broadcast_in_dim3A_236 : vector<1x128xf32> to vector<2048x128xf32>
    %select_n3A_238 = arith.select %eq3A_234, %broadcast_in_dim3A_237, %select_n3A_231 : vector<2048x128xi1>, vector<2048x128xf32>
    %swap3A_239 = arith.constant 0 : index
    %swap3A_240 = arith.constant 0 : index
    %swap3A_241 = vector.load %arg8[%swap3A_239, %swap3A_240] : memref<2048x128xf32, #tpu.memory_space<vmem>>, vector<2048x128xf32>
    tpu.vector_store %arg8[%swap3A_239, %swap3A_240], %select_n3A_238 {strides = array<i32>} : memref<2048x128xf32, #tpu.memory_space<vmem>>, vector<2048x128xf32>,
    return
  }
}

</mosaic_0001>

<sc_bundles>
// kernel: kernel.4.cloned.1.call-start
scs
__scs_entry_jumppad:
0x0: {  	(pc) =	sbr.rel $0x88, $3  }
0x1: {  	(tag) =	ssettag $0x0;
	lr =	simm.s32 $0x1  }
0x2: {  	[smem:$0x3F9B] =	sst lr;
	_ =	strace $0xD0000000  }
0x3: {  	_ = 	snop  }
0x4: {  	_ = 	snop  }
0x5: {  	_ = 	snop  }
0x6: {  	_ = 	snop  }
0x7: {  	_ = 	snop  }
__scs_overlays_trampoline_lowered:
0x8: {  	[smem:$0x3FAA] =	sst s0  }
0x9: {  	[smem:$0x3FAB] =	sst s1  }
0xa: {  	[smem:$0x3FAC] =	sst s2  }
0xb: {  	[smem:$0x3FAD] =	sst s3  }
0xc: {  	[smem:$0x3FAE] =	sst s4  }
0xd: {  	[smem:$0x3FAF] =	sst s5  }
0xe: {  	[smem:$0x3FB0] =	sst s6  }
0xf: {  	[smem:$0x3FB1] =	sst s7  }
0x10: {  	[smem:$0x3FB2] =	sst s8  }
0x11: {  	[smem:$0x3FB3] =	sst s9;
	s0 =	simm.s32 @!p0 $0x0  }
0x12: {  	s1 =	sld [smem:$0x3F99];
	s0 =	simm.s32 @p0 $0x1  }
0x13: {  	[smem:$0x3FB4] =	sst s0;
	s0 =	simm.s32 @!p1 $0x0  }
0x14: {  	s2 =	sld [smem:$0x3F98];
	s0 =	simm.s32 @p1 $0x1  }
0x15: {  	[smem:$0x3FB5] =	sst s0;
	s0 =	simm.s32 @!p2 $0x0  }
0x16: {  	s3 =	sld [smem:$0x3FDB];
	s0 =	simm.s32 @p2 $0x1  }
0x17: {  	s4 =	simm.s32 $0x1BF5;
	[smem:$0x3FB7] =	sst s0  }
0x18: {  	s0 =	sld [smem:$0x3F9A];
	_ =	swait.ge [sflag:s4], $0x0  }
0x19: {  	s7 =	sld [smem:$0x3F9B]  }
0x1a: {  	s8 =	sadd.s32 $0xFFFFE003, lr  }
0x1b: {  	s9 =	sadd.s32 $0xFFFFFEF7, lr;
	s5 =	simm.s32 $0xFFFFFFFF;
	p2 =	slt.u32 s8, $0xFFFFF086  }
0x1c: {  	p1 =	slt.u32 s9, $0xF7A;
	s5 =	simm.s32 @!p2 $0x0  }
0x1d: {  	s5 =	simm.s32 @p1 $0x1;
	p0 =	seq.s32 s7, s2  }
0x1e: {  	s7 =	smul.u32 @!p0 $0xF7A, s2;
	p2 =	seq.s32 @!p0 s5, $0x0  }
0x1f: {  	s9 =	smul.u32 $0xF7A, s1;
	s8 =	simm.s32 @!p0 $0x1BF5;
	p2 =	por !p2, p0  }
0x20: {  	[sflag:s8] =	ssyncset.s32 @!p0 $0xFFFFF086;
	s6 =	sadd.s32 @!p0 s3, s7;
	s7 =	simm.s32 @!p0 $0x108  }
0x21: {  	s3 =	sadd.s32 s3, s9;
	s6 =	sadd.s32 @!p0 $0x88, s6;
	s7 =	simm.s32 @p2 $0x1082  }
0x22: {  	[simem:s7], [sflag:s8] =	dma.local @!p0 [hbm:s6], $0xF7A  }
0x23: {  	s9 =	sor.u32 $0xD0000000, s2;
	s6 =	simm.s32 $0x108;
	_ =	swait.ge @!p0 [sflag:s8], $0x0  }
0x24: {  	s3 =	sadd.s32 $0x88, s3;
	s6 =	simm.s32 @!p1 $0x1082;
	[sflag:s4] =	ssyncset.s32 $0xFFFFF086  }
0x25: {  	[simem:s6], [sflag:s4] =	dma.local [hbm:s3], $0xF7A  }
0x26: {  	[smem:$0x3F9B] =	sst s1;
	(tag) =	ssettag s2;
	_ =	strace s9  }
0x27: {  	s1 =	sld [smem:$0x3FAB]  }
0x28: {  	s2 =	sld [smem:$0x3FAC]  }
0x29: {  	s4 =	sld [smem:$0x3FAE]  }
0x2a: {  	p0 =	seq.s32 s5, $0x0;
	s5 =	sld [smem:$0x3FAF]  }
0x2b: {  	s6 =	sld [smem:$0x3FB0]  }
0x2c: {  	s7 =	sld [smem:$0x3FB1]  }
0x2d: {  	s3 =	simm.s32 $0x108;
	s8 =	sld [smem:$0x3FB2]  }
0x2e: {  	s3 =	simm.s32 @!p0 $0x1082;
	s9 =	sld [smem:$0x3FB3]  }
0x2f: {  	lr =	sadd.s32 s0, s3;
	s0 =	sld [smem:$0x3FAA]  }
0x30: {  	s3 =	sld [smem:$0x3FAD]  }
0x31: {  	[smem:$0x3FB6] =	sst s10  }
0x32: {  	s10 =	sld [smem:$0x3FB4];
	_ =	sdelay $0x3  }
0x33: {  	p0 =	seq.s32 s10, $0x1;
	s10 =	sld [smem:$0x3FB6];
	_ =	sdelay $0x3  }
0x34: {  	[smem:$0x3FB6] =	sst s10  }
0x35: {  	s10 =	sld [smem:$0x3FB5];
	_ =	sdelay $0x3  }
0x36: {  	p1 =	seq.s32 s10, $0x1;
	s10 =	sld [smem:$0x3FB6];
	_ =	sdelay $0x3  }
0x37: {  	[smem:$0x3FB6] =	sst s10  }
0x38: {  	s10 =	sld [smem:$0x3FB7]  }
0x39: {  	_ = 	snop;
	(pc) =	sbr.ind lr, $3  }
0x3a: {  	_ = 	snop  }
0x3b: {  	_ = 	snop  }
0x3c: {  	p2 =	seq.s32 s10, $0x1;
	s10 =	sld [smem:$0x3FB6]  }
0x3d: {  	_ =	shalt  }
0x3e: {  	_ =	shalt  }
0x3f: {  	_ =	shalt  }
0x40: {  	_ =	shalt  }
0x41: {  	_ =	shalt  }
0x42: {  	_ =	shalt  }
0x43: {  	_ =	shalt  }
0x44: {  	_ =	shalt  }
0x45: {  	_ =	shalt  }
0x46: {  	_ =	shalt  }
0x47: {  	_ =	shalt  }
0x48: {  	_ =	shalt  }
0x49: {  	_ =	shalt  }
0x4a: {  	_ =	shalt  }
0x4b: {  	_ =	shalt  }
0x4c: {  	_ =	shalt  }
0x4d: {  	_ =	shalt  }
0x4e: {  	_ =	shalt  }
0x4f: {  	_ =	shalt  }
0x50: {  	_ =	shalt  }
0x51: {  	_ =	shalt  }
0x52: {  	_ =	shalt  }
0x53: {  	_ =	shalt  }
0x54: {  	_ =	shalt  }
0x55: {  	_ =	shalt  }
0x56: {  	_ =	shalt  }
0x57: {  	_ =	shalt  }
0x58: {  	_ =	shalt  }
0x59: {  	_ =	shalt  }
0x5a: {  	_ =	shalt  }
0x5b: {  	_ =	shalt  }
0x5c: {  	_ =	shalt  }
0x5d: {  	_ =	shalt  }
0x5e: {  	_ =	shalt  }
0x5f: {  	_ =	shalt  }
0x60: {  	_ =	shalt  }
0x61: {  	_ =	shalt  }
0x62: {  	_ =	shalt  }
0x63: {  	_ =	shalt  }
0x64: {  	_ =	shalt  }
0x65: {  	_ =	shalt  }
0x66: {  	_ =	shalt  }
0x67: {  	_ =	shalt  }
0x68: {  	_ =	shalt  }
0x69: {  	_ =	shalt  }
0x6a: {  	_ =	shalt  }
0x6b: {  	_ =	shalt  }
0x6c: {  	_ =	shalt  }
0x6d: {  	_ =	shalt  }
0x6e: {  	_ =	shalt  }
0x6f: {  	_ =	shalt  }
0x70: {  	_ =	shalt  }
0x71: {  	_ =	shalt  }
0x72: {  	_ =	shalt  }
0x73: {  	_ =	shalt  }
0x74: {  	_ =	shalt  }
0x75: {  	_ =	shalt  }
0x76: {  	_ =	shalt  }
0x77: {  	_ =	shalt  }
0x78: {  	_ =	shalt  }
0x79: {  	_ =	shalt  }
0x7a: {  	_ =	shalt  }
0x7b: {  	_ =	shalt  }
0x7c: {  	_ =	shalt  }
0x7d: {  	_ =	shalt  }
0x7e: {  	_ =	shalt  }
0x7f: {  	_ =	shalt  }
0x80: {  	_ =	shalt  }
0x81: {  	_ =	shalt  }
0x82: {  	_ =	shalt  }
0x83: {  	_ =	shalt  }
0x84: {  	_ =	shalt  }
0x85: {  	_ =	shalt  }
0x86: {  	_ =	shalt  }
0x87: {  	_ =	shalt  }
.Lfunc_end0:
.L_simem_size_0:
called_computation.1_lowered:
.L_overlay_start_0:
0x88: {  	s2 =	sld [smem:$0x3FD9]  }
0x89: {  	s3 =	sld [smem:$0x3FFE];
	_ =	sdelay $0x1  }
0x8a: {  	s1 =	srdreg.scid  }
0x8b: {  	s0 =	sand.u32 $0x1, s1  }
0x8c: {  	s14 =	sshll.u32 s0, $0xA;
	s2 =	sadd.s32 s3, s2  }
0x8d: {  	s2 =	sadd.s32 s2, s14  }
0x8e: {  	[smem:$0x3FC2] =	sst s2  }
0x8f: {  	_ = 	snop  }
0x90: {  	s2 =	sld [smem:$0x3FD0];
	_ =	sdelay $0x2  }
0x91: {  	s15 =	simm.s32 $0xA;
	s4 =	simm.s32 $0x10  }
0x92: {  	[smem:s4], [sflag:s15] =	dma.local [hbm:s2], $0x1  }
0x93: {  	_ =	swait.eq [sflag:s15], $0x1  }
0x94: {  	[sflag:s15] =	ssyncset.done $0x0  }
0x95: {  	s16 =	sld [smem:$0x10];
	[sflag:s15] =	ssyncadd.s32 $0xFFFFFFFF  }
0x96: {  	s17 =	sld [smem:$0x11];
	(tm) =	ssettm $0x1  }
0x97: {  	s18 =	sld [smem:$0x3FFB];
	_ =	sdelay $0x3  }
0x98: {  	_ =	strace s18  }
0x99: {  	s4 =	sld [smem:$0x3FFC];
	_ =	sdelay $0x3  }
0x9a: {  	_ =	strace s4  }
0x9b: {  	s4 =	sld [smem:$0x3FFD];
	_ =	sdelay $0x3  }
0x9c: {  	_ =	strace s4  }
0x9d: {  	_ =	strace $0x8FFFFFFF  }
0x9e: {  	s19 =	sld [smem:$0x3FDB];
	_ =	sdelay $0x1  }
0x9f: {  	s5 =	simm.s32 $_scs_section_size  }
0xa0: {  	s6 =	simm.s32 $_size__tile_overlayer_lowered;
	s7 =	simm.s32 $_tile_overlayer_lowered  }
0xa1: {  	s22 =	simm.s32 $0x1BFF;
	s21 =	sshll.u32 s7, $0x1;
	s4 =	sadd.s32 s5, s19  }
0xa2: {  	s8 =	simm.s32 $0x0;
	s20 =	sshll.u32 s6, $0x1;
	s6 =	sadd.s32 s21, s4  }
0xa3: {  	[timem:s8], [sflag:s22] =	dma.local [hbm:s6], s20  }
0xa4: {  	_ =	swait.ge [sflag:s22], s20  }
0xa5: {  	s5 =	ssub.s32 $0x0, s20;
	[sflag:s22] =	ssyncset.done $0x0  }
0xa6: {  	[sflag:s22] =	ssyncadd.s32 s5;
	_ =	sdelay $0x1  }
0xa7: {  	s23 =	simm.s32 $0x1B8B  }
0xa8: {  	_ =	swait.ge [sflag:s23], $0x1  }
0xa9: {  	[sflag:s23] =	ssyncset.done $0x0  }
0xaa: {  	s25 =	simm.s32 $0x1B8E;
	s24 =	sld [smem:$0x3FFE];
	[sflag:s23] =	ssyncadd.s32 $0xFFFFFFFF  }
0xab: {  	s26 =	simm.s32 $execute0_lowered;
	[smem:$0x3FD2] =	sst s25  }
0xac: {  	s6 =	sshll.u32 s26, $0x1;
	_ =	strace $0x80000046;
	[dreg:$0x1] =	wrdreg $0xFFFFFFFF  }
0xad: {  	s28 =	simm.s32 $_size_execute0_lowered;
	s4 =	sadd.s32 s4, s6;
	[dreg:$0x0] =	wrdreg $0x0  }
0xae: {  	s6 =	sshll.u32 s28, $0x1;
	[dreg:$0x2] =	wrdreg s4  }
0xaf: {  	[dreg:$0x3] =	wrdreg s6  }
0xb0: {  	[dreg:$0x4] =	wrdreg $0xC0  }
0xb1: {  	_ =	task [dreg:s8], $0x5FFFF  }
0xb2: {  	[dreg:$0x1] =	wrdreg $0xFFFFFFFF  }
0xb3: {  	[dreg:$0x0] =	wrdreg $0x60  }
0xb4: {  	[dreg:$0x2] =	wrdreg s17  }
0xb5: {  	[dreg:$0x3] =	wrdreg s24  }
0xb6: {  	[dreg:$0x4] =	wrdreg s16  }
0xb7: {  	[dreg:$0x5] =	wrdreg $0x9  }
0xb8: {  	_ =	task.clear_ibuf [dreg:s8], $0x6FFFF;
	_ =	strace $0x90000046  }
0xb9: {  	s29 =	simm.s32 $0x9;
	_ =	strace $0x80000048  }
0xba: {  	_ =	swait.ge [sflag:s29], $0x1  }
0xbb: {  	[sflag:s29] =	ssyncadd.s32 $0xFFFFFFFF  }
0xbc: {  	_ =	strace $0x90000048  }
0xbd: {  	_ =	sfence  }
0xbe: {  	s30 =	sld [smem:$0x0];
	_ =	sdelay $0x2  }
0xbf: {  	s31 =	sshll.u32 s1, $0xD;
	s1 =	sshrl.u32 s1, $0x2  }
0xc0: {  	s3 =	sand.u32 $0x4000, s31;
	s1 =	sadd.s32 s1, s30  }
0xc1: {  	s0 =	sor.u32 s3, s0;
	s1 =	sshll.u32 s1, $0x11  }
0xc2: {  	s0 =	sor.u32 s1, s0  }
0xc3: {  	s0 =	sadd.s32 $0x8F2B, s0  }
0xc4: {  	[sflag:s0] =	ssyncadd.remote.s32 $0x1  }
0xc5: {  	_ =	sfence.sel $0xFFFF  }
0xc6: {  	[dreg:$0x0] =	wrdreg $0xFFFFFFFF;
	(pc) =	sbr.abs _section_cstart, $3  }
0xc7: {  	[dreg:$0x1] =	wrdreg $0xFFFFFFFF  }
0xc8: {  	_ =	task.clear_ibuf [dreg:s8], $0x2FFFF;
	_ =	strace $0x9FFFFFFF  }
0xc9: {  	(tm) =	ssettm $0x7FFFFFFF  }
tec
execute0_lowered:
.L_overlay_start_1:
0x0: {  	(tag) =	ssettag $0x1  }
0x1: {  	s1 =	rddreg [dreg:$0x0]  }
0x2: {  	s5 =	stileid.u32;
	s2 =	rddreg [dreg:$0x1]  }
0x3: {  	s0 =	srdreg.scid;
	s4 =	rddreg [dreg:$0x2];
	s31 =	simm.s32 $0x80  }
0x4: {  	s0 =	sand.u32 $0x1, s0;
	s3 =	sshll.u32 s5, $0x1;
	s5 =	sshll.u32 s5, $0x8  }
0x5: {  	s6 =	sor.u32 s0, s3;
	s5 =	sand.u32 $0xC00, s5;
	s3 =	simm.s32 $0x0  }
0x6: {  	s2 =	sadd.s32 s5, s2;
	[smem:$0x7FF] =	sst s3;
	s13 =	sshll.u32 s6, $0x10  }
0x7: {  	_ =	strace $0x80000047;
	s5 =	sadd.s32 s4, s13;
	[dreg:$0x14] =	wrdreg s31  }
0x8: {  	s14 =	sadd.s32 $0x1000, s5;
	[dreg:$0x15] =	wrdreg s5  }
0x9: {  	s15 =	sadd.s32 $0x2000, s5;
	[dreg:$0x5] =	wrdreg s14  }
0xa: {  	s16 =	sadd.s32 $0x3000, s5;
	[dreg:$0x6] =	wrdreg s15  }
0xb: {  	s17 =	sadd.s32 $0x4000, s5;
	[dreg:$0x7] =	wrdreg s16  }
0xc: {  	s18 =	sadd.s32 $0x5000, s5;
	[dreg:$0x8] =	wrdreg s17  }
0xd: {  	s19 =	sadd.s32 $0x6000, s5;
	[dreg:$0x9] =	wrdreg s18  }
0xe: {  	s20 =	sadd.s32 $0x7000, s5;
	[dreg:$0xa] =	wrdreg s19  }
0xf: {  	s0 =	ssub.s32 $0x2, s0;
	s21 =	sadd.s32 $0x8000, s5;
	[dreg:$0xb] =	wrdreg s20  }
0x10: {  	s7 =	sshll.u32 s6, $0x4;
	s22 =	sadd.s32 $0x9000, s5;
	[dreg:$0xc] =	wrdreg s21  }
0x11: {  	s28 =	sshrl.u32 s0, $0x1;
	s23 =	sadd.s32 $0xA000, s5;
	[dreg:$0xd] =	wrdreg s22  }
0x12: {  	s12 =	sand.u32 $0x70, s7;
	s24 =	sadd.s32 $0xB000, s5;
	[dreg:$0xe] =	wrdreg s23  }
0x13: {  	s0 =	ssub.s32 s0, s28;
	s25 =	sadd.s32 $0xC000, s5;
	[dreg:$0xf] =	wrdreg s24  }
0x14: {  	s7 =	simm.s32 $0x400;
	s26 =	sadd.s32 $0xD000, s5;
	[dreg:$0x10] =	wrdreg s25  }
0x15: {  	s2 =	sadd.s32 s12, s2;
	s29 =	sadd.s32 $0xE000, s5;
	[dreg:$0x11] =	wrdreg s26  }
0x16: {  	s30 =	sadd.s32 $0xF000, s5;
	s5 =	sadd.s32 $0x100, s1;
	[dreg:$0x12] =	wrdreg s29  }
0x17: {  	v2 =	vlaneseq.u32;
	s0 =	smax.u32 s0, $0x1;
	s2 =	sadd.s32 $0x1800, s2;
	[dreg:$0x13] =	wrdreg s30  }
0x18: {  	vm0 =	vmmov $0xffff;
	v1 =	vshrl.u32 v2, $0x3;
	s24 =	simm.s32 $0x1;
	s25 =	simm.s32 $0x8400;
	s15 =	simm.s32 $0x2  }
0x19: {  	v0 =	vand.u32 $0x7, v2;
	v2 =	vor.u32 $0x8, v2;
	v1 =	vmul.u32 $0x8, v1;
	s16 =	simm.s32 $0x3;
	s17 =	simm.s32 $0x4;
	[dreg:$0x4] =	wrdreg s2  }
.LBB2_1:
0x1a: {  	[dreg:$0x16] =	wrdreg s0  }
0x1b: {  	s18 =	rddreg [dreg:$0x4]  }
0x1c: {  	s19 =	rddreg [dreg:$0x14];
	s14 =	simm.s32 $0x5  }
0x1d: {  	[tilespmem:s3], [sflag:$0x5] =	stream.strided.gather [hbm4b:s18+s19], $0x400, s7, s19, $0x38;
	[tilespmem:$0x10400] =	vst v63  }
0x1e: {  	_ =	swait.ge [sflag:s14], $0x400  }
0x1f: {  	[sflag:s14] =	ssyncset.done $0x0  }
0x20: {  	[sflag:s14] =	ssyncadd.s32 $0xFFFFFC00  }
0x21: {  	v3 =	vld [tilespmem:$0x0];
	_ =	sdelay $0x4  }
0x22: {  	v4 =	vshll.u32 v3, $0x2  }
0x23: {  	v3 =	vand.u32 $0x7, v3;
	v4 =	vand.u32 $0xFFFFFFE0, v4  }
0x24: {  	v3 =	vor.u32 v3, v4  }
0x25: {  	v4 =	vperm.xlane v3, v0;
	_ =	sdelay $0x1  }
0x26: {  	v4 =	vadd.s32 v1, v4;
	_ =	sdelay $0x1  }
0x27: {  	v3 =	vperm.xlane v3, v2;
	_ =	sdelay $0x1  }
0x28: {  	v3 =	vadd.s32 v1, v3  }
0x29: {  	[tilespmem:s7], [sflag:$0x1] =	stream.indirect_vreg.gather [hbm4b:s1+s3], $0x80, v4, vm0, $0xb8;
	[tilespmem:$0x10400] =	vst v63  }
0x2a: {  	s19 =	simm.s32 $0xC00  }
0x2b: {  	[tilespmem:s19], [sflag:$0x1] =	stream.indirect_vreg.gather [hbm4b:s5+s3], $0x80, v4, vm0, $0xb8;
	[tilespmem:$0x10400] =	vst v63  }
0x2c: {  	s20 =	simm.s32 $0x1400  }
0x2d: {  	[tilespmem:s20], [sflag:$0x1] =	stream.indirect_vreg.gather [hbm4b:s1+s3], $0x80, v3, vm0, $0xb8;
	[tilespmem:$0x10400] =	vst v63  }
0x2e: {  	s21 =	simm.s32 $0x1C00  }
0x2f: {  	[tilespmem:s21], [sflag:$0x1] =	stream.indirect_vreg.gather [hbm4b:s5+s3], $0x80, v3, vm0, $0xb8;
	[tilespmem:$0x10400] =	vst v63  }
0x30: {  	v3 =	vld [tilespmem:$0x10];
	_ =	sdelay $0x4  }
0x31: {  	v57 =	vshll.u32 v3, $0x2  }
0x32: {  	v3 =	vand.u32 $0x7, v3;
	v4 =	vand.u32 $0xFFFFFFE0, v57  }
0x33: {  	v3 =	vor.u32 v3, v4  }
0x34: {  	v4 =	vperm.xlane v3, v0;
	_ =	sdelay $0x1  }
0x35: {  	v4 =	vadd.s32 v1, v4;
	_ =	sdelay $0x1  }
0x36: {  	v3 =	vperm.xlane v3, v2;
	_ =	sdelay $0x1  }
0x37: {  	s22 =	simm.s32 $0x2400;
	v3 =	vadd.s32 v1, v3  }
0x38: {  	[tilespmem:s22], [sflag:$0x1] =	stream.indirect_vreg.gather [hbm4b:s1+s3], $0x80, v4, vm0, $0xb8;
	[tilespmem:$0x10400] =	vst v63  }
0x39: {  	s26 =	simm.s32 $0x2C00  }
0x3a: {  	[tilespmem:s26], [sflag:$0x1] =	stream.indirect_vreg.gather [hbm4b:s5+s3], $0x80, v4, vm0, $0xb8;
	[tilespmem:$0x10400] =	vst v63  }
0x3b: {  	s28 =	simm.s32 $0x3400  }
0x3c: {  	[tilespmem:s28], [sflag:$0x1] =	stream.indirect_vreg.gather [hbm4b:s1+s3], $0x80, v3, vm0, $0xb8;
	[tilespmem:$0x10400] =	vst v63  }
0x3d: {  	s29 =	simm.s32 $0x3C00  }
0x3e: {  	[tilespmem:s29], [sflag:$0x1] =	stream.indirect_vreg.gather [hbm4b:s5+s3], $0x80, v3, vm0, $0xb8;
	[tilespmem:$0x10400] =	vst v63  }
0x3f: {  	v3 =	vld [tilespmem:$0x20];
	_ =	sdelay $0x4  }
0x40: {  	v58 =	vshll.u32 v3, $0x2  }
0x41: {  	v3 =	vand.u32 $0x7, v3;
	v4 =	vand.u32 $0xFFFFFFE0, v58  }
0x42: {  	v3 =	vor.u32 v3, v4  }
0x43: {  	v4 =	vperm.xlane v3, v0;
	_ =	sdelay $0x1  }
0x44: {  	v4 =	vadd.s32 v1, v4;
	_ =	sdelay $0x1  }
0x45: {  	v3 =	vperm.xlane v3, v2;
	_ =	sdelay $0x1  }
0x46: {  	s30 =	simm.s32 $0x4400;
	v3 =	vadd.s32 v1, v3  }
0x47: {  	[tilespmem:s30], [sflag:$0x1] =	stream.indirect_vreg.gather [hbm4b:s1+s3], $0x80, v4, vm0, $0xb8;
	[tilespmem:$0x10400] =	vst v63  }
0x48: {  	s2 =	simm.s32 $0x4C00  }
0x49: {  	[tilespmem:s2], [sflag:$0x1] =	stream.indirect_vreg.gather [hbm4b:s5+s3], $0x80, v4, vm0, $0xb8;
	[tilespmem:$0x10400] =	vst v63  }
0x4a: {  	s4 =	simm.s32 $0x5400  }
0x4b: {  	[tilespmem:s4], [sflag:$0x1] =	stream.indirect_vreg.gather [hbm4b:s1+s3], $0x80, v3, vm0, $0xb8;
	[tilespmem:$0x10400] =	vst v63  }
0x4c: {  	s6 =	simm.s32 $0x5C00  }
0x4d: {  	[tilespmem:s6], [sflag:$0x1] =	stream.indirect_vreg.gather [hbm4b:s5+s3], $0x80, v3, vm0, $0xb8;
	[tilespmem:$0x10400] =	vst v63  }
0x4e: {  	v3 =	vld [tilespmem:$0x30];
	_ =	sdelay $0x4  }
0x4f: {  	v59 =	vshll.u32 v3, $0x2  }
0x50: {  	v3 =	vand.u32 $0x7, v3;
	v4 =	vand.u32 $0xFFFFFFE0, v59  }
0x51: {  	v3 =	vor.u32 v3, v4  }
0x52: {  	v4 =	vperm.xlane v3, v0;
	_ =	sdelay $0x1  }
0x53: {  	v4 =	vadd.s32 v1, v4;
	_ =	sdelay $0x1  }
0x54: {  	v3 =	vperm.xlane v3, v2;
	_ =	sdelay $0x1  }
0x55: {  	s8 =	simm.s32 $0x6400;
	v3 =	vadd.s32 v1, v3  }
0x56: {  	[tilespmem:s8], [sflag:$0x1] =	stream.indirect_vreg.gather [hbm4b:s1+s3], $0x80, v4, vm0, $0xb8;
	[tilespmem:$0x10400] =	vst v63  }
0x57: {  	s9 =	simm.s32 $0x6C00  }
0x58: {  	[tilespmem:s9], [sflag:$0x1] =	stream.indirect_vreg.gather [hbm4b:s5+s3], $0x80, v4, vm0, $0xb8;
	[tilespmem:$0x10400] =	vst v63  }
0x59: {  	s10 =	simm.s32 $0x7400  }
0x5a: {  	[tilespmem:s10], [sflag:$0x1] =	stream.indirect_vreg.gather [hbm4b:s1+s3], $0x80, v3, vm0, $0xb8;
	[tilespmem:$0x10400] =	vst v63  }
0x5b: {  	s12 =	simm.s32 $0x7C00  }
0x5c: {  	[tilespmem:s12], [sflag:$0x1] =	stream.indirect_vreg.gather [hbm4b:s5+s3], $0x80, v3, vm0, $0xb8;
	[tilespmem:$0x10400] =	vst v63  }
0x5d: {  	_ =	swait.ge [sflag:s24], $0x8000  }
0x5e: {  	[sflag:s24] =	ssyncset.done $0x0  }
0x5f: {  	s14 =	rddreg [dreg:$0x15];
	[sflag:s24] =	ssyncadd.s32 $0xFFFF8000  }
0x60: {  	[hbm4b:s14+s3] =	stream.linear.scatter [tilespmem:s7], [sflag:$0x3], $0x8000, $0x38;
	[tilespmem:$0x10400] =	vst v63  }
0x61: {  	v3 =	vld [tilespmem:$0x40];
	_ =	sdelay $0x4  }
0x62: {  	v60 =	vshll.u32 v3, $0x2  }
0x63: {  	v3 =	vand.u32 $0x7, v3;
	v4 =	vand.u32 $0xFFFFFFE0, v60  }
0x64: {  	v3 =	vor.u32 v3, v4  }
0x65: {  	v4 =	vperm.xlane v3, v0;
	_ =	sdelay $0x1  }
0x66: {  	v4 =	vadd.s32 v1, v4;
	_ =	sdelay $0x1  }
0x67: {  	v3 =	vperm.xlane v3, v2;
	_ =	sdelay $0x1  }
0x68: {  	v3 =	vadd.s32 v1, v3  }
0x69: {  	[tilespmem:s25], [sflag:$0x2] =	stream.indirect_vreg.gather [hbm4b:s1+s3], $0x80, v4, vm0, $0xb8;
	[tilespmem:$0x10400] =	vst v63  }
0x6a: {  	s20 =	simm.s32 $0x8C00  }
0x6b: {  	[tilespmem:s20], [sflag:$0x2] =	stream.indirect_vreg.gather [hbm4b:s5+s3], $0x80, v4, vm0, $0xb8;
	[tilespmem:$0x10400] =	vst v63  }
0x6c: {  	s21 =	simm.s32 $0x9400  }
0x6d: {  	[tilespmem:s21], [sflag:$0x2] =	stream.indirect_vreg.gather [hbm4b:s1+s3], $0x80, v3, vm0, $0xb8;
	[tilespmem:$0x10400] =	vst v63  }
0x6e: {  	s22 =	simm.s32 $0x9C00  }
0x6f: {  	[tilespmem:s22], [sflag:$0x2] =	stream.indirect_vreg.gather [hbm4b:s5+s3], $0x80, v3, vm0, $0xb8;
	[tilespmem:$0x10400] =	vst v63  }
0x70: {  	v3 =	vld [tilespmem:$0x50];
	_ =	sdelay $0x4  }
0x71: {  	v61 =	vshll.u32 v3, $0x2  }
0x72: {  	v3 =	vand.u32 $0x7, v3;
	v4 =	vand.u32 $0xFFFFFFE0, v61  }
0x73: {  	v3 =	vor.u32 v3, v4  }
0x74: {  	v4 =	vperm.xlane v3, v0;
	_ =	sdelay $0x1  }
0x75: {  	v4 =	vadd.s32 v1, v4;
	_ =	sdelay $0x1  }
0x76: {  	v3 =	vperm.xlane v3, v2;
	_ =	sdelay $0x1  }
0x77: {  	s2 =	simm.s32 $0xA400;
	v3 =	vadd.s32 v1, v3  }
0x78: {  	[tilespmem:s2], [sflag:$0x2] =	stream.indirect_vreg.gather [hbm4b:s1+s3], $0x80, v4, vm0, $0xb8;
	[tilespmem:$0x10400] =	vst v63  }
0x79: {  	s4 =	simm.s32 $0xAC00  }
0x7a: {  	[tilespmem:s4], [sflag:$0x2] =	stream.indirect_vreg.gather [hbm4b:s5+s3], $0x80, v4, vm0, $0xb8;
	[tilespmem:$0x10400] =	vst v63  }
0x7b: {  	s6 =	simm.s32 $0xB400  }
0x7c: {  	[tilespmem:s6], [sflag:$0x2] =	stream.indirect_vreg.gather [hbm4b:s1+s3], $0x80, v3, vm0, $0xb8;
	[tilespmem:$0x10400] =	vst v63  }
0x7d: {  	s8 =	simm.s32 $0xBC00  }
0x7e: {  	[tilespmem:s8], [sflag:$0x2] =	stream.indirect_vreg.gather [hbm4b:s5+s3], $0x80, v3, vm0, $0xb8;
	[tilespmem:$0x10400] =	vst v63  }
0x7f: {  	v3 =	vld [tilespmem:$0x60];
	_ =	sdelay $0x4  }
0x80: {  	v62 =	vshll.u32 v3, $0x2  }
0x81: {  	v3 =	vand.u32 $0x7, v3;
	v4 =	vand.u32 $0xFFFFFFE0, v62  }
0x82: {  	v3 =	vor.u32 v3, v4  }
0x83: {  	v4 =	vperm.xlane v3, v0;
	_ =	sdelay $0x1  }
0x84: {  	v4 =	vadd.s32 v1, v4;
	_ =	sdelay $0x1  }
0x85: {  	v3 =	vperm.xlane v3, v2;
	_ =	sdelay $0x1  }
0x86: {  	s9 =	simm.s32 $0xC400;
	v3 =	vadd.s32 v1, v3  }
0x87: {  	[tilespmem:s9], [sflag:$0x2] =	stream.indirect_vreg.gather [hbm4b:s1+s3], $0x80, v4, vm0, $0xb8;
	[tilespmem:$0x10400] =	vst v63  }
0x88: {  	s10 =	simm.s32 $0xCC00  }
0x89: {  	[tilespmem:s10], [sflag:$0x2] =	stream.indirect_vreg.gather [hbm4b:s5+s3], $0x80, v4, vm0, $0xb8;
	[tilespmem:$0x10400] =	vst v63  }
0x8a: {  	s21 =	simm.s32 $0xD400  }
0x8b: {  	[tilespmem:s21], [sflag:$0x2] =	stream.indirect_vreg.gather [hbm4b:s1+s3], $0x80, v3, vm0, $0xb8;
	[tilespmem:$0x10400] =	vst v63  }
0x8c: {  	s22 =	simm.s32 $0xDC00  }
0x8d: {  	[tilespmem:s22], [sflag:$0x2] =	stream.indirect_vreg.gather [hbm4b:s5+s3], $0x80, v3, vm0, $0xb8;
	[tilespmem:$0x10400] =	vst v63  }
0x8e: {  	v3 =	vld [tilespmem:$0x70];
	_ =	sdelay $0x4  }
0x8f: {  	v63 =	vshll.u32 v3, $0x2  }
0x90: {  	v3 =	vand.u32 $0x7, v3;
	v4 =	vand.u32 $0xFFFFFFE0, v63  }
0x91: {  	v3 =	vor.u32 v3, v4  }
0x92: {  	v4 =	vperm.xlane v3, v0;
	_ =	sdelay $0x1  }
0x93: {  	v4 =	vadd.s32 v1, v4;
	_ =	sdelay $0x1  }
0x94: {  	v3 =	vperm.xlane v3, v2;
	_ =	sdelay $0x1  }
0x95: {  	s8 =	simm.s32 $0xE400;
	v3 =	vadd.s32 v1, v3  }
0x96: {  	[tilespmem:s8], [sflag:$0x2] =	stream.indirect_vreg.gather [hbm4b:s1+s3], $0x80, v4, vm0, $0xb8;
	[tilespmem:$0x10400] =	vst v63  }
0x97: {  	s9 =	simm.s32 $0xEC00  }
0x98: {  	[tilespmem:s9], [sflag:$0x2] =	stream.indirect_vreg.gather [hbm4b:s5+s3], $0x80, v4, vm0, $0xb8;
	[tilespmem:$0x10400] =	vst v63  }
0x99: {  	s10 =	simm.s32 $0xF400  }
0x9a: {  	[tilespmem:s10], [sflag:$0x2] =	stream.indirect_vreg.gather [hbm4b:s1+s3], $0x80, v3, vm0, $0xb8;
	[tilespmem:$0x10400] =	vst v63  }
0x9b: {  	s22 =	simm.s32 $0xFC00  }
0x9c: {  	[tilespmem:s22], [sflag:$0x2] =	stream.indirect_vreg.gather [hbm4b:s5+s3], $0x80, v3, vm0, $0xb8;
	[tilespmem:$0x10400] =	vst v63  }
0x9d: {  	_ =	swait.ge [sflag:s15], $0x8000  }
0x9e: {  	[sflag:s15] =	ssyncset.done $0x0  }
0x9f: {  	s18 =	rddreg [dreg:$0x5];
	[sflag:s15] =	ssyncadd.s32 $0xFFFF8000  }
0xa0: {  	[hbm4b:s18+s3] =	stream.linear.scatter [tilespmem:s25], [sflag:$0x4], $0x8000, $0x38;
	[tilespmem:$0x10400] =	vst v63  }
0xa1: {  	_ =	swait.ge [sflag:s16], $0x8000  }
0xa2: {  	[sflag:s16] =	ssyncset.done $0x0  }
0xa3: {  	[sflag:s16] =	ssyncadd.s32 $0xFFFF8000  }
0xa4: {  	v3 =	vld [tilespmem:$0x80];
	_ =	sdelay $0x4  }
0xa5: {  	v8 =	vshll.u32 v3, $0x2  }
0xa6: {  	v3 =	vand.u32 $0x7, v3;
	v4 =	vand.u32 $0xFFFFFFE0, v8  }
0xa7: {  	v3 =	vor.u32 v3, v4  }
0xa8: {  	v4 =	vperm.xlane v3, v0;
	_ =	sdelay $0x1  }
0xa9: {  	v4 =	vadd.s32 v1, v4;
	_ =	sdelay $0x1  }
0xaa: {  	v3 =	vperm.xlane v3, v2;
	_ =	sdelay $0x1  }
0xab: {  	v3 =	vadd.s32 v1, v3  }
0xac: {  	[tilespmem:s7], [sflag:$0x1] =	stream.indirect_vreg.gather [hbm4b:s1+s3], $0x80, v4, vm0, $0xb8;
	[tilespmem:$0x10400] =	vst v63  }
0xad: {  	s19 =	simm.s32 $0xC00  }
0xae: {  	[tilespmem:s19], [sflag:$0x1] =	stream.indirect_vreg.gather [hbm4b:s5+s3], $0x80, v4, vm0, $0xb8;
	[tilespmem:$0x10400] =	vst v63  }
0xaf: {  	s11 =	simm.s32 $0x1400  }
0xb0: {  	[tilespmem:s11], [sflag:$0x1] =	stream.indirect_vreg.gather [hbm4b:s1+s3], $0x80, v3, vm0, $0xb8;
	[tilespmem:$0x10400] =	vst v63  }
0xb1: {  	s23 =	simm.s32 $0x1C00  }
0xb2: {  	[tilespmem:s23], [sflag:$0x1] =	stream.indirect_vreg.gather [hbm4b:s5+s3], $0x80, v3, vm0, $0xb8;
	[tilespmem:$0x10400] =	vst v63  }
0xb3: {  	v3 =	vld [tilespmem:$0x90];
	_ =	sdelay $0x4  }
0xb4: {  	v9 =	vshll.u32 v3, $0x2  }
0xb5: {  	v3 =	vand.u32 $0x7, v3;
	v4 =	vand.u32 $0xFFFFFFE0, v9  }
0xb6: {  	v3 =	vor.u32 v3, v4  }
0xb7: {  	v4 =	vperm.xlane v3, v0;
	_ =	sdelay $0x1  }
0xb8: {  	v4 =	vadd.s32 v1, v4;
	_ =	sdelay $0x1  }
0xb9: {  	v3 =	vperm.xlane v3, v2;
	_ =	sdelay $0x1  }
0xba: {  	s13 =	simm.s32 $0x2400;
	v3 =	vadd.s32 v1, v3  }
0xbb: {  	[tilespmem:s13], [sflag:$0x1] =	stream.indirect_vreg.gather [hbm4b:s1+s3], $0x80, v4, vm0, $0xb8;
	[tilespmem:$0x10400] =	vst v63  }
0xbc: {  	s23 =	simm.s32 $0x2C00  }
0xbd: {  	[tilespmem:s23], [sflag:$0x1] =	stream.indirect_vreg.gather [hbm4b:s5+s3], $0x80, v4, vm0, $0xb8;
	[tilespmem:$0x10400] =	vst v63  }
0xbe: {  	s26 =	simm.s32 $0x3400  }
0xbf: {  	[tilespmem:s26], [sflag:$0x1] =	stream.indirect_vreg.gather [hbm4b:s1+s3], $0x80, v3, vm0, $0xb8;
	[tilespmem:$0x10400] =	vst v63  }
0xc0: {  	s31 =	simm.s32 $0x3C00  }
0xc1: {  	[tilespmem:s31], [sflag:$0x1] =	stream.indirect_vreg.gather [hbm4b:s5+s3], $0x80, v3, vm0, $0xb8;
	[tilespmem:$0x10400] =	vst v63  }
0xc2: {  	v3 =	vld [tilespmem:$0xA0];
	_ =	sdelay $0x4  }
0xc3: {  	v10 =	vshll.u32 v3, $0x2  }
0xc4: {  	v3 =	vand.u32 $0x7, v3;
	v4 =	vand.u32 $0xFFFFFFE0, v10  }
0xc5: {  	v3 =	vor.u32 v3, v4  }
0xc6: {  	v4 =	vperm.xlane v3, v0;
	_ =	sdelay $0x1  }
0xc7: {  	v4 =	vadd.s32 v1, v4;
	_ =	sdelay $0x1  }
0xc8: {  	v3 =	vperm.xlane v3, v2;
	_ =	sdelay $0x1  }
0xc9: {  	s28 =	simm.s32 $0x4400;
	v3 =	vadd.s32 v1, v3  }
0xca: {  	[tilespmem:s28], [sflag:$0x1] =	stream.indirect_vreg.gather [hbm4b:s1+s3], $0x80, v4, vm0, $0xb8;
	[tilespmem:$0x10400] =	vst v63  }
0xcb: {  	s29 =	simm.s32 $0x4C00  }
0xcc: {  	[tilespmem:s29], [sflag:$0x1] =	stream.indirect_vreg.gather [hbm4b:s5+s3], $0x80, v4, vm0, $0xb8;
	[tilespmem:$0x10400] =	vst v63  }
0xcd: {  	s30 =	simm.s32 $0x5400  }
0xce: {  	[tilespmem:s30], [sflag:$0x1] =	stream.indirect_vreg.gather [hbm4b:s1+s3], $0x80, v3, vm0, $0xb8;
	[tilespmem:$0x10400] =	vst v63  }
0xcf: {  	s30 =	simm.s32 $0x5C00  }
0xd0: {  	[tilespmem:s30], [sflag:$0x1] =	stream.indirect_vreg.gather [hbm4b:s5+s3], $0x80, v3, vm0, $0xb8;
	[tilespmem:$0x10400] =	vst v63  }
0xd1: {  	v3 =	vld [tilespmem:$0xB0];
	_ =	sdelay $0x4  }
0xd2: {  	v11 =	vshll.u32 v3, $0x2  }
0xd3: {  	v3 =	vand.u32 $0x7, v3;
	v4 =	vand.u32 $0xFFFFFFE0, v11  }
0xd4: {  	v3 =	vor.u32 v3, v4  }
0xd5: {  	v4 =	vperm.xlane v3, v0;
	_ =	sdelay $0x1  }
0xd6: {  	v4 =	vadd.s32 v1, v4;
	_ =	sdelay $0x1  }
0xd7: {  	v3 =	vperm.xlane v3, v2;
	_ =	sdelay $0x1  }
0xd8: {  	s26 =	simm.s32 $0x6400;
	v3 =	vadd.s32 v1, v3  }
0xd9: {  	[tilespmem:s26], [sflag:$0x1] =	stream.indirect_vreg.gather [hbm4b:s1+s3], $0x80, v4, vm0, $0xb8;
	[tilespmem:$0x10400] =	vst v63  }
0xda: {  	s28 =	simm.s32 $0x6C00  }
0xdb: {  	[tilespmem:s28], [sflag:$0x1] =	stream.indirect_vreg.gather [hbm4b:s5+s3], $0x80, v4, vm0, $0xb8;
	[tilespmem:$0x10400] =	vst v63  }
0xdc: {  	s29 =	simm.s32 $0x7400  }
0xdd: {  	[tilespmem:s29], [sflag:$0x1] =	stream.indirect_vreg.gather [hbm4b:s1+s3], $0x80, v3, vm0, $0xb8;
	[tilespmem:$0x10400] =	vst v63  }
0xde: {  	s31 =	simm.s32 $0x7C00  }
0xdf: {  	[tilespmem:s31], [sflag:$0x1] =	stream.indirect_vreg.gather [hbm4b:s5+s3], $0x80, v3, vm0, $0xb8;
	[tilespmem:$0x10400] =	vst v63  }
0xe0: {  	_ =	swait.ge [sflag:s24], $0x8000  }
0xe1: {  	[sflag:s24] =	ssyncset.done $0x0  }
0xe2: {  	s19 =	rddreg [dreg:$0x6];
	[sflag:s24] =	ssyncadd.s32 $0xFFFF8000  }
0xe3: {  	[hbm4b:s19+s3] =	stream.linear.scatter [tilespmem:s7], [sflag:$0x3], $0x8000, $0x38;
	[tilespmem:$0x10400] =	vst v63  }
0xe4: {  	_ =	swait.ge [sflag:s17], $0x8000  }
0xe5: {  	[sflag:s17] =	ssyncset.done $0x0  }
0xe6: {  	[sflag:s17] =	ssyncadd.s32 $0xFFFF8000  }
0xe7: {  	v3 =	vld [tilespmem:$0xC0];
	_ =	sdelay $0x4  }
0xe8: {  	v12 =	vshll.u32 v3, $0x2  }
0xe9: {  	v3 =	vand.u32 $0x7, v3;
	v4 =	vand.u32 $0xFFFFFFE0, v12  }
0xea: {  	v3 =	vor.u32 v3, v4  }
0xeb: {  	v4 =	vperm.xlane v3, v0;
	_ =	sdelay $0x1  }
0xec: {  	v4 =	vadd.s32 v1, v4;
	_ =	sdelay $0x1  }
0xed: {  	v3 =	vperm.xlane v3, v2;
	_ =	sdelay $0x1  }
0xee: {  	v3 =	vadd.s32 v1, v3  }
0xef: {  	[tilespmem:s25], [sflag:$0x2] =	stream.indirect_vreg.gather [hbm4b:s1+s3], $0x80, v4, vm0, $0xb8;
	[tilespmem:$0x10400] =	vst v63  }
0xf0: {  	s13 =	simm.s32 $0x8C00  }
0xf1: {  	[tilespmem:s13], [sflag:$0x2] =	stream.indirect_vreg.gather [hbm4b:s5+s3], $0x80, v4, vm0, $0xb8;
	[tilespmem:$0x10400] =	vst v63  }
0xf2: {  	s11 =	simm.s32 $0x9400  }
0xf3: {  	[tilespmem:s11], [sflag:$0x2] =	stream.indirect_vreg.gather [hbm4b:s1+s3], $0x80, v3, vm0, $0xb8;
	[tilespmem:$0x10400] =	vst v63  }
0xf4: {  	s12 =	simm.s32 $0x9C00  }
0xf5: {  	[tilespmem:s12], [sflag:$0x2] =	stream.indirect_vreg.gather [hbm4b:s5+s3], $0x80, v3, vm0, $0xb8;
	[tilespmem:$0x10400] =	vst v63  }
0xf6: {  	v3 =	vld [tilespmem:$0xD0];
	_ =	sdelay $0x4  }
0xf7: {  	v13 =	vshll.u32 v3, $0x2  }
0xf8: {  	v3 =	vand.u32 $0x7, v3;
	v4 =	vand.u32 $0xFFFFFFE0, v13  }
0xf9: {  	v3 =	vor.u32 v3, v4  }
0xfa: {  	v4 =	vperm.xlane v3, v0;
	_ =	sdelay $0x1  }
0xfb: {  	v4 =	vadd.s32 v1, v4;
	_ =	sdelay $0x1  }
0xfc: {  	v3 =	vperm.xlane v3, v2;
	_ =	sdelay $0x1  }
0xfd: {  	s12 =	simm.s32 $0xA400;
	v3 =	vadd.s32 v1, v3  }
0xfe: {  	[tilespmem:s12], [sflag:$0x2] =	stream.indirect_vreg.gather [hbm4b:s1+s3], $0x80, v4, vm0, $0xb8;
	[tilespmem:$0x10400] =	vst v63  }
0xff: {  	s14 =	simm.s32 $0xAC00  }
0x100: {  	[tilespmem:s14], [sflag:$0x2] =	stream.indirect_vreg.gather [hbm4b:s5+s3], $0x80, v4, vm0, $0xb8;
	[tilespmem:$0x10400] =	vst v63  }
0x101: {  	s0 =	simm.s32 $0xB400  }
0x102: {  	[tilespmem:s0], [sflag:$0x2] =	stream.indirect_vreg.gather [hbm4b:s1+s3], $0x80, v3, vm0, $0xb8;
	[tilespmem:$0x10400] =	vst v63  }
0x103: {  	s20 =	simm.s32 $0xBC00  }
0x104: {  	[tilespmem:s20], [sflag:$0x2] =	stream.indirect_vreg.gather [hbm4b:s5+s3], $0x80, v3, vm0, $0xb8;
	[tilespmem:$0x10400] =	vst v63  }
0x105: {  	v3 =	vld [tilespmem:$0xE0];
	_ =	sdelay $0x4  }
0x106: {  	v14 =	vshll.u32 v3, $0x2  }
0x107: {  	v3 =	vand.u32 $0x7, v3;
	v4 =	vand.u32 $0xFFFFFFE0, v14  }
0x108: {  	v3 =	vor.u32 v3, v4  }
0x109: {  	v4 =	vperm.xlane v3, v0;
	_ =	sdelay $0x1  }
0x10a: {  	v4 =	vadd.s32 v1, v4;
	_ =	sdelay $0x1  }
0x10b: {  	v3 =	vperm.xlane v3, v2;
	_ =	sdelay $0x1  }
0x10c: {  	s2 =	simm.s32 $0xC400;
	v3 =	vadd.s32 v1, v3  }
0x10d: {  	[tilespmem:s2], [sflag:$0x2] =	stream.indirect_vreg.gather [hbm4b:s1+s3], $0x80, v4, vm0, $0xb8;
	[tilespmem:$0x10400] =	vst v63  }
0x10e: {  	s4 =	simm.s32 $0xCC00  }
0x10f: {  	[tilespmem:s4], [sflag:$0x2] =	stream.indirect_vreg.gather [hbm4b:s5+s3], $0x80, v4, vm0, $0xb8;
	[tilespmem:$0x10400] =	vst v63  }
0x110: {  	s6 =	simm.s32 $0xD400  }
0x111: {  	[tilespmem:s6], [sflag:$0x2] =	stream.indirect_vreg.gather [hbm4b:s1+s3], $0x80, v3, vm0, $0xb8;
	[tilespmem:$0x10400] =	vst v63  }
0x112: {  	s21 =	simm.s32 $0xDC00  }
0x113: {  	[tilespmem:s21], [sflag:$0x2] =	stream.indirect_vreg.gather [hbm4b:s5+s3], $0x80, v3, vm0, $0xb8;
	[tilespmem:$0x10400] =	vst v63  }
0x114: {  	v3 =	vld [tilespmem:$0xF0];
	_ =	sdelay $0x4  }
0x115: {  	v15 =	vshll.u32 v3, $0x2  }
0x116: {  	v3 =	vand.u32 $0x7, v3;
	v4 =	vand.u32 $0xFFFFFFE0, v15  }
0x117: {  	v3 =	vor.u32 v3, v4  }
0x118: {  	v4 =	vperm.xlane v3, v0;
	_ =	sdelay $0x1  }
0x119: {  	v4 =	vadd.s32 v1, v4;
	_ =	sdelay $0x1  }
0x11a: {  	v3 =	vperm.xlane v3, v2;
	_ =	sdelay $0x1  }
0x11b: {  	s8 =	simm.s32 $0xE400;
	v3 =	vadd.s32 v1, v3  }
0x11c: {  	[tilespmem:s8], [sflag:$0x2] =	stream.indirect_vreg.gather [hbm4b:s1+s3], $0x80, v4, vm0, $0xb8;
	[tilespmem:$0x10400] =	vst v63  }
0x11d: {  	s9 =	simm.s32 $0xEC00  }
0x11e: {  	[tilespmem:s9], [sflag:$0x2] =	stream.indirect_vreg.gather [hbm4b:s5+s3], $0x80, v4, vm0, $0xb8;
	[tilespmem:$0x10400] =	vst v63  }
0x11f: {  	s10 =	simm.s32 $0xF400  }
0x120: {  	[tilespmem:s10], [sflag:$0x2] =	stream.indirect_vreg.gather [hbm4b:s1+s3], $0x80, v3, vm0, $0xb8;
	[tilespmem:$0x10400] =	vst v63  }
0x121: {  	s22 =	simm.s32 $0xFC00  }
0x122: {  	[tilespmem:s22], [sflag:$0x2] =	stream.indirect_vreg.gather [hbm4b:s5+s3], $0x80, v3, vm0, $0xb8;
	[tilespmem:$0x10400] =	vst v63  }
0x123: {  	_ =	swait.ge [sflag:s15], $0x8000  }
0x124: {  	[sflag:s15] =	ssyncset.done $0x0  }
0x125: {  	s22 =	rddreg [dreg:$0x7];
	[sflag:s15] =	ssyncadd.s32 $0xFFFF8000  }
0x126: {  	[hbm4b:s22+s3] =	stream.linear.scatter [tilespmem:s25], [sflag:$0x4], $0x8000, $0x38;
	[tilespmem:$0x10400] =	vst v63  }
0x127: {  	_ =	swait.ge [sflag:s16], $0x8000  }
0x128: {  	[sflag:s16] =	ssyncset.done $0x0  }
0x129: {  	[sflag:s16] =	ssyncadd.s32 $0xFFFF8000  }
0x12a: {  	v3 =	vld [tilespmem:$0x100];
	_ =	sdelay $0x4  }
0x12b: {  	v16 =	vshll.u32 v3, $0x2  }
0x12c: {  	v3 =	vand.u32 $0x7, v3;
	v4 =	vand.u32 $0xFFFFFFE0, v16  }
0x12d: {  	v3 =	vor.u32 v3, v4  }
0x12e: {  	v4 =	vperm.xlane v3, v0;
	_ =	sdelay $0x1  }
0x12f: {  	v4 =	vadd.s32 v1, v4;
	_ =	sdelay $0x1  }
0x130: {  	v3 =	vperm.xlane v3, v2;
	_ =	sdelay $0x1  }
0x131: {  	v3 =	vadd.s32 v1, v3  }
0x132: {  	[tilespmem:s7], [sflag:$0x1] =	stream.indirect_vreg.gather [hbm4b:s1+s3], $0x80, v4, vm0, $0xb8;
	[tilespmem:$0x10400] =	vst v63  }
0x133: {  	s22 =	simm.s32 $0xC00  }
0x134: {  	[tilespmem:s22], [sflag:$0x1] =	stream.indirect_vreg.gather [hbm4b:s5+s3], $0x80, v4, vm0, $0xb8;
	[tilespmem:$0x10400] =	vst v63  }
0x135: {  	s22 =	simm.s32 $0x1400  }
0x136: {  	[tilespmem:s22], [sflag:$0x1] =	stream.indirect_vreg.gather [hbm4b:s1+s3], $0x80, v3, vm0, $0xb8;
	[tilespmem:$0x10400] =	vst v63  }
0x137: {  	s22 =	simm.s32 $0x1C00  }
0x138: {  	[tilespmem:s22], [sflag:$0x1] =	stream.indirect_vreg.gather [hbm4b:s5+s3], $0x80, v3, vm0, $0xb8;
	[tilespmem:$0x10400] =	vst v63  }
0x139: {  	v3 =	vld [tilespmem:$0x110];
	_ =	sdelay $0x4  }
0x13a: {  	v17 =	vshll.u32 v3, $0x2  }
0x13b: {  	v3 =	vand.u32 $0x7, v3;
	v4 =	vand.u32 $0xFFFFFFE0, v17  }
0x13c: {  	v3 =	vor.u32 v3, v4  }
0x13d: {  	v4 =	vperm.xlane v3, v0;
	_ =	sdelay $0x1  }
0x13e: {  	v4 =	vadd.s32 v1, v4;
	_ =	sdelay $0x1  }
0x13f: {  	v3 =	vperm.xlane v3, v2;
	_ =	sdelay $0x1  }
0x140: {  	s22 =	simm.s32 $0x2400;
	v3 =	vadd.s32 v1, v3  }
0x141: {  	[tilespmem:s22], [sflag:$0x1] =	stream.indirect_vreg.gather [hbm4b:s1+s3], $0x80, v4, vm0, $0xb8;
	[tilespmem:$0x10400] =	vst v63  }
0x142: {  	_ = 	snop  }
0x143: {  	[tilespmem:s23], [sflag:$0x1] =	stream.indirect_vreg.gather [hbm4b:s5+s3], $0x80, v4, vm0, $0xb8;
	[tilespmem:$0x10400] =	vst v63  }
0x144: {  	s22 =	simm.s32 $0x3400  }
0x145: {  	[tilespmem:s22], [sflag:$0x1] =	stream.indirect_vreg.gather [hbm4b:s1+s3], $0x80, v3, vm0, $0xb8;
	[tilespmem:$0x10400] =	vst v63  }
0x146: {  	s22 =	simm.s32 $0x3C00  }
0x147: {  	[tilespmem:s22], [sflag:$0x1] =	stream.indirect_vreg.gather [hbm4b:s5+s3], $0x80, v3, vm0, $0xb8;
	[tilespmem:$0x10400] =	vst v63  }
0x148: {  	v3 =	vld [tilespmem:$0x120];
	_ =	sdelay $0x4  }
0x149: {  	v18 =	vshll.u32 v3, $0x2  }
0x14a: {  	v3 =	vand.u32 $0x7, v3;
	v4 =	vand.u32 $0xFFFFFFE0, v18  }
0x14b: {  	v3 =	vor.u32 v3, v4  }
0x14c: {  	v4 =	vperm.xlane v3, v0;
	_ =	sdelay $0x1  }
0x14d: {  	v4 =	vadd.s32 v1, v4;
	_ =	sdelay $0x1  }
0x14e: {  	v3 =	vperm.xlane v3, v2;
	_ =	sdelay $0x1  }
0x14f: {  	s22 =	simm.s32 $0x4400;
	v3 =	vadd.s32 v1, v3  }
0x150: {  	[tilespmem:s22], [sflag:$0x1] =	stream.indirect_vreg.gather [hbm4b:s1+s3], $0x80, v4, vm0, $0xb8;
	[tilespmem:$0x10400] =	vst v63  }
0x151: {  	s22 =	simm.s32 $0x4C00  }
0x152: {  	[tilespmem:s22], [sflag:$0x1] =	stream.indirect_vreg.gather [hbm4b:s5+s3], $0x80, v4, vm0, $0xb8;
	[tilespmem:$0x10400] =	vst v63  }
0x153: {  	s22 =	simm.s32 $0x5400  }
0x154: {  	[tilespmem:s22], [sflag:$0x1] =	stream.indirect_vreg.gather [hbm4b:s1+s3], $0x80, v3, vm0, $0xb8;
	[tilespmem:$0x10400] =	vst v63  }
0x155: {  	_ = 	snop  }
0x156: {  	[tilespmem:s30], [sflag:$0x1] =	stream.indirect_vreg.gather [hbm4b:s5+s3], $0x80, v3, vm0, $0xb8;
	[tilespmem:$0x10400] =	vst v63  }
0x157: {  	v3 =	vld [tilespmem:$0x130];
	_ =	sdelay $0x4  }
0x158: {  	v19 =	vshll.u32 v3, $0x2  }
0x159: {  	v3 =	vand.u32 $0x7, v3;
	v4 =	vand.u32 $0xFFFFFFE0, v19  }
0x15a: {  	v3 =	vor.u32 v3, v4  }
0x15b: {  	v4 =	vperm.xlane v3, v0;
	_ =	sdelay $0x1  }
0x15c: {  	v4 =	vadd.s32 v1, v4;
	_ =	sdelay $0x1  }
0x15d: {  	v3 =	vperm.xlane v3, v2;
	_ =	sdelay $0x1  }
0x15e: {  	v3 =	vadd.s32 v1, v3  }
0x15f: {  	[tilespmem:s26], [sflag:$0x1] =	stream.indirect_vreg.gather [hbm4b:s1+s3], $0x80, v4, vm0, $0xb8;
	[tilespmem:$0x10400] =	vst v63  }
0x160: {  	_ = 	snop  }
0x161: {  	[tilespmem:s28], [sflag:$0x1] =	stream.indirect_vreg.gather [hbm4b:s5+s3], $0x80, v4, vm0, $0xb8;
	[tilespmem:$0x10400] =	vst v63  }
0x162: {  	_ = 	snop  }
0x163: {  	[tilespmem:s29], [sflag:$0x1] =	stream.indirect_vreg.gather [hbm4b:s1+s3], $0x80, v3, vm0, $0xb8;
	[tilespmem:$0x10400] =	vst v63  }
0x164: {  	_ = 	snop  }
0x165: {  	[tilespmem:s31], [sflag:$0x1] =	stream.indirect_vreg.gather [hbm4b:s5+s3], $0x80, v3, vm0, $0xb8;
	[tilespmem:$0x10400] =	vst v63  }
0x166: {  	_ =	swait.ge [sflag:s24], $0x8000  }
0x167: {  	[sflag:s24] =	ssyncset.done $0x0  }
0x168: {  	s31 =	rddreg [dreg:$0x8];
	[sflag:s24] =	ssyncadd.s32 $0xFFFF8000  }
0x169: {  	[hbm4b:s31+s3] =	stream.linear.scatter [tilespmem:s7], [sflag:$0x3], $0x8000, $0x38;
	[tilespmem:$0x10400] =	vst v63  }
0x16a: {  	_ =	swait.ge [sflag:s17], $0x8000  }
0x16b: {  	[sflag:s17] =	ssyncset.done $0x0  }
0x16c: {  	[sflag:s17] =	ssyncadd.s32 $0xFFFF8000  }
0x16d: {  	v3 =	vld [tilespmem:$0x140];
	_ =	sdelay $0x4  }
0x16e: {  	v20 =	vshll.u32 v3, $0x2  }
0x16f: {  	v3 =	vand.u32 $0x7, v3;
	v4 =	vand.u32 $0xFFFFFFE0, v20  }
0x170: {  	v3 =	vor.u32 v3, v4  }
0x171: {  	v4 =	vperm.xlane v3, v0;
	_ =	sdelay $0x1  }
0x172: {  	v4 =	vadd.s32 v1, v4;
	_ =	sdelay $0x1  }
0x173: {  	v3 =	vperm.xlane v3, v2;
	_ =	sdelay $0x1  }
0x174: {  	v3 =	vadd.s32 v1, v3  }
0x175: {  	[tilespmem:s25], [sflag:$0x2] =	stream.indirect_vreg.gather [hbm4b:s1+s3], $0x80, v4, vm0, $0xb8;
	[tilespmem:$0x10400] =	vst v63  }
0x176: {  	_ = 	snop  }
0x177: {  	[tilespmem:s13], [sflag:$0x2] =	stream.indirect_vreg.gather [hbm4b:s5+s3], $0x80, v4, vm0, $0xb8;
	[tilespmem:$0x10400] =	vst v63  }
0x178: {  	_ = 	snop  }
0x179: {  	[tilespmem:s11], [sflag:$0x2] =	stream.indirect_vreg.gather [hbm4b:s1+s3], $0x80, v3, vm0, $0xb8;
	[tilespmem:$0x10400] =	vst v63  }
0x17a: {  	s18 =	simm.s32 $0x9C00  }
0x17b: {  	[tilespmem:s18], [sflag:$0x2] =	stream.indirect_vreg.gather [hbm4b:s5+s3], $0x80, v3, vm0, $0xb8;
	[tilespmem:$0x10400] =	vst v63  }
0x17c: {  	v3 =	vld [tilespmem:$0x150];
	_ =	sdelay $0x4  }
0x17d: {  	v21 =	vshll.u32 v3, $0x2  }
0x17e: {  	v3 =	vand.u32 $0x7, v3;
	v4 =	vand.u32 $0xFFFFFFE0, v21  }
0x17f: {  	v3 =	vor.u32 v3, v4  }
0x180: {  	v4 =	vperm.xlane v3, v0;
	_ =	sdelay $0x1  }
0x181: {  	v4 =	vadd.s32 v1, v4;
	_ =	sdelay $0x1  }
0x182: {  	v3 =	vperm.xlane v3, v2;
	_ =	sdelay $0x1  }
0x183: {  	v3 =	vadd.s32 v1, v3  }
0x184: {  	[tilespmem:s12], [sflag:$0x2] =	stream.indirect_vreg.gather [hbm4b:s1+s3], $0x80, v4, vm0, $0xb8;
	[tilespmem:$0x10400] =	vst v63  }
0x185: {  	s14 =	simm.s32 $0xAC00  }
0x186: {  	[tilespmem:s14], [sflag:$0x2] =	stream.indirect_vreg.gather [hbm4b:s5+s3], $0x80, v4, vm0, $0xb8;
	[tilespmem:$0x10400] =	vst v63  }
0x187: {  	s0 =	simm.s32 $0xB400  }
0x188: {  	[tilespmem:s0], [sflag:$0x2] =	stream.indirect_vreg.gather [hbm4b:s1+s3], $0x80, v3, vm0, $0xb8;
	[tilespmem:$0x10400] =	vst v63  }
0x189: {  	s19 =	simm.s32 $0xBC00  }
0x18a: {  	[tilespmem:s19], [sflag:$0x2] =	stream.indirect_vreg.gather [hbm4b:s5+s3], $0x80, v3, vm0, $0xb8;
	[tilespmem:$0x10400] =	vst v63  }
0x18b: {  	v3 =	vld [tilespmem:$0x160];
	_ =	sdelay $0x4  }
0x18c: {  	v22 =	vshll.u32 v3, $0x2  }
0x18d: {  	v3 =	vand.u32 $0x7, v3;
	v4 =	vand.u32 $0xFFFFFFE0, v22  }
0x18e: {  	v3 =	vor.u32 v3, v4  }
0x18f: {  	v4 =	vperm.xlane v3, v0;
	_ =	sdelay $0x1  }
0x190: {  	v4 =	vadd.s32 v1, v4;
	_ =	sdelay $0x1  }
0x191: {  	v3 =	vperm.xlane v3, v2;
	_ =	sdelay $0x1  }
0x192: {  	s2 =	simm.s32 $0xC400;
	v3 =	vadd.s32 v1, v3  }
0x193: {  	[tilespmem:s2], [sflag:$0x2] =	stream.indirect_vreg.gather [hbm4b:s1+s3], $0x80, v4, vm0, $0xb8;
	[tilespmem:$0x10400] =	vst v63  }
0x194: {  	s4 =	simm.s32 $0xCC00  }
0x195: {  	[tilespmem:s4], [sflag:$0x2] =	stream.indirect_vreg.gather [hbm4b:s5+s3], $0x80, v4, vm0, $0xb8;
	[tilespmem:$0x10400] =	vst v63  }
0x196: {  	s6 =	simm.s32 $0xD400  }
0x197: {  	[tilespmem:s6], [sflag:$0x2] =	stream.indirect_vreg.gather [hbm4b:s1+s3], $0x80, v3, vm0, $0xb8;
	[tilespmem:$0x10400] =	vst v63  }
0x198: {  	s20 =	simm.s32 $0xDC00  }
0x199: {  	[tilespmem:s20], [sflag:$0x2] =	stream.indirect_vreg.gather [hbm4b:s5+s3], $0x80, v3, vm0, $0xb8;
	[tilespmem:$0x10400] =	vst v63  }
0x19a: {  	v3 =	vld [tilespmem:$0x170];
	_ =	sdelay $0x4  }
0x19b: {  	v23 =	vshll.u32 v3, $0x2  }
0x19c: {  	v3 =	vand.u32 $0x7, v3;
	v4 =	vand.u32 $0xFFFFFFE0, v23  }
0x19d: {  	v3 =	vor.u32 v3, v4  }
0x19e: {  	v4 =	vperm.xlane v3, v0;
	_ =	sdelay $0x1  }
0x19f: {  	v4 =	vadd.s32 v1, v4;
	_ =	sdelay $0x1  }
0x1a0: {  	v3 =	vperm.xlane v3, v2;
	_ =	sdelay $0x1  }
0x1a1: {  	s8 =	simm.s32 $0xE400;
	v3 =	vadd.s32 v1, v3  }
0x1a2: {  	[tilespmem:s8], [sflag:$0x2] =	stream.indirect_vreg.gather [hbm4b:s1+s3], $0x80, v4, vm0, $0xb8;
	[tilespmem:$0x10400] =	vst v63  }
0x1a3: {  	s9 =	simm.s32 $0xEC00  }
0x1a4: {  	[tilespmem:s9], [sflag:$0x2] =	stream.indirect_vreg.gather [hbm4b:s5+s3], $0x80, v4, vm0, $0xb8;
	[tilespmem:$0x10400] =	vst v63  }
0x1a5: {  	s10 =	simm.s32 $0xF400  }
0x1a6: {  	[tilespmem:s10], [sflag:$0x2] =	stream.indirect_vreg.gather [hbm4b:s1+s3], $0x80, v3, vm0, $0xb8;
	[tilespmem:$0x10400] =	vst v63  }
0x1a7: {  	s21 =	simm.s32 $0xFC00  }
0x1a8: {  	[tilespmem:s21], [sflag:$0x2] =	stream.indirect_vreg.gather [hbm4b:s5+s3], $0x80, v3, vm0, $0xb8;
	[tilespmem:$0x10400] =	vst v63  }
0x1a9: {  	_ =	swait.ge [sflag:s15], $0x8000  }
0x1aa: {  	[sflag:s15] =	ssyncset.done $0x0  }
0x1ab: {  	s21 =	rddreg [dreg:$0x9];
	[sflag:s15] =	ssyncadd.s32 $0xFFFF8000  }
0x1ac: {  	[hbm4b:s21+s3] =	stream.linear.scatter [tilespmem:s25], [sflag:$0x4], $0x8000, $0x38;
	[tilespmem:$0x10400] =	vst v63  }
0x1ad: {  	_ =	swait.ge [sflag:s16], $0x8000  }
0x1ae: {  	[sflag:s16] =	ssyncset.done $0x0  }
0x1af: {  	[sflag:s16] =	ssyncadd.s32 $0xFFFF8000  }
0x1b0: {  	v3 =	vld [tilespmem:$0x180];
	_ =	sdelay $0x4  }
0x1b1: {  	v24 =	vshll.u32 v3, $0x2  }
0x1b2: {  	v3 =	vand.u32 $0x7, v3;
	v4 =	vand.u32 $0xFFFFFFE0, v24  }
0x1b3: {  	v3 =	vor.u32 v3, v4  }
0x1b4: {  	v4 =	vperm.xlane v3, v0;
	_ =	sdelay $0x1  }
0x1b5: {  	v4 =	vadd.s32 v1, v4;
	_ =	sdelay $0x1  }
0x1b6: {  	v3 =	vperm.xlane v3, v2;
	_ =	sdelay $0x1  }
0x1b7: {  	v3 =	vadd.s32 v1, v3  }
0x1b8: {  	[tilespmem:s7], [sflag:$0x1] =	stream.indirect_vreg.gather [hbm4b:s1+s3], $0x80, v4, vm0, $0xb8;
	[tilespmem:$0x10400] =	vst v63  }
0x1b9: {  	s21 =	simm.s32 $0xC00  }
0x1ba: {  	[tilespmem:s21], [sflag:$0x1] =	stream.indirect_vreg.gather [hbm4b:s5+s3], $0x80, v4, vm0, $0xb8;
	[tilespmem:$0x10400] =	vst v63  }
0x1bb: {  	s21 =	simm.s32 $0x1400  }
0x1bc: {  	[tilespmem:s21], [sflag:$0x1] =	stream.indirect_vreg.gather [hbm4b:s1+s3], $0x80, v3, vm0, $0xb8;
	[tilespmem:$0x10400] =	vst v63  }
0x1bd: {  	s21 =	simm.s32 $0x1C00  }
0x1be: {  	[tilespmem:s21], [sflag:$0x1] =	stream.indirect_vreg.gather [hbm4b:s5+s3], $0x80, v3, vm0, $0xb8;
	[tilespmem:$0x10400] =	vst v63  }
0x1bf: {  	v3 =	vld [tilespmem:$0x190];
	_ =	sdelay $0x4  }
0x1c0: {  	v25 =	vshll.u32 v3, $0x2  }
0x1c1: {  	v3 =	vand.u32 $0x7, v3;
	v4 =	vand.u32 $0xFFFFFFE0, v25  }
0x1c2: {  	v3 =	vor.u32 v3, v4  }
0x1c3: {  	v4 =	vperm.xlane v3, v0;
	_ =	sdelay $0x1  }
0x1c4: {  	v4 =	vadd.s32 v1, v4;
	_ =	sdelay $0x1  }
0x1c5: {  	v3 =	vperm.xlane v3, v2;
	_ =	sdelay $0x1  }
0x1c6: {  	s21 =	simm.s32 $0x2400;
	v3 =	vadd.s32 v1, v3  }
0x1c7: {  	[tilespmem:s21], [sflag:$0x1] =	stream.indirect_vreg.gather [hbm4b:s1+s3], $0x80, v4, vm0, $0xb8;
	[tilespmem:$0x10400] =	vst v63  }
0x1c8: {  	s23 =	simm.s32 $0x2C00  }
0x1c9: {  	[tilespmem:s23], [sflag:$0x1] =	stream.indirect_vreg.gather [hbm4b:s5+s3], $0x80, v4, vm0, $0xb8;
	[tilespmem:$0x10400] =	vst v63  }
0x1ca: {  	s21 =	simm.s32 $0x3400  }
0x1cb: {  	[tilespmem:s21], [sflag:$0x1] =	stream.indirect_vreg.gather [hbm4b:s1+s3], $0x80, v3, vm0, $0xb8;
	[tilespmem:$0x10400] =	vst v63  }
0x1cc: {  	s21 =	simm.s32 $0x3C00  }
0x1cd: {  	[tilespmem:s21], [sflag:$0x1] =	stream.indirect_vreg.gather [hbm4b:s5+s3], $0x80, v3, vm0, $0xb8;
	[tilespmem:$0x10400] =	vst v63  }
0x1ce: {  	v3 =	vld [tilespmem:$0x1A0];
	_ =	sdelay $0x4  }
0x1cf: {  	v26 =	vshll.u32 v3, $0x2  }
0x1d0: {  	v3 =	vand.u32 $0x7, v3;
	v4 =	vand.u32 $0xFFFFFFE0, v26  }
0x1d1: {  	v3 =	vor.u32 v3, v4  }
0x1d2: {  	v4 =	vperm.xlane v3, v0;
	_ =	sdelay $0x1  }
0x1d3: {  	v4 =	vadd.s32 v1, v4;
	_ =	sdelay $0x1  }
0x1d4: {  	v3 =	vperm.xlane v3, v2;
	_ =	sdelay $0x1  }
0x1d5: {  	s21 =	simm.s32 $0x4400;
	v3 =	vadd.s32 v1, v3  }
0x1d6: {  	[tilespmem:s21], [sflag:$0x1] =	stream.indirect_vreg.gather [hbm4b:s1+s3], $0x80, v4, vm0, $0xb8;
	[tilespmem:$0x10400] =	vst v63  }
0x1d7: {  	s21 =	simm.s32 $0x4C00  }
0x1d8: {  	[tilespmem:s21], [sflag:$0x1] =	stream.indirect_vreg.gather [hbm4b:s5+s3], $0x80, v4, vm0, $0xb8;
	[tilespmem:$0x10400] =	vst v63  }
0x1d9: {  	s21 =	simm.s32 $0x5400  }
0x1da: {  	[tilespmem:s21], [sflag:$0x1] =	stream.indirect_vreg.gather [hbm4b:s1+s3], $0x80, v3, vm0, $0xb8;
	[tilespmem:$0x10400] =	vst v63  }
0x1db: {  	s22 =	simm.s32 $0x5C00  }
0x1dc: {  	[tilespmem:s22], [sflag:$0x1] =	stream.indirect_vreg.gather [hbm4b:s5+s3], $0x80, v3, vm0, $0xb8;
	[tilespmem:$0x10400] =	vst v63  }
0x1dd: {  	v3 =	vld [tilespmem:$0x1B0];
	_ =	sdelay $0x4  }
0x1de: {  	v27 =	vshll.u32 v3, $0x2  }
0x1df: {  	v3 =	vand.u32 $0x7, v3;
	v4 =	vand.u32 $0xFFFFFFE0, v27  }
0x1e0: {  	v3 =	vor.u32 v3, v4  }
0x1e1: {  	v4 =	vperm.xlane v3, v0;
	_ =	sdelay $0x1  }
0x1e2: {  	v4 =	vadd.s32 v1, v4;
	_ =	sdelay $0x1  }
0x1e3: {  	v3 =	vperm.xlane v3, v2;
	_ =	sdelay $0x1  }
0x1e4: {  	s26 =	simm.s32 $0x6400;
	v3 =	vadd.s32 v1, v3  }
0x1e5: {  	[tilespmem:s26], [sflag:$0x1] =	stream.indirect_vreg.gather [hbm4b:s1+s3], $0x80, v4, vm0, $0xb8;
	[tilespmem:$0x10400] =	vst v63  }
0x1e6: {  	s28 =	simm.s32 $0x6C00  }
0x1e7: {  	[tilespmem:s28], [sflag:$0x1] =	stream.indirect_vreg.gather [hbm4b:s5+s3], $0x80, v4, vm0, $0xb8;
	[tilespmem:$0x10400] =	vst v63  }
0x1e8: {  	s29 =	simm.s32 $0x7400  }
0x1e9: {  	[tilespmem:s29], [sflag:$0x1] =	stream.indirect_vreg.gather [hbm4b:s1+s3], $0x80, v3, vm0, $0xb8;
	[tilespmem:$0x10400] =	vst v63  }
0x1ea: {  	s30 =	simm.s32 $0x7C00  }
0x1eb: {  	[tilespmem:s30], [sflag:$0x1] =	stream.indirect_vreg.gather [hbm4b:s5+s3], $0x80, v3, vm0, $0xb8;
	[tilespmem:$0x10400] =	vst v63  }
0x1ec: {  	_ =	swait.ge [sflag:s24], $0x8000  }
0x1ed: {  	[sflag:s24] =	ssyncset.done $0x0  }
0x1ee: {  	s30 =	rddreg [dreg:$0xa];
	[sflag:s24] =	ssyncadd.s32 $0xFFFF8000  }
0x1ef: {  	[hbm4b:s30+s3] =	stream.linear.scatter [tilespmem:s7], [sflag:$0x3], $0x8000, $0x38;
	[tilespmem:$0x10400] =	vst v63  }
0x1f0: {  	_ =	swait.ge [sflag:s17], $0x8000  }
0x1f1: {  	[sflag:s17] =	ssyncset.done $0x0  }
0x1f2: {  	[sflag:s17] =	ssyncadd.s32 $0xFFFF8000  }
0x1f3: {  	v3 =	vld [tilespmem:$0x1C0];
	_ =	sdelay $0x4  }
0x1f4: {  	v28 =	vshll.u32 v3, $0x2  }
0x1f5: {  	v3 =	vand.u32 $0x7, v3;
	v4 =	vand.u32 $0xFFFFFFE0, v28  }
0x1f6: {  	v3 =	vor.u32 v3, v4  }
0x1f7: {  	v4 =	vperm.xlane v3, v0;
	_ =	sdelay $0x1  }
0x1f8: {  	v4 =	vadd.s32 v1, v4;
	_ =	sdelay $0x1  }
0x1f9: {  	v3 =	vperm.xlane v3, v2;
	_ =	sdelay $0x1  }
0x1fa: {  	v3 =	vadd.s32 v1, v3  }
0x1fb: {  	[tilespmem:s25], [sflag:$0x2] =	stream.indirect_vreg.gather [hbm4b:s1+s3], $0x80, v4, vm0, $0xb8;
	[tilespmem:$0x10400] =	vst v63  }
0x1fc: {  	s31 =	simm.s32 $0x8C00  }
0x1fd: {  	[tilespmem:s31], [sflag:$0x2] =	stream.indirect_vreg.gather [hbm4b:s5+s3], $0x80, v4, vm0, $0xb8;
	[tilespmem:$0x10400] =	vst v63  }
0x1fe: {  	s13 =	simm.s32 $0x9400  }
0x1ff: {  	[tilespmem:s13], [sflag:$0x2] =	stream.indirect_vreg.gather [hbm4b:s1+s3], $0x80, v3, vm0, $0xb8;
	[tilespmem:$0x10400] =	vst v63  }
0x200: {  	s18 =	simm.s32 $0x9C00  }
0x201: {  	[tilespmem:s18], [sflag:$0x2] =	stream.indirect_vreg.gather [hbm4b:s5+s3], $0x80, v3, vm0, $0xb8;
	[tilespmem:$0x10400] =	vst v63  }
0x202: {  	v3 =	vld [tilespmem:$0x1D0];
	_ =	sdelay $0x4  }
0x203: {  	v29 =	vshll.u32 v3, $0x2  }
0x204: {  	v3 =	vand.u32 $0x7, v3;
	v4 =	vand.u32 $0xFFFFFFE0, v29  }
0x205: {  	v3 =	vor.u32 v3, v4  }
0x206: {  	v4 =	vperm.xlane v3, v0;
	_ =	sdelay $0x1  }
0x207: {  	v4 =	vadd.s32 v1, v4;
	_ =	sdelay $0x1  }
0x208: {  	v3 =	vperm.xlane v3, v2;
	_ =	sdelay $0x1  }
0x209: {  	s11 =	simm.s32 $0xA400;
	v3 =	vadd.s32 v1, v3  }
0x20a: {  	[tilespmem:s11], [sflag:$0x2] =	stream.indirect_vreg.gather [hbm4b:s1+s3], $0x80, v4, vm0, $0xb8;
	[tilespmem:$0x10400] =	vst v63  }
0x20b: {  	s14 =	simm.s32 $0xAC00  }
0x20c: {  	[tilespmem:s14], [sflag:$0x2] =	stream.indirect_vreg.gather [hbm4b:s5+s3], $0x80, v4, vm0, $0xb8;
	[tilespmem:$0x10400] =	vst v63  }
0x20d: {  	s12 =	simm.s32 $0xB400  }
0x20e: {  	[tilespmem:s12], [sflag:$0x2] =	stream.indirect_vreg.gather [hbm4b:s1+s3], $0x80, v3, vm0, $0xb8;
	[tilespmem:$0x10400] =	vst v63  }
0x20f: {  	s19 =	simm.s32 $0xBC00  }
0x210: {  	[tilespmem:s19], [sflag:$0x2] =	stream.indirect_vreg.gather [hbm4b:s5+s3], $0x80, v3, vm0, $0xb8;
	[tilespmem:$0x10400] =	vst v63  }
0x211: {  	v3 =	vld [tilespmem:$0x1E0];
	_ =	sdelay $0x4  }
0x212: {  	v30 =	vshll.u32 v3, $0x2  }
0x213: {  	v3 =	vand.u32 $0x7, v3;
	v4 =	vand.u32 $0xFFFFFFE0, v30  }
0x214: {  	v3 =	vor.u32 v3, v4  }
0x215: {  	v4 =	vperm.xlane v3, v0;
	_ =	sdelay $0x1  }
0x216: {  	v4 =	vadd.s32 v1, v4;
	_ =	sdelay $0x1  }
0x217: {  	v3 =	vperm.xlane v3, v2;
	_ =	sdelay $0x1  }
0x218: {  	s0 =	simm.s32 $0xC400;
	v3 =	vadd.s32 v1, v3  }
0x219: {  	[tilespmem:s0], [sflag:$0x2] =	stream.indirect_vreg.gather [hbm4b:s1+s3], $0x80, v4, vm0, $0xb8;
	[tilespmem:$0x10400] =	vst v63  }
0x21a: {  	s2 =	simm.s32 $0xCC00  }
0x21b: {  	[tilespmem:s2], [sflag:$0x2] =	stream.indirect_vreg.gather [hbm4b:s5+s3], $0x80, v4, vm0, $0xb8;
	[tilespmem:$0x10400] =	vst v63  }
0x21c: {  	s4 =	simm.s32 $0xD400  }
0x21d: {  	[tilespmem:s4], [sflag:$0x2] =	stream.indirect_vreg.gather [hbm4b:s1+s3], $0x80, v3, vm0, $0xb8;
	[tilespmem:$0x10400] =	vst v63  }
0x21e: {  	s20 =	simm.s32 $0xDC00  }
0x21f: {  	[tilespmem:s20], [sflag:$0x2] =	stream.indirect_vreg.gather [hbm4b:s5+s3], $0x80, v3, vm0, $0xb8;
	[tilespmem:$0x10400] =	vst v63  }
0x220: {  	v3 =	vld [tilespmem:$0x1F0];
	_ =	sdelay $0x4  }
0x221: {  	v31 =	vshll.u32 v3, $0x2  }
0x222: {  	v3 =	vand.u32 $0x7, v3;
	v4 =	vand.u32 $0xFFFFFFE0, v31  }
0x223: {  	v3 =	vor.u32 v3, v4  }
0x224: {  	v4 =	vperm.xlane v3, v0;
	_ =	sdelay $0x1  }
0x225: {  	v4 =	vadd.s32 v1, v4;
	_ =	sdelay $0x1  }
0x226: {  	v3 =	vperm.xlane v3, v2;
	_ =	sdelay $0x1  }
0x227: {  	s6 =	simm.s32 $0xE400;
	v3 =	vadd.s32 v1, v3  }
0x228: {  	[tilespmem:s6], [sflag:$0x2] =	stream.indirect_vreg.gather [hbm4b:s1+s3], $0x80, v4, vm0, $0xb8;
	[tilespmem:$0x10400] =	vst v63  }
0x229: {  	s8 =	simm.s32 $0xEC00  }
0x22a: {  	[tilespmem:s8], [sflag:$0x2] =	stream.indirect_vreg.gather [hbm4b:s5+s3], $0x80, v4, vm0, $0xb8;
	[tilespmem:$0x10400] =	vst v63  }
0x22b: {  	s9 =	simm.s32 $0xF400  }
0x22c: {  	[tilespmem:s9], [sflag:$0x2] =	stream.indirect_vreg.gather [hbm4b:s1+s3], $0x80, v3, vm0, $0xb8;
	[tilespmem:$0x10400] =	vst v63  }
0x22d: {  	s10 =	simm.s32 $0xFC00  }
0x22e: {  	[tilespmem:s10], [sflag:$0x2] =	stream.indirect_vreg.gather [hbm4b:s5+s3], $0x80, v3, vm0, $0xb8;
	[tilespmem:$0x10400] =	vst v63  }
0x22f: {  	_ =	swait.ge [sflag:s15], $0x8000  }
0x230: {  	[sflag:s15] =	ssyncset.done $0x0  }
0x231: {  	s20 =	rddreg [dreg:$0xb];
	[sflag:s15] =	ssyncadd.s32 $0xFFFF8000  }
0x232: {  	[hbm4b:s20+s3] =	stream.linear.scatter [tilespmem:s25], [sflag:$0x4], $0x8000, $0x38;
	[tilespmem:$0x10400] =	vst v63  }
0x233: {  	_ =	swait.ge [sflag:s16], $0x8000  }
0x234: {  	[sflag:s16] =	ssyncset.done $0x0  }
0x235: {  	[sflag:s16] =	ssyncadd.s32 $0xFFFF8000  }
0x236: {  	v3 =	vld [tilespmem:$0x200];
	_ =	sdelay $0x4  }
0x237: {  	v32 =	vshll.u32 v3, $0x2  }
0x238: {  	v3 =	vand.u32 $0x7, v3;
	v4 =	vand.u32 $0xFFFFFFE0, v32  }
0x239: {  	v3 =	vor.u32 v3, v4  }
0x23a: {  	v4 =	vperm.xlane v3, v0;
	_ =	sdelay $0x1  }
0x23b: {  	v4 =	vadd.s32 v1, v4;
	_ =	sdelay $0x1  }
0x23c: {  	v3 =	vperm.xlane v3, v2;
	_ =	sdelay $0x1  }
0x23d: {  	v3 =	vadd.s32 v1, v3  }
0x23e: {  	[tilespmem:s7], [sflag:$0x1] =	stream.indirect_vreg.gather [hbm4b:s1+s3], $0x80, v4, vm0, $0xb8;
	[tilespmem:$0x10400] =	vst v63  }
0x23f: {  	s20 =	simm.s32 $0xC00  }
0x240: {  	[tilespmem:s20], [sflag:$0x1] =	stream.indirect_vreg.gather [hbm4b:s5+s3], $0x80, v4, vm0, $0xb8;
	[tilespmem:$0x10400] =	vst v63  }
0x241: {  	s20 =	simm.s32 $0x1400  }
0x242: {  	[tilespmem:s20], [sflag:$0x1] =	stream.indirect_vreg.gather [hbm4b:s1+s3], $0x80, v3, vm0, $0xb8;
	[tilespmem:$0x10400] =	vst v63  }
0x243: {  	s20 =	simm.s32 $0x1C00  }
0x244: {  	[tilespmem:s20], [sflag:$0x1] =	stream.indirect_vreg.gather [hbm4b:s5+s3], $0x80, v3, vm0, $0xb8;
	[tilespmem:$0x10400] =	vst v63  }
0x245: {  	v3 =	vld [tilespmem:$0x210];
	_ =	sdelay $0x4  }
0x246: {  	v33 =	vshll.u32 v3, $0x2  }
0x247: {  	v3 =	vand.u32 $0x7, v3;
	v4 =	vand.u32 $0xFFFFFFE0, v33  }
0x248: {  	v3 =	vor.u32 v3, v4  }
0x249: {  	v4 =	vperm.xlane v3, v0;
	_ =	sdelay $0x1  }
0x24a: {  	v4 =	vadd.s32 v1, v4;
	_ =	sdelay $0x1  }
0x24b: {  	v3 =	vperm.xlane v3, v2;
	_ =	sdelay $0x1  }
0x24c: {  	s20 =	simm.s32 $0x2400;
	v3 =	vadd.s32 v1, v3  }
0x24d: {  	[tilespmem:s20], [sflag:$0x1] =	stream.indirect_vreg.gather [hbm4b:s1+s3], $0x80, v4, vm0, $0xb8;
	[tilespmem:$0x10400] =	vst v63  }
0x24e: {  	s23 =	simm.s32 $0x2C00  }
0x24f: {  	[tilespmem:s23], [sflag:$0x1] =	stream.indirect_vreg.gather [hbm4b:s5+s3], $0x80, v4, vm0, $0xb8;
	[tilespmem:$0x10400] =	vst v63  }
0x250: {  	s20 =	simm.s32 $0x3400  }
0x251: {  	[tilespmem:s20], [sflag:$0x1] =	stream.indirect_vreg.gather [hbm4b:s1+s3], $0x80, v3, vm0, $0xb8;
	[tilespmem:$0x10400] =	vst v63  }
0x252: {  	s20 =	simm.s32 $0x3C00  }
0x253: {  	[tilespmem:s20], [sflag:$0x1] =	stream.indirect_vreg.gather [hbm4b:s5+s3], $0x80, v3, vm0, $0xb8;
	[tilespmem:$0x10400] =	vst v63  }
0x254: {  	v3 =	vld [tilespmem:$0x220];
	_ =	sdelay $0x4  }
0x255: {  	v34 =	vshll.u32 v3, $0x2  }
0x256: {  	v3 =	vand.u32 $0x7, v3;
	v4 =	vand.u32 $0xFFFFFFE0, v34  }
0x257: {  	v3 =	vor.u32 v3, v4  }
0x258: {  	v4 =	vperm.xlane v3, v0;
	_ =	sdelay $0x1  }
0x259: {  	v4 =	vadd.s32 v1, v4;
	_ =	sdelay $0x1  }
0x25a: {  	v3 =	vperm.xlane v3, v2;
	_ =	sdelay $0x1  }
0x25b: {  	s20 =	simm.s32 $0x4400;
	v3 =	vadd.s32 v1, v3  }
0x25c: {  	[tilespmem:s20], [sflag:$0x1] =	stream.indirect_vreg.gather [hbm4b:s1+s3], $0x80, v4, vm0, $0xb8;
	[tilespmem:$0x10400] =	vst v63  }
0x25d: {  	s20 =	simm.s32 $0x4C00  }
0x25e: {  	[tilespmem:s20], [sflag:$0x1] =	stream.indirect_vreg.gather [hbm4b:s5+s3], $0x80, v4, vm0, $0xb8;
	[tilespmem:$0x10400] =	vst v63  }
0x25f: {  	s20 =	simm.s32 $0x5400  }
0x260: {  	[tilespmem:s20], [sflag:$0x1] =	stream.indirect_vreg.gather [hbm4b:s1+s3], $0x80, v3, vm0, $0xb8;
	[tilespmem:$0x10400] =	vst v63  }
0x261: {  	s21 =	simm.s32 $0x5C00  }
0x262: {  	[tilespmem:s21], [sflag:$0x1] =	stream.indirect_vreg.gather [hbm4b:s5+s3], $0x80, v3, vm0, $0xb8;
	[tilespmem:$0x10400] =	vst v63  }
0x263: {  	v3 =	vld [tilespmem:$0x230];
	_ =	sdelay $0x4  }
0x264: {  	v35 =	vshll.u32 v3, $0x2  }
0x265: {  	v3 =	vand.u32 $0x7, v3;
	v4 =	vand.u32 $0xFFFFFFE0, v35  }
0x266: {  	v3 =	vor.u32 v3, v4  }
0x267: {  	v4 =	vperm.xlane v3, v0;
	_ =	sdelay $0x1  }
0x268: {  	v4 =	vadd.s32 v1, v4;
	_ =	sdelay $0x1  }
0x269: {  	v3 =	vperm.xlane v3, v2;
	_ =	sdelay $0x1  }
0x26a: {  	s22 =	simm.s32 $0x6400;
	v3 =	vadd.s32 v1, v3  }
0x26b: {  	[tilespmem:s22], [sflag:$0x1] =	stream.indirect_vreg.gather [hbm4b:s1+s3], $0x80, v4, vm0, $0xb8;
	[tilespmem:$0x10400] =	vst v63  }
0x26c: {  	s26 =	simm.s32 $0x6C00  }
0x26d: {  	[tilespmem:s26], [sflag:$0x1] =	stream.indirect_vreg.gather [hbm4b:s5+s3], $0x80, v4, vm0, $0xb8;
	[tilespmem:$0x10400] =	vst v63  }
0x26e: {  	s28 =	simm.s32 $0x7400  }
0x26f: {  	[tilespmem:s28], [sflag:$0x1] =	stream.indirect_vreg.gather [hbm4b:s1+s3], $0x80, v3, vm0, $0xb8;
	[tilespmem:$0x10400] =	vst v63  }
0x270: {  	s29 =	simm.s32 $0x7C00  }
0x271: {  	[tilespmem:s29], [sflag:$0x1] =	stream.indirect_vreg.gather [hbm4b:s5+s3], $0x80, v3, vm0, $0xb8;
	[tilespmem:$0x10400] =	vst v63  }
0x272: {  	_ =	swait.ge [sflag:s24], $0x8000  }
0x273: {  	[sflag:s24] =	ssyncset.done $0x0  }
0x274: {  	s29 =	rddreg [dreg:$0xc];
	[sflag:s24] =	ssyncadd.s32 $0xFFFF8000  }
0x275: {  	[hbm4b:s29+s3] =	stream.linear.scatter [tilespmem:s7], [sflag:$0x3], $0x8000, $0x38;
	[tilespmem:$0x10400] =	vst v63  }
0x276: {  	_ =	swait.ge [sflag:s17], $0x8000  }
0x277: {  	[sflag:s17] =	ssyncset.done $0x0  }
0x278: {  	[sflag:s17] =	ssyncadd.s32 $0xFFFF8000  }
0x279: {  	v3 =	vld [tilespmem:$0x240];
	_ =	sdelay $0x4  }
0x27a: {  	v36 =	vshll.u32 v3, $0x2  }
0x27b: {  	v3 =	vand.u32 $0x7, v3;
	v4 =	vand.u32 $0xFFFFFFE0, v36  }
0x27c: {  	v3 =	vor.u32 v3, v4  }
0x27d: {  	v4 =	vperm.xlane v3, v0;
	_ =	sdelay $0x1  }
0x27e: {  	v4 =	vadd.s32 v1, v4;
	_ =	sdelay $0x1  }
0x27f: {  	v3 =	vperm.xlane v3, v2;
	_ =	sdelay $0x1  }
0x280: {  	v3 =	vadd.s32 v1, v3  }
0x281: {  	[tilespmem:s25], [sflag:$0x2] =	stream.indirect_vreg.gather [hbm4b:s1+s3], $0x80, v4, vm0, $0xb8;
	[tilespmem:$0x10400] =	vst v63  }
0x282: {  	s30 =	simm.s32 $0x8C00  }
0x283: {  	[tilespmem:s30], [sflag:$0x2] =	stream.indirect_vreg.gather [hbm4b:s5+s3], $0x80, v4, vm0, $0xb8;
	[tilespmem:$0x10400] =	vst v63  }
0x284: {  	s31 =	simm.s32 $0x9400  }
0x285: {  	[tilespmem:s31], [sflag:$0x2] =	stream.indirect_vreg.gather [hbm4b:s1+s3], $0x80, v3, vm0, $0xb8;
	[tilespmem:$0x10400] =	vst v63  }
0x286: {  	s31 =	simm.s32 $0x9C00  }
0x287: {  	[tilespmem:s31], [sflag:$0x2] =	stream.indirect_vreg.gather [hbm4b:s5+s3], $0x80, v3, vm0, $0xb8;
	[tilespmem:$0x10400] =	vst v63  }
0x288: {  	v3 =	vld [tilespmem:$0x250];
	_ =	sdelay $0x4  }
0x289: {  	v37 =	vshll.u32 v3, $0x2  }
0x28a: {  	v3 =	vand.u32 $0x7, v3;
	v4 =	vand.u32 $0xFFFFFFE0, v37  }
0x28b: {  	v3 =	vor.u32 v3, v4  }
0x28c: {  	v4 =	vperm.xlane v3, v0;
	_ =	sdelay $0x1  }
0x28d: {  	v4 =	vadd.s32 v1, v4;
	_ =	sdelay $0x1  }
0x28e: {  	v3 =	vperm.xlane v3, v2;
	_ =	sdelay $0x1  }
0x28f: {  	s13 =	simm.s32 $0xA400;
	v3 =	vadd.s32 v1, v3  }
0x290: {  	[tilespmem:s13], [sflag:$0x2] =	stream.indirect_vreg.gather [hbm4b:s1+s3], $0x80, v4, vm0, $0xb8;
	[tilespmem:$0x10400] =	vst v63  }
0x291: {  	s14 =	simm.s32 $0xAC00  }
0x292: {  	[tilespmem:s14], [sflag:$0x2] =	stream.indirect_vreg.gather [hbm4b:s5+s3], $0x80, v4, vm0, $0xb8;
	[tilespmem:$0x10400] =	vst v63  }
0x293: {  	s11 =	simm.s32 $0xB400  }
0x294: {  	[tilespmem:s11], [sflag:$0x2] =	stream.indirect_vreg.gather [hbm4b:s1+s3], $0x80, v3, vm0, $0xb8;
	[tilespmem:$0x10400] =	vst v63  }
0x295: {  	s12 =	simm.s32 $0xBC00  }
0x296: {  	[tilespmem:s12], [sflag:$0x2] =	stream.indirect_vreg.gather [hbm4b:s5+s3], $0x80, v3, vm0, $0xb8;
	[tilespmem:$0x10400] =	vst v63  }
0x297: {  	v3 =	vld [tilespmem:$0x260];
	_ =	sdelay $0x4  }
0x298: {  	v38 =	vshll.u32 v3, $0x2  }
0x299: {  	v3 =	vand.u32 $0x7, v3;
	v4 =	vand.u32 $0xFFFFFFE0, v38  }
0x29a: {  	v3 =	vor.u32 v3, v4  }
0x29b: {  	v4 =	vperm.xlane v3, v0;
	_ =	sdelay $0x1  }
0x29c: {  	v4 =	vadd.s32 v1, v4;
	_ =	sdelay $0x1  }
0x29d: {  	v3 =	vperm.xlane v3, v2;
	_ =	sdelay $0x1  }
0x29e: {  	s0 =	simm.s32 $0xC400;
	v3 =	vadd.s32 v1, v3  }
0x29f: {  	[tilespmem:s0], [sflag:$0x2] =	stream.indirect_vreg.gather [hbm4b:s1+s3], $0x80, v4, vm0, $0xb8;
	[tilespmem:$0x10400] =	vst v63  }
0x2a0: {  	s2 =	simm.s32 $0xCC00  }
0x2a1: {  	[tilespmem:s2], [sflag:$0x2] =	stream.indirect_vreg.gather [hbm4b:s5+s3], $0x80, v4, vm0, $0xb8;
	[tilespmem:$0x10400] =	vst v63  }
0x2a2: {  	s4 =	simm.s32 $0xD400  }
0x2a3: {  	[tilespmem:s4], [sflag:$0x2] =	stream.indirect_vreg.gather [hbm4b:s1+s3], $0x80, v3, vm0, $0xb8;
	[tilespmem:$0x10400] =	vst v63  }
0x2a4: {  	s19 =	simm.s32 $0xDC00  }
0x2a5: {  	[tilespmem:s19], [sflag:$0x2] =	stream.indirect_vreg.gather [hbm4b:s5+s3], $0x80, v3, vm0, $0xb8;
	[tilespmem:$0x10400] =	vst v63  }
0x2a6: {  	v3 =	vld [tilespmem:$0x270];
	_ =	sdelay $0x4  }
0x2a7: {  	v39 =	vshll.u32 v3, $0x2  }
0x2a8: {  	v3 =	vand.u32 $0x7, v3;
	v4 =	vand.u32 $0xFFFFFFE0, v39  }
0x2a9: {  	v3 =	vor.u32 v3, v4  }
0x2aa: {  	v4 =	vperm.xlane v3, v0;
	_ =	sdelay $0x1  }
0x2ab: {  	v4 =	vadd.s32 v1, v4;
	_ =	sdelay $0x1  }
0x2ac: {  	v3 =	vperm.xlane v3, v2;
	_ =	sdelay $0x1  }
0x2ad: {  	s6 =	simm.s32 $0xE400;
	v3 =	vadd.s32 v1, v3  }
0x2ae: {  	[tilespmem:s6], [sflag:$0x2] =	stream.indirect_vreg.gather [hbm4b:s1+s3], $0x80, v4, vm0, $0xb8;
	[tilespmem:$0x10400] =	vst v63  }
0x2af: {  	s8 =	simm.s32 $0xEC00  }
0x2b0: {  	[tilespmem:s8], [sflag:$0x2] =	stream.indirect_vreg.gather [hbm4b:s5+s3], $0x80, v4, vm0, $0xb8;
	[tilespmem:$0x10400] =	vst v63  }
0x2b1: {  	s9 =	simm.s32 $0xF400  }
0x2b2: {  	[tilespmem:s9], [sflag:$0x2] =	stream.indirect_vreg.gather [hbm4b:s1+s3], $0x80, v3, vm0, $0xb8;
	[tilespmem:$0x10400] =	vst v63  }
0x2b3: {  	s10 =	simm.s32 $0xFC00  }
0x2b4: {  	[tilespmem:s10], [sflag:$0x2] =	stream.indirect_vreg.gather [hbm4b:s5+s3], $0x80, v3, vm0, $0xb8;
	[tilespmem:$0x10400] =	vst v63  }
0x2b5: {  	_ =	swait.ge [sflag:s15], $0x8000  }
0x2b6: {  	[sflag:s15] =	ssyncset.done $0x0  }
0x2b7: {  	s18 =	rddreg [dreg:$0xd];
	[sflag:s15] =	ssyncadd.s32 $0xFFFF8000  }
0x2b8: {  	[hbm4b:s18+s3] =	stream.linear.scatter [tilespmem:s25], [sflag:$0x4], $0x8000, $0x38;
	[tilespmem:$0x10400] =	vst v63  }
0x2b9: {  	_ =	swait.ge [sflag:s16], $0x8000  }
0x2ba: {  	[sflag:s16] =	ssyncset.done $0x0  }
0x2bb: {  	[sflag:s16] =	ssyncadd.s32 $0xFFFF8000  }
0x2bc: {  	v3 =	vld [tilespmem:$0x280];
	_ =	sdelay $0x4  }
0x2bd: {  	v40 =	vshll.u32 v3, $0x2  }
0x2be: {  	v3 =	vand.u32 $0x7, v3;
	v4 =	vand.u32 $0xFFFFFFE0, v40  }
0x2bf: {  	v3 =	vor.u32 v3, v4  }
0x2c0: {  	v4 =	vperm.xlane v3, v0;
	_ =	sdelay $0x1  }
0x2c1: {  	v4 =	vadd.s32 v1, v4;
	_ =	sdelay $0x1  }
0x2c2: {  	v3 =	vperm.xlane v3, v2;
	_ =	sdelay $0x1  }
0x2c3: {  	v3 =	vadd.s32 v1, v3  }
0x2c4: {  	[tilespmem:s7], [sflag:$0x1] =	stream.indirect_vreg.gather [hbm4b:s1+s3], $0x80, v4, vm0, $0xb8;
	[tilespmem:$0x10400] =	vst v63  }
0x2c5: {  	s18 =	simm.s32 $0xC00  }
0x2c6: {  	[tilespmem:s18], [sflag:$0x1] =	stream.indirect_vreg.gather [hbm4b:s5+s3], $0x80, v4, vm0, $0xb8;
	[tilespmem:$0x10400] =	vst v63  }
0x2c7: {  	s18 =	simm.s32 $0x1400  }
0x2c8: {  	[tilespmem:s18], [sflag:$0x1] =	stream.indirect_vreg.gather [hbm4b:s1+s3], $0x80, v3, vm0, $0xb8;
	[tilespmem:$0x10400] =	vst v63  }
0x2c9: {  	s18 =	simm.s32 $0x1C00  }
0x2ca: {  	[tilespmem:s18], [sflag:$0x1] =	stream.indirect_vreg.gather [hbm4b:s5+s3], $0x80, v3, vm0, $0xb8;
	[tilespmem:$0x10400] =	vst v63  }
0x2cb: {  	v3 =	vld [tilespmem:$0x290];
	_ =	sdelay $0x4  }
0x2cc: {  	v41 =	vshll.u32 v3, $0x2  }
0x2cd: {  	v3 =	vand.u32 $0x7, v3;
	v4 =	vand.u32 $0xFFFFFFE0, v41  }
0x2ce: {  	v3 =	vor.u32 v3, v4  }
0x2cf: {  	v4 =	vperm.xlane v3, v0;
	_ =	sdelay $0x1  }
0x2d0: {  	v4 =	vadd.s32 v1, v4;
	_ =	sdelay $0x1  }
0x2d1: {  	v3 =	vperm.xlane v3, v2;
	_ =	sdelay $0x1  }
0x2d2: {  	s18 =	simm.s32 $0x2400;
	v3 =	vadd.s32 v1, v3  }
0x2d3: {  	[tilespmem:s18], [sflag:$0x1] =	stream.indirect_vreg.gather [hbm4b:s1+s3], $0x80, v4, vm0, $0xb8;
	[tilespmem:$0x10400] =	vst v63  }
0x2d4: {  	s23 =	simm.s32 $0x2C00  }
0x2d5: {  	[tilespmem:s23], [sflag:$0x1] =	stream.indirect_vreg.gather [hbm4b:s5+s3], $0x80, v4, vm0, $0xb8;
	[tilespmem:$0x10400] =	vst v63  }
0x2d6: {  	s18 =	simm.s32 $0x3400  }
0x2d7: {  	[tilespmem:s18], [sflag:$0x1] =	stream.indirect_vreg.gather [hbm4b:s1+s3], $0x80, v3, vm0, $0xb8;
	[tilespmem:$0x10400] =	vst v63  }
0x2d8: {  	s18 =	simm.s32 $0x3C00  }
0x2d9: {  	[tilespmem:s18], [sflag:$0x1] =	stream.indirect_vreg.gather [hbm4b:s5+s3], $0x80, v3, vm0, $0xb8;
	[tilespmem:$0x10400] =	vst v63  }
0x2da: {  	v3 =	vld [tilespmem:$0x2A0];
	_ =	sdelay $0x4  }
0x2db: {  	v42 =	vshll.u32 v3, $0x2  }
0x2dc: {  	v3 =	vand.u32 $0x7, v3;
	v4 =	vand.u32 $0xFFFFFFE0, v42  }
0x2dd: {  	v3 =	vor.u32 v3, v4  }
0x2de: {  	v4 =	vperm.xlane v3, v0;
	_ =	sdelay $0x1  }
0x2df: {  	v4 =	vadd.s32 v1, v4;
	_ =	sdelay $0x1  }
0x2e0: {  	v3 =	vperm.xlane v3, v2;
	_ =	sdelay $0x1  }
0x2e1: {  	s18 =	simm.s32 $0x4400;
	v3 =	vadd.s32 v1, v3  }
0x2e2: {  	[tilespmem:s18], [sflag:$0x1] =	stream.indirect_vreg.gather [hbm4b:s1+s3], $0x80, v4, vm0, $0xb8;
	[tilespmem:$0x10400] =	vst v63  }
0x2e3: {  	s18 =	simm.s32 $0x4C00  }
0x2e4: {  	[tilespmem:s18], [sflag:$0x1] =	stream.indirect_vreg.gather [hbm4b:s5+s3], $0x80, v4, vm0, $0xb8;
	[tilespmem:$0x10400] =	vst v63  }
0x2e5: {  	s18 =	simm.s32 $0x5400  }
0x2e6: {  	[tilespmem:s18], [sflag:$0x1] =	stream.indirect_vreg.gather [hbm4b:s1+s3], $0x80, v3, vm0, $0xb8;
	[tilespmem:$0x10400] =	vst v63  }
0x2e7: {  	s20 =	simm.s32 $0x5C00  }
0x2e8: {  	[tilespmem:s20], [sflag:$0x1] =	stream.indirect_vreg.gather [hbm4b:s5+s3], $0x80, v3, vm0, $0xb8;
	[tilespmem:$0x10400] =	vst v63  }
0x2e9: {  	v3 =	vld [tilespmem:$0x2B0];
	_ =	sdelay $0x4  }
0x2ea: {  	v43 =	vshll.u32 v3, $0x2  }
0x2eb: {  	v3 =	vand.u32 $0x7, v3;
	v4 =	vand.u32 $0xFFFFFFE0, v43  }
0x2ec: {  	v3 =	vor.u32 v3, v4  }
0x2ed: {  	v4 =	vperm.xlane v3, v0;
	_ =	sdelay $0x1  }
0x2ee: {  	v4 =	vadd.s32 v1, v4;
	_ =	sdelay $0x1  }
0x2ef: {  	v3 =	vperm.xlane v3, v2;
	_ =	sdelay $0x1  }
0x2f0: {  	s21 =	simm.s32 $0x6400;
	v3 =	vadd.s32 v1, v3  }
0x2f1: {  	[tilespmem:s21], [sflag:$0x1] =	stream.indirect_vreg.gather [hbm4b:s1+s3], $0x80, v4, vm0, $0xb8;
	[tilespmem:$0x10400] =	vst v63  }
0x2f2: {  	s22 =	simm.s32 $0x6C00  }
0x2f3: {  	[tilespmem:s22], [sflag:$0x1] =	stream.indirect_vreg.gather [hbm4b:s5+s3], $0x80, v4, vm0, $0xb8;
	[tilespmem:$0x10400] =	vst v63  }
0x2f4: {  	s26 =	simm.s32 $0x7400  }
0x2f5: {  	[tilespmem:s26], [sflag:$0x1] =	stream.indirect_vreg.gather [hbm4b:s1+s3], $0x80, v3, vm0, $0xb8;
	[tilespmem:$0x10400] =	vst v63  }
0x2f6: {  	s28 =	simm.s32 $0x7C00  }
0x2f7: {  	[tilespmem:s28], [sflag:$0x1] =	stream.indirect_vreg.gather [hbm4b:s5+s3], $0x80, v3, vm0, $0xb8;
	[tilespmem:$0x10400] =	vst v63  }
0x2f8: {  	_ =	swait.ge [sflag:s24], $0x8000  }
0x2f9: {  	[sflag:s24] =	ssyncset.done $0x0  }
0x2fa: {  	s18 =	rddreg [dreg:$0xe];
	[sflag:s24] =	ssyncadd.s32 $0xFFFF8000  }
0x2fb: {  	[hbm4b:s18+s3] =	stream.linear.scatter [tilespmem:s7], [sflag:$0x3], $0x8000, $0x38;
	[tilespmem:$0x10400] =	vst v63  }
0x2fc: {  	_ =	swait.ge [sflag:s17], $0x8000  }
0x2fd: {  	[sflag:s17] =	ssyncset.done $0x0  }
0x2fe: {  	[sflag:s17] =	ssyncadd.s32 $0xFFFF8000  }
0x2ff: {  	v3 =	vld [tilespmem:$0x2C0];
	_ =	sdelay $0x4  }
0x300: {  	v44 =	vshll.u32 v3, $0x2  }
0x301: {  	v3 =	vand.u32 $0x7, v3;
	v4 =	vand.u32 $0xFFFFFFE0, v44  }
0x302: {  	v3 =	vor.u32 v3, v4  }
0x303: {  	v4 =	vperm.xlane v3, v0;
	_ =	sdelay $0x1  }
0x304: {  	v4 =	vadd.s32 v1, v4;
	_ =	sdelay $0x1  }
0x305: {  	v3 =	vperm.xlane v3, v2;
	_ =	sdelay $0x1  }
0x306: {  	v3 =	vadd.s32 v1, v3  }
0x307: {  	[tilespmem:s25], [sflag:$0x2] =	stream.indirect_vreg.gather [hbm4b:s1+s3], $0x80, v4, vm0, $0xb8;
	[tilespmem:$0x10400] =	vst v63  }
0x308: {  	s29 =	simm.s32 $0x8C00  }
0x309: {  	[tilespmem:s29], [sflag:$0x2] =	stream.indirect_vreg.gather [hbm4b:s5+s3], $0x80, v4, vm0, $0xb8;
	[tilespmem:$0x10400] =	vst v63  }
0x30a: {  	s30 =	simm.s32 $0x9400  }
0x30b: {  	[tilespmem:s30], [sflag:$0x2] =	stream.indirect_vreg.gather [hbm4b:s1+s3], $0x80, v3, vm0, $0xb8;
	[tilespmem:$0x10400] =	vst v63  }
0x30c: {  	s31 =	simm.s32 $0x9C00  }
0x30d: {  	[tilespmem:s31], [sflag:$0x2] =	stream.indirect_vreg.gather [hbm4b:s5+s3], $0x80, v3, vm0, $0xb8;
	[tilespmem:$0x10400] =	vst v63  }
0x30e: {  	v3 =	vld [tilespmem:$0x2D0];
	_ =	sdelay $0x4  }
0x30f: {  	v45 =	vshll.u32 v3, $0x2  }
0x310: {  	v3 =	vand.u32 $0x7, v3;
	v4 =	vand.u32 $0xFFFFFFE0, v45  }
0x311: {  	v3 =	vor.u32 v3, v4  }
0x312: {  	v4 =	vperm.xlane v3, v0;
	_ =	sdelay $0x1  }
0x313: {  	v4 =	vadd.s32 v1, v4;
	_ =	sdelay $0x1  }
0x314: {  	v3 =	vperm.xlane v3, v2;
	_ =	sdelay $0x1  }
0x315: {  	s13 =	simm.s32 $0xA400;
	v3 =	vadd.s32 v1, v3  }
0x316: {  	[tilespmem:s13], [sflag:$0x2] =	stream.indirect_vreg.gather [hbm4b:s1+s3], $0x80, v4, vm0, $0xb8;
	[tilespmem:$0x10400] =	vst v63  }
0x317: {  	s14 =	simm.s32 $0xAC00  }
0x318: {  	[tilespmem:s14], [sflag:$0x2] =	stream.indirect_vreg.gather [hbm4b:s5+s3], $0x80, v4, vm0, $0xb8;
	[tilespmem:$0x10400] =	vst v63  }
0x319: {  	s11 =	simm.s32 $0xB400  }
0x31a: {  	[tilespmem:s11], [sflag:$0x2] =	stream.indirect_vreg.gather [hbm4b:s1+s3], $0x80, v3, vm0, $0xb8;
	[tilespmem:$0x10400] =	vst v63  }
0x31b: {  	s12 =	simm.s32 $0xBC00  }
0x31c: {  	[tilespmem:s12], [sflag:$0x2] =	stream.indirect_vreg.gather [hbm4b:s5+s3], $0x80, v3, vm0, $0xb8;
	[tilespmem:$0x10400] =	vst v63  }
0x31d: {  	v3 =	vld [tilespmem:$0x2E0];
	_ =	sdelay $0x4  }
0x31e: {  	v46 =	vshll.u32 v3, $0x2  }
0x31f: {  	v3 =	vand.u32 $0x7, v3;
	v4 =	vand.u32 $0xFFFFFFE0, v46  }
0x320: {  	v3 =	vor.u32 v3, v4  }
0x321: {  	v4 =	vperm.xlane v3, v0;
	_ =	sdelay $0x1  }
0x322: {  	v4 =	vadd.s32 v1, v4;
	_ =	sdelay $0x1  }
0x323: {  	v3 =	vperm.xlane v3, v2;
	_ =	sdelay $0x1  }
0x324: {  	s0 =	simm.s32 $0xC400;
	v3 =	vadd.s32 v1, v3  }
0x325: {  	[tilespmem:s0], [sflag:$0x2] =	stream.indirect_vreg.gather [hbm4b:s1+s3], $0x80, v4, vm0, $0xb8;
	[tilespmem:$0x10400] =	vst v63  }
0x326: {  	s2 =	simm.s32 $0xCC00  }
0x327: {  	[tilespmem:s2], [sflag:$0x2] =	stream.indirect_vreg.gather [hbm4b:s5+s3], $0x80, v4, vm0, $0xb8;
	[tilespmem:$0x10400] =	vst v63  }
0x328: {  	s4 =	simm.s32 $0xD400  }
0x329: {  	[tilespmem:s4], [sflag:$0x2] =	stream.indirect_vreg.gather [hbm4b:s1+s3], $0x80, v3, vm0, $0xb8;
	[tilespmem:$0x10400] =	vst v63  }
0x32a: {  	s19 =	simm.s32 $0xDC00  }
0x32b: {  	[tilespmem:s19], [sflag:$0x2] =	stream.indirect_vreg.gather [hbm4b:s5+s3], $0x80, v3, vm0, $0xb8;
	[tilespmem:$0x10400] =	vst v63  }
0x32c: {  	v3 =	vld [tilespmem:$0x2F0];
	_ =	sdelay $0x4  }
0x32d: {  	v47 =	vshll.u32 v3, $0x2  }
0x32e: {  	v3 =	vand.u32 $0x7, v3;
	v4 =	vand.u32 $0xFFFFFFE0, v47  }
0x32f: {  	v3 =	vor.u32 v3, v4  }
0x330: {  	v4 =	vperm.xlane v3, v0;
	_ =	sdelay $0x1  }
0x331: {  	v4 =	vadd.s32 v1, v4;
	_ =	sdelay $0x1  }
0x332: {  	v3 =	vperm.xlane v3, v2;
	_ =	sdelay $0x1  }
0x333: {  	s6 =	simm.s32 $0xE400;
	v3 =	vadd.s32 v1, v3  }
0x334: {  	[tilespmem:s6], [sflag:$0x2] =	stream.indirect_vreg.gather [hbm4b:s1+s3], $0x80, v4, vm0, $0xb8;
	[tilespmem:$0x10400] =	vst v63  }
0x335: {  	s8 =	simm.s32 $0xEC00  }
0x336: {  	[tilespmem:s8], [sflag:$0x2] =	stream.indirect_vreg.gather [hbm4b:s5+s3], $0x80, v4, vm0, $0xb8;
	[tilespmem:$0x10400] =	vst v63  }
0x337: {  	s9 =	simm.s32 $0xF400  }
0x338: {  	[tilespmem:s9], [sflag:$0x2] =	stream.indirect_vreg.gather [hbm4b:s1+s3], $0x80, v3, vm0, $0xb8;
	[tilespmem:$0x10400] =	vst v63  }
0x339: {  	s10 =	simm.s32 $0xFC00  }
0x33a: {  	[tilespmem:s10], [sflag:$0x2] =	stream.indirect_vreg.gather [hbm4b:s5+s3], $0x80, v3, vm0, $0xb8;
	[tilespmem:$0x10400] =	vst v63  }
0x33b: {  	_ =	swait.ge [sflag:s15], $0x8000  }
0x33c: {  	[sflag:s15] =	ssyncset.done $0x0  }
0x33d: {  	s0 =	rddreg [dreg:$0xf];
	[sflag:s15] =	ssyncadd.s32 $0xFFFF8000  }
0x33e: {  	[hbm4b:s0+s3] =	stream.linear.scatter [tilespmem:s25], [sflag:$0x4], $0x8000, $0x38;
	[tilespmem:$0x10400] =	vst v63  }
0x33f: {  	_ =	swait.ge [sflag:s16], $0x8000  }
0x340: {  	[sflag:s16] =	ssyncset.done $0x0  }
0x341: {  	[sflag:s16] =	ssyncadd.s32 $0xFFFF8000  }
0x342: {  	v3 =	vld [tilespmem:$0x300];
	_ =	sdelay $0x4  }
0x343: {  	v48 =	vshll.u32 v3, $0x2  }
0x344: {  	v3 =	vand.u32 $0x7, v3;
	v4 =	vand.u32 $0xFFFFFFE0, v48  }
0x345: {  	v3 =	vor.u32 v3, v4  }
0x346: {  	v4 =	vperm.xlane v3, v0;
	_ =	sdelay $0x1  }
0x347: {  	v4 =	vadd.s32 v1, v4;
	_ =	sdelay $0x1  }
0x348: {  	v3 =	vperm.xlane v3, v2;
	_ =	sdelay $0x1  }
0x349: {  	v3 =	vadd.s32 v1, v3  }
0x34a: {  	[tilespmem:s7], [sflag:$0x1] =	stream.indirect_vreg.gather [hbm4b:s1+s3], $0x80, v4, vm0, $0xb8;
	[tilespmem:$0x10400] =	vst v63  }
0x34b: {  	s10 =	simm.s32 $0xC00  }
0x34c: {  	[tilespmem:s10], [sflag:$0x1] =	stream.indirect_vreg.gather [hbm4b:s5+s3], $0x80, v4, vm0, $0xb8;
	[tilespmem:$0x10400] =	vst v63  }
0x34d: {  	s14 =	simm.s32 $0x1400  }
0x34e: {  	[tilespmem:s14], [sflag:$0x1] =	stream.indirect_vreg.gather [hbm4b:s1+s3], $0x80, v3, vm0, $0xb8;
	[tilespmem:$0x10400] =	vst v63  }
0x34f: {  	s18 =	simm.s32 $0x1C00  }
0x350: {  	[tilespmem:s18], [sflag:$0x1] =	stream.indirect_vreg.gather [hbm4b:s5+s3], $0x80, v3, vm0, $0xb8;
	[tilespmem:$0x10400] =	vst v63  }
0x351: {  	v3 =	vld [tilespmem:$0x310];
	_ =	sdelay $0x4  }
0x352: {  	v49 =	vshll.u32 v3, $0x2  }
0x353: {  	v3 =	vand.u32 $0x7, v3;
	v4 =	vand.u32 $0xFFFFFFE0, v49  }
0x354: {  	v3 =	vor.u32 v3, v4  }
0x355: {  	v4 =	vperm.xlane v3, v0;
	_ =	sdelay $0x1  }
0x356: {  	v4 =	vadd.s32 v1, v4;
	_ =	sdelay $0x1  }
0x357: {  	v3 =	vperm.xlane v3, v2;
	_ =	sdelay $0x1  }
0x358: {  	s19 =	simm.s32 $0x2400;
	v3 =	vadd.s32 v1, v3  }
0x359: {  	[tilespmem:s19], [sflag:$0x1] =	stream.indirect_vreg.gather [hbm4b:s1+s3], $0x80, v4, vm0, $0xb8;
	[tilespmem:$0x10400] =	vst v63  }
0x35a: {  	s23 =	simm.s32 $0x2C00  }
0x35b: {  	[tilespmem:s23], [sflag:$0x1] =	stream.indirect_vreg.gather [hbm4b:s5+s3], $0x80, v4, vm0, $0xb8;
	[tilespmem:$0x10400] =	vst v63  }
0x35c: {  	s23 =	simm.s32 $0x3400  }
0x35d: {  	[tilespmem:s23], [sflag:$0x1] =	stream.indirect_vreg.gather [hbm4b:s1+s3], $0x80, v3, vm0, $0xb8;
	[tilespmem:$0x10400] =	vst v63  }
0x35e: {  	s14 =	simm.s32 $0x3C00  }
0x35f: {  	[tilespmem:s14], [sflag:$0x1] =	stream.indirect_vreg.gather [hbm4b:s5+s3], $0x80, v3, vm0, $0xb8;
	[tilespmem:$0x10400] =	vst v63  }
0x360: {  	v3 =	vld [tilespmem:$0x320];
	_ =	sdelay $0x4  }
0x361: {  	v50 =	vshll.u32 v3, $0x2  }
0x362: {  	v3 =	vand.u32 $0x7, v3;
	v4 =	vand.u32 $0xFFFFFFE0, v50  }
0x363: {  	v3 =	vor.u32 v3, v4  }
0x364: {  	v4 =	vperm.xlane v3, v0;
	_ =	sdelay $0x1  }
0x365: {  	v4 =	vadd.s32 v1, v4;
	_ =	sdelay $0x1  }
0x366: {  	v3 =	vperm.xlane v3, v2;
	_ =	sdelay $0x1  }
0x367: {  	s18 =	simm.s32 $0x4400;
	v3 =	vadd.s32 v1, v3  }
0x368: {  	[tilespmem:s18], [sflag:$0x1] =	stream.indirect_vreg.gather [hbm4b:s1+s3], $0x80, v4, vm0, $0xb8;
	[tilespmem:$0x10400] =	vst v63  }
0x369: {  	s19 =	simm.s32 $0x4C00  }
0x36a: {  	[tilespmem:s19], [sflag:$0x1] =	stream.indirect_vreg.gather [hbm4b:s5+s3], $0x80, v4, vm0, $0xb8;
	[tilespmem:$0x10400] =	vst v63  }
0x36b: {  	s23 =	simm.s32 $0x5400  }
0x36c: {  	[tilespmem:s23], [sflag:$0x1] =	stream.indirect_vreg.gather [hbm4b:s1+s3], $0x80, v3, vm0, $0xb8;
	[tilespmem:$0x10400] =	vst v63  }
0x36d: {  	s20 =	simm.s32 $0x5C00  }
0x36e: {  	[tilespmem:s20], [sflag:$0x1] =	stream.indirect_vreg.gather [hbm4b:s5+s3], $0x80, v3, vm0, $0xb8;
	[tilespmem:$0x10400] =	vst v63  }
0x36f: {  	v3 =	vld [tilespmem:$0x330];
	_ =	sdelay $0x4  }
0x370: {  	v51 =	vshll.u32 v3, $0x2  }
0x371: {  	v3 =	vand.u32 $0x7, v3;
	v4 =	vand.u32 $0xFFFFFFE0, v51  }
0x372: {  	v3 =	vor.u32 v3, v4  }
0x373: {  	v4 =	vperm.xlane v3, v0;
	_ =	sdelay $0x1  }
0x374: {  	v4 =	vadd.s32 v1, v4;
	_ =	sdelay $0x1  }
0x375: {  	v3 =	vperm.xlane v3, v2;
	_ =	sdelay $0x1  }
0x376: {  	s21 =	simm.s32 $0x6400;
	v3 =	vadd.s32 v1, v3  }
0x377: {  	[tilespmem:s21], [sflag:$0x1] =	stream.indirect_vreg.gather [hbm4b:s1+s3], $0x80, v4, vm0, $0xb8;
	[tilespmem:$0x10400] =	vst v63  }
0x378: {  	s22 =	simm.s32 $0x6C00  }
0x379: {  	[tilespmem:s22], [sflag:$0x1] =	stream.indirect_vreg.gather [hbm4b:s5+s3], $0x80, v4, vm0, $0xb8;
	[tilespmem:$0x10400] =	vst v63  }
0x37a: {  	s26 =	simm.s32 $0x7400  }
0x37b: {  	[tilespmem:s26], [sflag:$0x1] =	stream.indirect_vreg.gather [hbm4b:s1+s3], $0x80, v3, vm0, $0xb8;
	[tilespmem:$0x10400] =	vst v63  }
0x37c: {  	s28 =	simm.s32 $0x7C00  }
0x37d: {  	[tilespmem:s28], [sflag:$0x1] =	stream.indirect_vreg.gather [hbm4b:s5+s3], $0x80, v3, vm0, $0xb8;
	[tilespmem:$0x10400] =	vst v63  }
0x37e: {  	_ =	swait.ge [sflag:s24], $0x8000  }
0x37f: {  	[sflag:s24] =	ssyncset.done $0x0  }
0x380: {  	s28 =	rddreg [dreg:$0x10];
	[sflag:s24] =	ssyncadd.s32 $0xFFFF8000  }
0x381: {  	[hbm4b:s28+s3] =	stream.linear.scatter [tilespmem:s7], [sflag:$0x3], $0x8000, $0x38;
	[tilespmem:$0x10400] =	vst v63  }
0x382: {  	_ =	swait.ge [sflag:s17], $0x8000  }
0x383: {  	[sflag:s17] =	ssyncset.done $0x0  }
0x384: {  	[sflag:s17] =	ssyncadd.s32 $0xFFFF8000  }
0x385: {  	v3 =	vld [tilespmem:$0x340];
	_ =	sdelay $0x4  }
0x386: {  	v52 =	vshll.u32 v3, $0x2  }
0x387: {  	v3 =	vand.u32 $0x7, v3;
	v4 =	vand.u32 $0xFFFFFFE0, v52  }
0x388: {  	v3 =	vor.u32 v3, v4  }
0x389: {  	v4 =	vperm.xlane v3, v0;
	_ =	sdelay $0x1  }
0x38a: {  	v4 =	vadd.s32 v1, v4;
	_ =	sdelay $0x1  }
0x38b: {  	v3 =	vperm.xlane v3, v2;
	_ =	sdelay $0x1  }
0x38c: {  	v3 =	vadd.s32 v1, v3  }
0x38d: {  	[tilespmem:s25], [sflag:$0x2] =	stream.indirect_vreg.gather [hbm4b:s1+s3], $0x80, v4, vm0, $0xb8;
	[tilespmem:$0x10400] =	vst v63  }
0x38e: {  	s29 =	simm.s32 $0x8C00  }
0x38f: {  	[tilespmem:s29], [sflag:$0x2] =	stream.indirect_vreg.gather [hbm4b:s5+s3], $0x80, v4, vm0, $0xb8;
	[tilespmem:$0x10400] =	vst v63  }
0x390: {  	s30 =	simm.s32 $0x9400  }
0x391: {  	[tilespmem:s30], [sflag:$0x2] =	stream.indirect_vreg.gather [hbm4b:s1+s3], $0x80, v3, vm0, $0xb8;
	[tilespmem:$0x10400] =	vst v63  }
0x392: {  	s30 =	simm.s32 $0x9C00  }
0x393: {  	[tilespmem:s30], [sflag:$0x2] =	stream.indirect_vreg.gather [hbm4b:s5+s3], $0x80, v3, vm0, $0xb8;
	[tilespmem:$0x10400] =	vst v63  }
0x394: {  	v3 =	vld [tilespmem:$0x350];
	_ =	sdelay $0x4  }
0x395: {  	v53 =	vshll.u32 v3, $0x2  }
0x396: {  	v3 =	vand.u32 $0x7, v3;
	v4 =	vand.u32 $0xFFFFFFE0, v53  }
0x397: {  	v3 =	vor.u32 v3, v4  }
0x398: {  	v4 =	vperm.xlane v3, v0;
	_ =	sdelay $0x1  }
0x399: {  	v4 =	vadd.s32 v1, v4;
	_ =	sdelay $0x1  }
0x39a: {  	v3 =	vperm.xlane v3, v2;
	_ =	sdelay $0x1  }
0x39b: {  	s13 =	simm.s32 $0xA400;
	v3 =	vadd.s32 v1, v3  }
0x39c: {  	[tilespmem:s13], [sflag:$0x2] =	stream.indirect_vreg.gather [hbm4b:s1+s3], $0x80, v4, vm0, $0xb8;
	[tilespmem:$0x10400] =	vst v63  }
0x39d: {  	s31 =	simm.s32 $0xAC00  }
0x39e: {  	[tilespmem:s31], [sflag:$0x2] =	stream.indirect_vreg.gather [hbm4b:s5+s3], $0x80, v4, vm0, $0xb8;
	[tilespmem:$0x10400] =	vst v63  }
0x39f: {  	s11 =	simm.s32 $0xB400  }
0x3a0: {  	[tilespmem:s11], [sflag:$0x2] =	stream.indirect_vreg.gather [hbm4b:s1+s3], $0x80, v3, vm0, $0xb8;
	[tilespmem:$0x10400] =	vst v63  }
0x3a1: {  	s31 =	simm.s32 $0xBC00  }
0x3a2: {  	[tilespmem:s31], [sflag:$0x2] =	stream.indirect_vreg.gather [hbm4b:s5+s3], $0x80, v3, vm0, $0xb8;
	[tilespmem:$0x10400] =	vst v63  }
0x3a3: {  	v3 =	vld [tilespmem:$0x360];
	_ =	sdelay $0x4  }
0x3a4: {  	v54 =	vshll.u32 v3, $0x2  }
0x3a5: {  	v3 =	vand.u32 $0x7, v3;
	v4 =	vand.u32 $0xFFFFFFE0, v54  }
0x3a6: {  	v3 =	vor.u32 v3, v4  }
0x3a7: {  	v4 =	vperm.xlane v3, v0;
	_ =	sdelay $0x1  }
0x3a8: {  	v4 =	vadd.s32 v1, v4;
	_ =	sdelay $0x1  }
0x3a9: {  	v3 =	vperm.xlane v3, v2;
	_ =	sdelay $0x1  }
0x3aa: {  	s12 =	simm.s32 $0xC400;
	v3 =	vadd.s32 v1, v3  }
0x3ab: {  	[tilespmem:s12], [sflag:$0x2] =	stream.indirect_vreg.gather [hbm4b:s1+s3], $0x80, v4, vm0, $0xb8;
	[tilespmem:$0x10400] =	vst v63  }
0x3ac: {  	s2 =	simm.s32 $0xCC00  }
0x3ad: {  	[tilespmem:s2], [sflag:$0x2] =	stream.indirect_vreg.gather [hbm4b:s5+s3], $0x80, v4, vm0, $0xb8;
	[tilespmem:$0x10400] =	vst v63  }
0x3ae: {  	s4 =	simm.s32 $0xD400  }
0x3af: {  	[tilespmem:s4], [sflag:$0x2] =	stream.indirect_vreg.gather [hbm4b:s1+s3], $0x80, v3, vm0, $0xb8;
	[tilespmem:$0x10400] =	vst v63  }
0x3b0: {  	s12 =	simm.s32 $0xDC00  }
0x3b1: {  	[tilespmem:s12], [sflag:$0x2] =	stream.indirect_vreg.gather [hbm4b:s5+s3], $0x80, v3, vm0, $0xb8;
	[tilespmem:$0x10400] =	vst v63  }
0x3b2: {  	v3 =	vld [tilespmem:$0x370];
	_ =	sdelay $0x4  }
0x3b3: {  	v55 =	vshll.u32 v3, $0x2  }
0x3b4: {  	v3 =	vand.u32 $0x7, v3;
	v4 =	vand.u32 $0xFFFFFFE0, v55  }
0x3b5: {  	v3 =	vor.u32 v3, v4  }
0x3b6: {  	v4 =	vperm.xlane v3, v0;
	_ =	sdelay $0x1  }
0x3b7: {  	v4 =	vadd.s32 v1, v4;
	_ =	sdelay $0x1  }
0x3b8: {  	v3 =	vperm.xlane v3, v2;
	_ =	sdelay $0x1  }
0x3b9: {  	s6 =	simm.s32 $0xE400;
	v3 =	vadd.s32 v1, v3  }
0x3ba: {  	[tilespmem:s6], [sflag:$0x2] =	stream.indirect_vreg.gather [hbm4b:s1+s3], $0x80, v4, vm0, $0xb8;
	[tilespmem:$0x10400] =	vst v63  }
0x3bb: {  	s8 =	simm.s32 $0xEC00  }
0x3bc: {  	[tilespmem:s8], [sflag:$0x2] =	stream.indirect_vreg.gather [hbm4b:s5+s3], $0x80, v4, vm0, $0xb8;
	[tilespmem:$0x10400] =	vst v63  }
0x3bd: {  	s9 =	simm.s32 $0xF400  }
0x3be: {  	[tilespmem:s9], [sflag:$0x2] =	stream.indirect_vreg.gather [hbm4b:s1+s3], $0x80, v3, vm0, $0xb8;
	[tilespmem:$0x10400] =	vst v63  }
0x3bf: {  	s18 =	simm.s32 $0xFC00  }
0x3c0: {  	[tilespmem:s18], [sflag:$0x2] =	stream.indirect_vreg.gather [hbm4b:s5+s3], $0x80, v3, vm0, $0xb8;
	[tilespmem:$0x10400] =	vst v63  }
0x3c1: {  	_ =	swait.ge [sflag:s15], $0x8000  }
0x3c2: {  	[sflag:s15] =	ssyncset.done $0x0  }
0x3c3: {  	s18 =	rddreg [dreg:$0x11];
	[sflag:s15] =	ssyncadd.s32 $0xFFFF8000  }
0x3c4: {  	[hbm4b:s18+s3] =	stream.linear.scatter [tilespmem:s25], [sflag:$0x4], $0x8000, $0x38;
	[tilespmem:$0x10400] =	vst v63  }
0x3c5: {  	_ =	swait.ge [sflag:s16], $0x8000  }
0x3c6: {  	[sflag:s16] =	ssyncset.done $0x0  }
0x3c7: {  	[sflag:s16] =	ssyncadd.s32 $0xFFFF8000  }
0x3c8: {  	v3 =	vld [tilespmem:$0x380];
	_ =	sdelay $0x4  }
0x3c9: {  	v56 =	vshll.u32 v3, $0x2  }
0x3ca: {  	v3 =	vand.u32 $0x7, v3;
	v4 =	vand.u32 $0xFFFFFFE0, v56  }
0x3cb: {  	v3 =	vor.u32 v3, v4  }
0x3cc: {  	v4 =	vperm.xlane v3, v0;
	_ =	sdelay $0x1  }
0x3cd: {  	v4 =	vadd.s32 v1, v4;
	_ =	sdelay $0x1  }
0x3ce: {  	v3 =	vperm.xlane v3, v2;
	_ =	sdelay $0x1  }
0x3cf: {  	v3 =	vadd.s32 v1, v3  }
0x3d0: {  	[tilespmem:s7], [sflag:$0x1] =	stream.indirect_vreg.gather [hbm4b:s1+s3], $0x80, v4, vm0, $0xb8;
	[tilespmem:$0x10400] =	vst v63  }
0x3d1: {  	s18 =	simm.s32 $0xC00  }
0x3d2: {  	[tilespmem:s18], [sflag:$0x1] =	stream.indirect_vreg.gather [hbm4b:s5+s3], $0x80, v4, vm0, $0xb8;
	[tilespmem:$0x10400] =	vst v63  }
0x3d3: {  	s18 =	simm.s32 $0x1400  }
0x3d4: {  	[tilespmem:s18], [sflag:$0x1] =	stream.indirect_vreg.gather [hbm4b:s1+s3], $0x80, v3, vm0, $0xb8;
	[tilespmem:$0x10400] =	vst v63  }
0x3d5: {  	s18 =	simm.s32 $0x1C00  }
0x3d6: {  	[tilespmem:s18], [sflag:$0x1] =	stream.indirect_vreg.gather [hbm4b:s5+s3], $0x80, v3, vm0, $0xb8;
	[tilespmem:$0x10400] =	vst v63  }
0x3d7: {  	v3 =	vld [tilespmem:$0x390];
	_ =	sdelay $0x4  }
0x3d8: {  	v57 =	vshll.u32 v3, $0x2  }
0x3d9: {  	v3 =	vand.u32 $0x7, v3;
	v4 =	vand.u32 $0xFFFFFFE0, v57  }
0x3da: {  	v3 =	vor.u32 v3, v4  }
0x3db: {  	v4 =	vperm.xlane v3, v0;
	_ =	sdelay $0x1  }
0x3dc: {  	v4 =	vadd.s32 v1, v4;
	_ =	sdelay $0x1  }
0x3dd: {  	v3 =	vperm.xlane v3, v2;
	_ =	sdelay $0x1  }
0x3de: {  	s18 =	simm.s32 $0x2400;
	v3 =	vadd.s32 v1, v3  }
0x3df: {  	[tilespmem:s18], [sflag:$0x1] =	stream.indirect_vreg.gather [hbm4b:s1+s3], $0x80, v4, vm0, $0xb8;
	[tilespmem:$0x10400] =	vst v63  }
0x3e0: {  	s10 =	simm.s32 $0x2C00  }
0x3e1: {  	[tilespmem:s10], [sflag:$0x1] =	stream.indirect_vreg.gather [hbm4b:s5+s3], $0x80, v4, vm0, $0xb8;
	[tilespmem:$0x10400] =	vst v63  }
0x3e2: {  	s18 =	simm.s32 $0x3400  }
0x3e3: {  	[tilespmem:s18], [sflag:$0x1] =	stream.indirect_vreg.gather [hbm4b:s1+s3], $0x80, v3, vm0, $0xb8;
	[tilespmem:$0x10400] =	vst v63  }
0x3e4: {  	s18 =	simm.s32 $0x3C00  }
0x3e5: {  	[tilespmem:s18], [sflag:$0x1] =	stream.indirect_vreg.gather [hbm4b:s5+s3], $0x80, v3, vm0, $0xb8;
	[tilespmem:$0x10400] =	vst v63  }
0x3e6: {  	v3 =	vld [tilespmem:$0x3A0];
	_ =	sdelay $0x4  }
0x3e7: {  	v58 =	vshll.u32 v3, $0x2  }
0x3e8: {  	v3 =	vand.u32 $0x7, v3;
	v4 =	vand.u32 $0xFFFFFFE0, v58  }
0x3e9: {  	v3 =	vor.u32 v3, v4  }
0x3ea: {  	v4 =	vperm.xlane v3, v0;
	_ =	sdelay $0x1  }
0x3eb: {  	v4 =	vadd.s32 v1, v4;
	_ =	sdelay $0x1  }
0x3ec: {  	v3 =	vperm.xlane v3, v2;
	_ =	sdelay $0x1  }
0x3ed: {  	s18 =	simm.s32 $0x4400;
	v3 =	vadd.s32 v1, v3  }
0x3ee: {  	[tilespmem:s18], [sflag:$0x1] =	stream.indirect_vreg.gather [hbm4b:s1+s3], $0x80, v4, vm0, $0xb8;
	[tilespmem:$0x10400] =	vst v63  }
0x3ef: {  	s18 =	simm.s32 $0x4C00  }
0x3f0: {  	[tilespmem:s18], [sflag:$0x1] =	stream.indirect_vreg.gather [hbm4b:s5+s3], $0x80, v4, vm0, $0xb8;
	[tilespmem:$0x10400] =	vst v63  }
0x3f1: {  	s23 =	simm.s32 $0x5400  }
0x3f2: {  	[tilespmem:s23], [sflag:$0x1] =	stream.indirect_vreg.gather [hbm4b:s1+s3], $0x80, v3, vm0, $0xb8;
	[tilespmem:$0x10400] =	vst v63  }
0x3f3: {  	s0 =	simm.s32 $0x5C00  }
0x3f4: {  	[tilespmem:s0], [sflag:$0x1] =	stream.indirect_vreg.gather [hbm4b:s5+s3], $0x80, v3, vm0, $0xb8;
	[tilespmem:$0x10400] =	vst v63  }
0x3f5: {  	v3 =	vld [tilespmem:$0x3B0];
	_ =	sdelay $0x4  }
0x3f6: {  	v59 =	vshll.u32 v3, $0x2  }
0x3f7: {  	v3 =	vand.u32 $0x7, v3;
	v4 =	vand.u32 $0xFFFFFFE0, v59  }
0x3f8: {  	v3 =	vor.u32 v3, v4  }
0x3f9: {  	v4 =	vperm.xlane v3, v0;
	_ =	sdelay $0x1  }
0x3fa: {  	v4 =	vadd.s32 v1, v4;
	_ =	sdelay $0x1  }
0x3fb: {  	v3 =	vperm.xlane v3, v2;
	_ =	sdelay $0x1  }
0x3fc: {  	s14 =	simm.s32 $0x6400;
	v3 =	vadd.s32 v1, v3  }
0x3fd: {  	[tilespmem:s14], [sflag:$0x1] =	stream.indirect_vreg.gather [hbm4b:s1+s3], $0x80, v4, vm0, $0xb8;
	[tilespmem:$0x10400] =	vst v63  }
0x3fe: {  	s19 =	simm.s32 $0x6C00  }
0x3ff: {  	[tilespmem:s19], [sflag:$0x1] =	stream.indirect_vreg.gather [hbm4b:s5+s3], $0x80, v4, vm0, $0xb8;
	[tilespmem:$0x10400] =	vst v63  }
0x400: {  	s20 =	simm.s32 $0x7400  }
0x401: {  	[tilespmem:s20], [sflag:$0x1] =	stream.indirect_vreg.gather [hbm4b:s1+s3], $0x80, v3, vm0, $0xb8;
	[tilespmem:$0x10400] =	vst v63  }
0x402: {  	s21 =	simm.s32 $0x7C00  }
0x403: {  	[tilespmem:s21], [sflag:$0x1] =	stream.indirect_vreg.gather [hbm4b:s5+s3], $0x80, v3, vm0, $0xb8;
	[tilespmem:$0x10400] =	vst v63  }
0x404: {  	s0 =	rddreg [dreg:$0x16];
	_ =	swait.ge [sflag:s24], $0x8000  }
0x405: {  	[sflag:s24] =	ssyncset.done $0x0  }
0x406: {  	s23 =	rddreg [dreg:$0x12];
	[sflag:s24] =	ssyncadd.s32 $0xFFFF8000  }
0x407: {  	[hbm4b:s23+s3] =	stream.linear.scatter [tilespmem:s7], [sflag:$0x3], $0x8000, $0x38;
	[tilespmem:$0x10400] =	vst v63  }
0x408: {  	_ =	swait.ge [sflag:s17], $0x8000  }
0x409: {  	[sflag:s17] =	ssyncset.done $0x0  }
0x40a: {  	[sflag:s17] =	ssyncadd.s32 $0xFFFF8000  }
0x40b: {  	v3 =	vld [tilespmem:$0x3C0];
	_ =	sdelay $0x4  }
0x40c: {  	v60 =	vshll.u32 v3, $0x2  }
0x40d: {  	v3 =	vand.u32 $0x7, v3;
	v4 =	vand.u32 $0xFFFFFFE0, v60  }
0x40e: {  	v3 =	vor.u32 v3, v4  }
0x40f: {  	v4 =	vperm.xlane v3, v0;
	_ =	sdelay $0x1  }
0x410: {  	v4 =	vadd.s32 v1, v4;
	_ =	sdelay $0x1  }
0x411: {  	v3 =	vperm.xlane v3, v2;
	_ =	sdelay $0x1  }
0x412: {  	v3 =	vadd.s32 v1, v3  }
0x413: {  	[tilespmem:s25], [sflag:$0x2] =	stream.indirect_vreg.gather [hbm4b:s1+s3], $0x80, v4, vm0, $0xb8;
	[tilespmem:$0x10400] =	vst v63  }
0x414: {  	s26 =	simm.s32 $0x8C00  }
0x415: {  	[tilespmem:s26], [sflag:$0x2] =	stream.indirect_vreg.gather [hbm4b:s5+s3], $0x80, v4, vm0, $0xb8;
	[tilespmem:$0x10400] =	vst v63  }
0x416: {  	s29 =	simm.s32 $0x9400  }
0x417: {  	[tilespmem:s29], [sflag:$0x2] =	stream.indirect_vreg.gather [hbm4b:s1+s3], $0x80, v3, vm0, $0xb8;
	[tilespmem:$0x10400] =	vst v63  }
0x418: {  	s29 =	simm.s32 $0x9C00  }
0x419: {  	[tilespmem:s29], [sflag:$0x2] =	stream.indirect_vreg.gather [hbm4b:s5+s3], $0x80, v3, vm0, $0xb8;
	[tilespmem:$0x10400] =	vst v63  }
0x41a: {  	v3 =	vld [tilespmem:$0x3D0];
	_ =	sdelay $0x4  }
0x41b: {  	v61 =	vshll.u32 v3, $0x2  }
0x41c: {  	v3 =	vand.u32 $0x7, v3;
	v4 =	vand.u32 $0xFFFFFFE0, v61  }
0x41d: {  	v3 =	vor.u32 v3, v4  }
0x41e: {  	v4 =	vperm.xlane v3, v0;
	_ =	sdelay $0x1  }
0x41f: {  	v4 =	vadd.s32 v1, v4;
	_ =	sdelay $0x1  }
0x420: {  	v3 =	vperm.xlane v3, v2;
	_ =	sdelay $0x1  }
0x421: {  	s30 =	simm.s32 $0xA400;
	v3 =	vadd.s32 v1, v3  }
0x422: {  	[tilespmem:s30], [sflag:$0x2] =	stream.indirect_vreg.gather [hbm4b:s1+s3], $0x80, v4, vm0, $0xb8;
	[tilespmem:$0x10400] =	vst v63  }
0x423: {  	s13 =	simm.s32 $0xAC00  }
0x424: {  	[tilespmem:s13], [sflag:$0x2] =	stream.indirect_vreg.gather [hbm4b:s5+s3], $0x80, v4, vm0, $0xb8;
	[tilespmem:$0x10400] =	vst v63  }
0x425: {  	s28 =	simm.s32 $0xB400  }
0x426: {  	[tilespmem:s28], [sflag:$0x2] =	stream.indirect_vreg.gather [hbm4b:s1+s3], $0x80, v3, vm0, $0xb8;
	[tilespmem:$0x10400] =	vst v63  }
0x427: {  	s31 =	simm.s32 $0xBC00  }
0x428: {  	[tilespmem:s31], [sflag:$0x2] =	stream.indirect_vreg.gather [hbm4b:s5+s3], $0x80, v3, vm0, $0xb8;
	[tilespmem:$0x10400] =	vst v63  }
0x429: {  	v3 =	vld [tilespmem:$0x3E0];
	_ =	sdelay $0x4  }
0x42a: {  	v62 =	vshll.u32 v3, $0x2  }
0x42b: {  	v3 =	vand.u32 $0x7, v3;
	v4 =	vand.u32 $0xFFFFFFE0, v62  }
0x42c: {  	v3 =	vor.u32 v3, v4  }
0x42d: {  	v4 =	vperm.xlane v3, v0;
	_ =	sdelay $0x1  }
0x42e: {  	v4 =	vadd.s32 v1, v4;
	_ =	sdelay $0x1  }
0x42f: {  	v3 =	vperm.xlane v3, v2;
	_ =	sdelay $0x1  }
0x430: {  	s11 =	simm.s32 $0xC400;
	v3 =	vadd.s32 v1, v3  }
0x431: {  	[tilespmem:s11], [sflag:$0x2] =	stream.indirect_vreg.gather [hbm4b:s1+s3], $0x80, v4, vm0, $0xb8;
	[tilespmem:$0x10400] =	vst v63  }
0x432: {  	s22 =	simm.s32 $0xCC00  }
0x433: {  	[tilespmem:s22], [sflag:$0x2] =	stream.indirect_vreg.gather [hbm4b:s5+s3], $0x80, v4, vm0, $0xb8;
	[tilespmem:$0x10400] =	vst v63  }
0x434: {  	s2 =	simm.s32 $0xD400  }
0x435: {  	[tilespmem:s2], [sflag:$0x2] =	stream.indirect_vreg.gather [hbm4b:s1+s3], $0x80, v3, vm0, $0xb8;
	[tilespmem:$0x10400] =	vst v63  }
0x436: {  	s12 =	simm.s32 $0xDC00  }
0x437: {  	[tilespmem:s12], [sflag:$0x2] =	stream.indirect_vreg.gather [hbm4b:s5+s3], $0x80, v3, vm0, $0xb8;
	[tilespmem:$0x10400] =	vst v63  }
0x438: {  	v3 =	vld [tilespmem:$0x3F0];
	_ =	sdelay $0x4  }
0x439: {  	v63 =	vshll.u32 v3, $0x2  }
0x43a: {  	v3 =	vand.u32 $0x7, v3;
	v4 =	vand.u32 $0xFFFFFFE0, v63  }
0x43b: {  	v3 =	vor.u32 v3, v4  }
0x43c: {  	v4 =	vperm.xlane v3, v0;
	_ =	sdelay $0x1  }
0x43d: {  	v4 =	vadd.s32 v1, v4;
	_ =	sdelay $0x1  }
0x43e: {  	v3 =	vperm.xlane v3, v2;
	_ =	sdelay $0x1  }
0x43f: {  	s4 =	simm.s32 $0xE400;
	v3 =	vadd.s32 v1, v3  }
0x440: {  	[tilespmem:s4], [sflag:$0x2] =	stream.indirect_vreg.gather [hbm4b:s1+s3], $0x80, v4, vm0, $0xb8;
	[tilespmem:$0x10400] =	vst v63  }
0x441: {  	s6 =	simm.s32 $0xEC00  }
0x442: {  	[tilespmem:s6], [sflag:$0x2] =	stream.indirect_vreg.gather [hbm4b:s5+s3], $0x80, v4, vm0, $0xb8;
	[tilespmem:$0x10400] =	vst v63  }
0x443: {  	s8 =	simm.s32 $0xF400  }
0x444: {  	[tilespmem:s8], [sflag:$0x2] =	stream.indirect_vreg.gather [hbm4b:s1+s3], $0x80, v3, vm0, $0xb8;
	[tilespmem:$0x10400] =	vst v63  }
0x445: {  	s9 =	simm.s32 $0xFC00  }
0x446: {  	[tilespmem:s9], [sflag:$0x2] =	stream.indirect_vreg.gather [hbm4b:s5+s3], $0x80, v3, vm0, $0xb8;
	[tilespmem:$0x10400] =	vst v63  }
0x447: {  	_ =	swait.ge [sflag:s15], $0x8000  }
0x448: {  	[sflag:s15] =	ssyncset.done $0x0  }
0x449: {  	s31 =	rddreg [dreg:$0x13];
	[sflag:s15] =	ssyncadd.s32 $0xFFFF8000  }
0x44a: {  	[hbm4b:s31+s3] =	stream.linear.scatter [tilespmem:s25], [sflag:$0x4], $0x8000, $0x38;
	[tilespmem:$0x10400] =	vst v63  }
0x44b: {  	p0 =	sne.s32 s0, $0x1;
	_ =	swait.ge [sflag:s16], $0x8000  }
.Ltmp0:
0x44c: {  	[sflag:s16] =	ssyncset.done $0x0;
	(pc) =	sbr.rel @p0 .LBB2_1-.Ltmp0, $4  }
0x44d: {  	[sflag:s16] =	ssyncadd.s32 $0xFFFF8000  }
0x44e: {  	_ =	swait.ge [sflag:s17], $0x8000  }
0x44f: {  	[sflag:s17] =	ssyncset.done $0x0  }
0x450: {  	s0 =	sadd.s32 $0xFFFFFFFF, s0;
	[sflag:s17] =	ssyncadd.s32 $0xFFFF8000  }
0x451: {  	_ =	sfence.sel $0x180000  }
0x452: {  	[bflag:$0x0] =	sbarrier.arrive $0xFFFF  }
0x453: {  	_ =	strace $0x90000047  }
0x454: {  	s0 =	stileid.u32;
	[bflag:$0x2] =	sbarrier.arrive $0xFFFF  }
0x455: {  	p0 =	sne.s32 s0, $0x0;
	s0 =	rddreg [dreg:$0x3]  }
0x456: {  	s0 =	sadd.s32 @!p0 $0x100000, s0  }
0x457: {  	[sflag:s0] =	ssyncadd.tile.s32 @!p0 $0x1;
	_ =	shalt  }
.Lfunc_end2:
_tile_overlayer_lowered:
.L_overlay_start_2:
0x458: {  	(tag) =	ssettag $0x2  }
0x459: {  	s0 =	rddreg [dreg:$0x0];
	s2 =	stileid.u32  }
0x45a: {  	s1 =	rddreg [dreg:$0x1];
	p0 =	sne.s32 s2, $0x0  }
0x45b: {  	s3 =	rddreg [dreg:$0x2];
	[bflag:$0x3] =	sbarrier.arrive $0xFFFF;
	s2 =	simm.s32 @!p0 $0x1C05  }
0x45c: {  	[timem:s3], [sflag:s2] =	dma.local @!p0 [hbm:s0], s1  }
0x45d: {  	s0 =	simm.s32 @!p0 $0x5  }
0x45e: {  	_ =	swait.ge @!p0 [sflag:s0], s1  }
0x45f: {  	s1 =	ssub.s32 @!p0 $0x0, s1;
	[sflag:s0] =	ssyncset.done @!p0 $0x0  }
0x460: {  	[sflag:s0] =	ssyncadd.s32 @!p0 s1  }
0x461: {  	[bflag:$0x3] =	sbarrier.arrive $0xFFFF  }
0x462: {  	_ =	shalt  }

// kernel: sparse-core-data-format-call.cloned.1.call-start
scs
called_computation_lowered:
.L_overlay_start_0:
0x0: {  	s2 =	sld [smem:$0x3FD9]  }
0x1: {  	s3 =	sld [smem:$0x3FFE];
	_ =	sdelay $0x1  }
0x2: {  	s1 =	srdreg.scid  }
0x3: {  	s0 =	sand.u32 $0x1, s1  }
0x4: {  	s15 =	sshll.u32 s0, $0xA;
	s2 =	sadd.s32 s3, s2  }
0x5: {  	s2 =	sadd.s32 s2, s15  }
0x6: {  	[smem:$0x3FC2] =	sst s2  }
0x7: {  	_ = 	snop  }
0x8: {  	s2 =	sld [smem:$0x3FD0];
	_ =	sdelay $0x2  }
0x9: {  	s16 =	simm.s32 $0xA;
	s4 =	simm.s32 $0x10  }
0xa: {  	[smem:s4], [sflag:s16] =	dma.local [hbm:s2], $0x1  }
0xb: {  	_ =	swait.eq [sflag:s16], $0x1  }
0xc: {  	[sflag:s16] =	ssyncset.done $0x0  }
0xd: {  	[sflag:s16] =	ssyncadd.s32 $0xFFFFFFFF  }
0xe: {  	s17 =	sld [smem:$0x10];
	(tm) =	ssettm $0x1  }
0xf: {  	s18 =	sld [smem:$0x3FFB];
	_ =	sdelay $0x3  }
0x10: {  	_ =	strace s18  }
0x11: {  	s3 =	sld [smem:$0x3FFC];
	_ =	sdelay $0x3  }
0x12: {  	_ =	strace s3  }
0x13: {  	s3 =	sld [smem:$0x3FFD];
	_ =	sdelay $0x3  }
0x14: {  	_ =	strace s3  }
0x15: {  	_ =	strace $0x8FFFFFFF  }
0x16: {  	s19 =	sld [smem:$0x3FDB];
	_ =	sdelay $0x1  }
0x17: {  	s20 =	simm.s32 $_scs_section_size  }
0x18: {  	s5 =	simm.s32 $_size__tile_overlayer_lowered;
	s6 =	simm.s32 $_tile_overlayer_lowered  }
0x19: {  	s23 =	simm.s32 $0x1BFF;
	s22 =	sshll.u32 s6, $0x1;
	s3 =	sadd.s32 s20, s19  }
0x1a: {  	s7 =	simm.s32 $0x0;
	s21 =	sshll.u32 s5, $0x1;
	s5 =	sadd.s32 s22, s3  }
0x1b: {  	[timem:s7], [sflag:s23] =	dma.local [hbm:s5], s21  }
0x1c: {  	_ =	swait.ge [sflag:s23], s21  }
0x1d: {  	s4 =	ssub.s32 $0x0, s21;
	[sflag:s23] =	ssyncset.done $0x0  }
0x1e: {  	[sflag:s23] =	ssyncadd.s32 s4;
	_ =	sdelay $0x1  }
0x1f: {  	s24 =	simm.s32 $0x1B8B  }
0x20: {  	_ =	swait.ge [sflag:s24], $0x1  }
0x21: {  	[sflag:s24] =	ssyncset.done $0x0  }
0x22: {  	s26 =	simm.s32 $0x1B8E;
	s25 =	sld [smem:$0x3FFE];
	[sflag:s24] =	ssyncadd.s32 $0xFFFFFFFF  }
0x23: {  	s27 =	simm.s32 $execute0_lowered;
	[smem:$0x3FD2] =	sst s26  }
0x24: {  	s5 =	sshll.u32 s27, $0x1;
	_ =	strace $0x80000049;
	[dreg:$0x1] =	wrdreg $0xFFFFFFFF  }
0x25: {  	s28 =	simm.s32 $_size_execute0_lowered;
	s3 =	sadd.s32 s3, s5;
	[dreg:$0x0] =	wrdreg $0x0  }
0x26: {  	s5 =	sshll.u32 s28, $0x1;
	[dreg:$0x2] =	wrdreg s3  }
0x27: {  	[dreg:$0x3] =	wrdreg s5  }
0x28: {  	[dreg:$0x4] =	wrdreg $0xC0  }
0x29: {  	_ =	task [dreg:s7], $0x5FFFF  }
0x2a: {  	[dreg:$0x1] =	wrdreg $0xFFFFFFFF  }
0x2b: {  	[dreg:$0x0] =	wrdreg $0x60  }
0x2c: {  	[dreg:$0x2] =	wrdreg s25  }
0x2d: {  	[dreg:$0x3] =	wrdreg s17  }
0x2e: {  	[dreg:$0x4] =	wrdreg $0x9  }
0x2f: {  	_ =	task.clear_ibuf [dreg:s7], $0x5FFFF;
	_ =	strace $0x90000049  }
0x30: {  	s29 =	simm.s32 $0x9;
	_ =	strace $0x8000004B  }
0x31: {  	_ =	swait.ge [sflag:s29], $0x1  }
0x32: {  	[sflag:s29] =	ssyncadd.s32 $0xFFFFFFFF  }
0x33: {  	_ =	strace $0x9000004B  }
0x34: {  	_ =	sfence  }
0x35: {  	s30 =	sld [smem:$0x0];
	_ =	sdelay $0x2  }
0x36: {  	s31 =	sshll.u32 s1, $0xD;
	s1 =	sshrl.u32 s1, $0x2  }
0x37: {  	s3 =	sand.u32 $0x4000, s31;
	s1 =	sadd.s32 s1, s30  }
0x38: {  	s0 =	sor.u32 s3, s0;
	s1 =	sshll.u32 s1, $0x11  }
0x39: {  	s0 =	sor.u32 s1, s0  }
0x3a: {  	s0 =	sadd.s32 $0x8F2B, s0  }
0x3b: {  	[sflag:s0] =	ssyncadd.remote.s32 $0x1  }
0x3c: {  	_ =	sfence.sel $0xFFFF  }
0x3d: {  	[dreg:$0x0] =	wrdreg $0xFFFFFFFF;
	(pc) =	sbr.abs _section_cstart, $3  }
0x3e: {  	[dreg:$0x1] =	wrdreg $0xFFFFFFFF  }
0x3f: {  	_ =	task.clear_ibuf [dreg:s7], $0x2FFFF;
	_ =	strace $0x9FFFFFFF  }
0x40: {  	(tm) =	ssettm $0x7FFFFFFF  }
0x41: {  	_ =	shalt  }
tec
execute0_lowered:
.L_overlay_start_1:
0x0: {  	(tag) =	ssettag $0x1  }
0x1: {  	s0 =	stileid.u32;
	s4 =	rddreg [dreg:$0x0]  }
0x2: {  	s1 =	srdreg.scid;
	s3 =	rddreg [dreg:$0x1];
	s7 =	simm.s32 $0x1  }
0x3: {  	s31 =	simm.s32 $0x2;
	s2 =	sshll.u32 s0, $0x5;
	s1 =	sshll.u32 s1, $0x9  }
0x4: {  	s14 =	simm.s32 $0x0;
	s9 =	simm.s32 $0x10000;
	s1 =	sor.u32 s2, s1  }
0x5: {  	s15 =	simm.s32 $0x0;
	s16 =	simm.s32 $0x0;
	s2 =	sand.u32 $0x380, s1  }
0x6: {  	s10 =	simm.s32 $0x0;
	s13 =	simm.s32 $0x0;
	s5 =	ssub.s32 $0x2000, s2  }
0x7: {  	s4 =	sadd.s32 $0xA800, s4;
	s1 =	rddreg [dreg:$0x2];
	s6 =	sand.u32 $0x380, s5  }
.Ltmp0:
0x8: {  	_ =	strace $0x8000004A;
	p0 =	sne.s32 s6, $0x0;
	(pc) =	sbr.rel .LBB1_1-.Ltmp0, $4  }
0x9: {  	s11 =	smov.u32 s2;
	s8 =	sshrl.u32 s5, $0xA;
	s7 =	simm.s32 @!p0 $0x0  }
0xa: {  	s5 =	sand.u32 $0x3, s0;
	s6 =	simm.s32 $0x1;
	s7 =	sadd.s32 s7, s8  }
0xb: {  	s12 =	smov.u32 s5;
	[sflag:s6] =	ssyncpa.u1 $0x0;
	s7 =	sshll.u32 s7, $0x3  }
0xc: {  	p0 =	por $0x0, $0x0;
	[sflag:s31] =	ssyncpa.u1 $0x0;
	s8 =	sor.u32 $0x1, s7  }
.LBB1_4:
0xd: {  	s19 =	sshll.u32 s15, $0x3  }
0xe: {  	s20 =	sand.u32 $0x78, s15;
	s16 =	sshll.u32 s16, $0x13;
	s30 =	sand.u32 $0xFC00, s15  }
0xf: {  	s14 =	sshll.u32 s14, $0x10;
	s19 =	sand.u32 $0x1C00, s19;
	s16 =	sadd.s32 s3, s16  }
0x10: {  	[tilespmem:s18+$0x810 ss:$0x81] =	vst.msk $0xffff, v2;
	s31 =	sand.u32 $0x7, s15;
	s19 =	sor.u32 s20, s19;
	s16 =	sadd.s32 s30, s16  }
0x11: {  	[tilespmem:s18+$0x1020 ss:$0x81] =	vst.msk $0xffff, v0;
	s15 =	sshll.u32 s31, $0x12;
	s19 =	sshrl.u32 s19, $0x3;
	s14 =	sadd.s32 s14, s16  }
0x12: {  	[tilespmem:s18+$0x0 ss:$0x81] =	vst.msk $0xffff, v1;
	s15 =	sor.u32 $0x400, s15;
	s14 =	sadd.s32 s19, s14  }
0x13: {  	[hbm4b:s14+s15] =	stream.strided.scatter [tilespmem:s17], [sflag:$0x2], $0x2000, s9, s15, $0x20;
	[tilespmem:$0x8080] =	vst v63  }
.LBB1_5:
0x14: {  	s17 =	sadd.s32 $0x1, s10  }
0x15: {  	s14 =	sadd.s32 $0x400, s11;
	s18 =	smov.u32 s11;
	p2 =	sgt.s32 s17, $0x7  }
0x16: {  	s18 =	smov.u32 @p2 s14  }
0x17: {  	s20 =	smov.u32 s12;
	s14 =	sadd.s32 $0x4, s12;
	p3 =	sgt.s32 s18, $0x1FFF  }
0x18: {  	s20 =	smov.u32 @p3 s14  }
0x19: {  	s17 =	simm.s32 @p2 $0x0;
	p2 =	sgt.s32 s20, $0x3  }
0x1a: {  	p1 =	slt.u32 s13, $0x2;
	s20 =	smov.u32 @p2 s5;
	p2 =	sne.s32 s13, s8  }
.Ltmp1:
0x1b: {  	s19 =	simm.s32 @!p1 $0x2;
	(pc) =	sbr.rel @!p2 .LBB1_6-.Ltmp1, $4  }
0x1c: {  	s15 =	smov.u32 s11;
	s16 =	smov.u32 s12;
	_ =	swait.ge @!p1 [sflag:s19], $0x2000  }
0x1d: {  	p0 =	por !p0, !p0;
	[sflag:s19] =	ssyncset.done @!p1 $0x0;
	s18 =	smov.u32 @p3 s2  }
0x1e: {  	s14 =	smov.u32 s10;
	[sflag:s19] =	ssyncadd.s32 @!p1 $0xFFFFE000;
	s10 =	smov.u32 s17  }
0x1f: {  	s11 =	smov.u32 s18;
	s13 =	sadd.s32 $0x1, s13;
	s12 =	smov.u32 s20  }
.LBB1_1:
0x20: {  	p1 =	sge.u32 s13, s7;
	s31 =	sadd.s32 $0xFFFFFFFF, s13  }
0x21: {  	s17 =	sxor.u32 @!p1 $0xFFFFFFFF, s13;
	s18 =	sshll.u32 @!p1 s12, $0x14;
	s19 =	sshll.u32 @!p1 s11, $0x7  }
0x22: {  	s20 =	sshll.u32 @!p1 s10, $0x4;
	s17 =	sshll.u32 @!p1 s17, $0xD;
	s18 =	sadd.s32 @!p1 s4, s18  }
0x23: {  	s20 =	sand.u32 @!p1 $0x70, s20;
	s17 =	sand.u32 @!p1 $0x2000, s17;
	s18 =	sadd.s32 @!p1 s19, s18  }
0x24: {  	s19 =	simm.s32 @!p1 $0x40;
	s18 =	sadd.s32 @!p1 s20, s18;
	s20 =	simm.s32 @!p1 $0x400  }
0x25: {  	[tilespmem:s17], [sflag:$0x1] =	stream.strided.gather @!p1 [hbm4b:s18+s19], $0x2000, s20, s19, $0x38;
	[tilespmem:$0x8080] =	vst v63  }
0x26: {  	p1 =	sge.u32 s31, s7  }
.Ltmp2:
0x27: {  	_ = 	snop;
	(pc) =	sbr.rel @p1 .LBB1_5-.Ltmp2, $1  }
0x28: {  	_ =	sdelay $0x3  }
0x29: {  	s17 =	simm.s32 $0x1  }
0x2a: {  	_ =	swait.ge [sflag:s6], $0x2000;
	s17 =	simm.s32 @!p0 $0x0  }
0x2b: {  	[sflag:s6] =	ssyncset.done $0x0;
	s18 =	sshll.u32 s17, $0xD  }
0x2c: {  	[sflag:s6] =	ssyncadd.s32 $0xFFFFE000;
	s21 =	sor.u32 $0x20, s18  }
0x2d: {  	s17 =	smul.u32 $0x8100, s17;
	v3 =	vld [tilespmem:s21+$0x10]  }
0x2e: {  	s30 =	sand.u32 $0x1, s13;
	v2 =	vld [tilespmem:s21+$0xFFFFFFF0]  }
0x2f: {  	s18 =	smul.u32 $0x8100, s30;
	s17 =	sshrl.u32 s17, $0x2;
	v0 =	vld [tilespmem:s21+$0x0]  }
0x30: {  	v1 =	vld [tilespmem:s21+$0xFFFFFFE0];
	s19 =	sor.u32 $0x4000, s17  }
0x31: {  	s31 =	sshrl.u32 s18, $0x2;
	s18 =	sadd.s32 $0x0, s19  }
0x32: {  	s20 =	simm.s32 $0x4;
	s21 =	sadd.s32 $0x40, s21;
	s17 =	sor.u32 $0x4000, s31;
	[tilespmem:s18+$0x1830 ss:$0x81] =	vst.msk $0xffff, v3  }
.LBB1_3:
0x33: {  	v3 =	vld [tilespmem:s21+$0x10];
	p1 =	sne.s32 s20, $0x1FC;
	[tilespmem:s18+$0x810 ss:$0x81] =	vst.msk $0xffff, v2;
	s22 =	smov.u32 s20;
	s20 =	sadd.s32 $0x4, s20  }
.Ltmp3:
0x34: {  	v2 =	vld [tilespmem:s21+$0xFFFFFFF0];
	[tilespmem:s18+$0x1020 ss:$0x81] =	vst.msk $0xffff, v0;
	(pc) =	sbr.rel @p1 .LBB1_3-.Ltmp3, $4  }
0x35: {  	v0 =	vld [tilespmem:s21+$0x0];
	[tilespmem:s18+$0x0 ss:$0x81] =	vst.msk $0xffff, v1  }
0x36: {  	s18 =	sshra.s32 s22, $0x2;
	v1 =	vld [tilespmem:s21+$0xFFFFFFE0]  }
0x37: {  	s18 =	sadd.s32 s18, s19  }
0x38: {  	s21 =	sadd.s32 $0x40, s21;
	[tilespmem:s18+$0x1830 ss:$0x81] =	vst.msk $0xffff, v3  }
.Ltmp4:
0x39: {  	_ = 	snop;
	(pc) =	sbr.rel .LBB1_4-.Ltmp4, $1  }
0x3a: {  	_ =	sdelay $0x3  }
.LBB1_6:
0x3b: {  	_ =	sfence.sel $0x180000  }
0x3c: {  	s2 =	simm.s32 $0x1;
	[bflag:$0x0] =	sbarrier.arrive $0xFFFF  }
0x3d: {  	s31 =	simm.s32 $0x2;
	[sflag:s2] =	ssyncpa.u1 $0x1  }
0x3e: {  	[sflag:s31] =	ssyncpa.u1 $0x1  }
0x3f: {  	p0 =	sne.s32 s0, $0x0;
	_ =	strace $0x9000004A  }
0x40: {  	s0 =	sadd.s32 @!p0 $0x100000, s1;
	[bflag:$0x2] =	sbarrier.arrive $0xFFFF  }
0x41: {  	[sflag:s0] =	ssyncadd.tile.s32 @!p0 $0x1;
	_ =	shalt  }
.Lfunc_end1:
_tile_overlayer_lowered:
.L_overlay_start_2:
0x42: {  	(tag) =	ssettag $0x2  }
0x43: {  	s0 =	rddreg [dreg:$0x0];
	s2 =	stileid.u32  }
0x44: {  	s1 =	rddreg [dreg:$0x1];
	p0 =	sne.s32 s2, $0x0  }
0x45: {  	s3 =	rddreg [dreg:$0x2];
	[bflag:$0x3] =	sbarrier.arrive $0xFFFF;
	s2 =	simm.s32 @!p0 $0x1C01  }
0x46: {  	[timem:s3], [sflag:s2] =	dma.local @!p0 [hbm:s0], s1  }
0x47: {  	s0 =	simm.s32 @!p0 $0x1  }
0x48: {  	_ =	swait.ge @!p0 [sflag:s0], s1  }
0x49: {  	s1 =	ssub.s32 @!p0 $0x0, s1;
	[sflag:s0] =	ssyncset.done @!p0 $0x0  }
0x4a: {  	[sflag:s0] =	ssyncadd.s32 @!p0 s1  }
0x4b: {  	[bflag:$0x3] =	sbarrier.arrive $0xFFFF  }
0x4c: {  	_ =	shalt  }

</sc_bundles>
